<compile_context>
chip_gen: v7x
topology: tpu7x:2x2x1
jax: 0.10.2.dev20260603
libtpu: 0.0.44.dev20260713+nightly
codegen_flags: <defaults>
</compile_context>

<pallas_src>
import functools

import jax
import jax.numpy as jnp
from jax import lax
from jax.experimental import pallas as pl
from jax.experimental.pallas import tpu as pltpu
from jax.experimental.pallas import tpu_sc as plsc

N_ROWS = 100000
D = 128
BATCH = 4096
WALK = 9
NEG = 5
WIN = 5

_NC = 2
_NS = 16
_NW = _NC * _NS
_BPW = BATCH // _NW

_SEARCH_STEPS = 17

_WSIZE = [min(WALK, i + WIN) - max(0, i - WIN) for i in range(WALK)]
_PAIR_COUNT = {}
for _i in range(WALK):
    for _j in range(max(0, _i - WIN), min(WALK, _i + WIN)):
        _key = (min(_i, _j), max(_i, _j))
        _PAIR_COUNT[_key] = _PAIR_COUNT.get(_key, 0) + 1
_PAIRS = sorted((i, j, m) for (i, j), m in _PAIR_COUNT.items())
assert sum(m for _, _, m in _PAIRS) == sum(_WSIZE) == 65


def _sc_sample_and_gather(pathT, u, cdf, emb):
    mesh = plsc.VectorSubcoreMesh(core_axis_name="c", subcore_axis_name="s")

    @functools.partial(
        pl.kernel,
        mesh=mesh,
        compiler_params=pltpu.CompilerParams(needs_layout_passes=False),
        out_type=(
            jax.ShapeDtypeStruct((WALK, BATCH, D), jnp.float32),
            jax.ShapeDtypeStruct((NEG, BATCH, D), jnp.float32),
        ),
        scratch_types=[
            pltpu.VMEM((WALK, _BPW), jnp.int32),
            pltpu.VMEM((NEG * _BPW,), jnp.float32),
            pltpu.VMEM((NEG * _BPW,), jnp.int32),
            pltpu.SemaphoreType.DMA,
            pltpu.SemaphoreType.DMA,
            pltpu.SemaphoreType.DMA,
            pltpu.SemaphoreType.DMA,
            pltpu.SemaphoreType.DMA,
            pltpu.SemaphoreType.DMA,
        ],
    )
    def k(pathT_hbm, u_hbm, cdf_hbm, emb_hbm, outP_hbm, outN_hbm,
          path_v, u_v, nidx_v, gsem0, gsem1, gsem2, osem0, osem1, osem2):
        wid = lax.axis_index("s") * _NC + lax.axis_index("c")
        b0 = wid * _BPW
        pltpu.sync_copy(pathT_hbm.at[:, pl.ds(b0, _BPW)], path_v)
        pltpu.sync_copy(u_hbm.at[wid], u_v)

        def phase1(cdf_v):
            pltpu.sync_copy(cdf_hbm, cdf_v)

            gint = 8

            def group(g, _):
                base = g * (16 * gint)
                uus = tuple(u_v[pl.ds(base + 16 * t, 16)]
                            for t in range(gint))

                def step(_, carry):
                    los, his = carry
                    nlo, nhi = [], []
                    for t in range(gint):
                        mid = (los[t] + his[t]) // 2
                        c = plsc.load_gather(cdf_v, [mid])
                        pred = c < uus[t]
                        nlo.append(jnp.where(pred, mid + 1, los[t]))
                        nhi.append(jnp.where(pred, his[t], mid))
                    return tuple(nlo), tuple(nhi)

                lo0 = tuple(jnp.zeros((16,), jnp.int32) for _ in range(gint))
                hi0 = tuple(jnp.full((16,), N_ROWS, jnp.int32)
                            for _ in range(gint))
                los, _his = lax.fori_loop(0, _SEARCH_STEPS, step, (lo0, hi0))
                for t in range(gint):
                    nidx_v[pl.ds(base + 16 * t, 16)] = (
                        jnp.minimum(los[t], N_ROWS - 1))
                return 0

            lax.fori_loop(0, NEG * _BPW // (16 * gint), group, 0)

        pl.run_scoped(phase1, pltpu.VMEM((N_ROWS,), jnp.float32))

        rounds = (
            [(path_v.at[l], outP_hbm.at[l, pl.ds(b0, _BPW), :])
             for l in range(WALK)]
            + [(nidx_v.at[pl.ds(kk * _BPW, _BPW)],
                outN_hbm.at[kk, pl.ds(b0, _BPW), :])
               for kk in range(NEG)]
        )
        nr = len(rounds)
        gsems = (gsem0, gsem1, gsem2)

        def phase2(rows_a, rows_b, rows_c):
            bufs = (rows_a, rows_b, rows_c)
            nb = len(bufs)
            osems = (osem0, osem1, osem2)
            gh = [None] * nr
            oh = [None] * nr
            waited = [False] * nr

            def sg(r):
                gh[r] = pltpu.async_copy(emb_hbm.at[rounds[r][0]],
                                         bufs[r % nb], gsems[r % nb])

            for r in range(min(nb - 1, nr)):
                sg(r)
            for r in range(nr):
                nxt = r + nb - 1
                if nxt < nr:
                    if r >= 1:
                        oh[r - 1].wait()
                        waited[r - 1] = True
                    sg(nxt)
                gh[r].wait()
                oh[r] = pltpu.async_copy(bufs[r % nb], rounds[r][1],
                                         osems[r % nb])
            for r in range(nr):
                if oh[r] is not None and not waited[r]:
                    oh[r].wait()

        pl.run_scoped(phase2,
                      pltpu.VMEM((_BPW, D), jnp.float32),
                      pltpu.VMEM((_BPW, D), jnp.float32),
                      pltpu.VMEM((_BPW, D), jnp.float32))

    return k(pathT, u, cdf, emb)


_CHUNK = 256


def _tc_reduce(Pg, Ng):

    def body(p_ref, n_ref, o_ref):
        step = pl.program_id(0)
        nsteps = pl.num_programs(0)

        @pl.when(step == 0)
        def _init():
            o_ref[...] = jnp.zeros((1, _CHUNK), jnp.float32)

        Pt = [jnp.transpose(p_ref[i]) for i in range(WALK)]
        Nt = [jnp.transpose(n_ref[kk]) for kk in range(NEG)]

        def logsig(x):
            return jnp.log(1.0 / (1.0 + jnp.exp(-x)))

        accv = jnp.zeros((_CHUNK,), jnp.float32)
        for i, j, mult in _PAIRS:
            dot = jnp.sum(Pt[i] * Pt[j], axis=0)
            accv += jnp.float32(mult) * logsig(dot)
        for i in range(WALK):
            for kk in range(NEG):
                dot = jnp.sum(Pt[i] * Nt[kk], axis=0)
                accv += jnp.float32(_WSIZE[i]) * logsig(-dot)
        o_ref[...] += accv[None, :] * jnp.float32(-1.0 / BATCH)

        @pl.when(step == nsteps - 1)
        def _final():
            o_ref[...] = jnp.broadcast_to(jnp.sum(o_ref[...]), (1, _CHUNK))

    return pl.pallas_call(
        body,
        grid=(BATCH // _CHUNK,),
        in_specs=[
            pl.BlockSpec((WALK, _CHUNK, D), lambda b: (0, b, 0)),
            pl.BlockSpec((NEG, _CHUNK, D), lambda b: (0, b, 0)),
        ],
        out_specs=pl.BlockSpec((1, _CHUNK), lambda b: (0, 0)),
        out_shape=jax.ShapeDtypeStruct((1, _CHUNK), jnp.float32),
    )(Pg, Ng)


def kernel(path, embedding_weight, prob):
    cdf = jnp.cumsum(prob)
    u = jax.random.uniform(jax.random.key(42), (_NW, NEG * _BPW),
                           dtype=jnp.float32, minval=0.0, maxval=cdf[-1])
    pathT = path.T
    Pg, Ng = _sc_sample_and_gather(pathT, u, cdf, embedding_weight)
    out = _tc_reduce(Pg, Ng)
    return out[0, 0]

# --- scband reference (transcript-rebuilt; emitter-appended) ---
"""Pipeline reference for scband-metapath2vec-31129922962024 (READ-ONLY COPY).

The authoritative reference and input builder live on the scoring server;
editing this copy changes nothing except your own understanding.
"""

import jax, jax.numpy as jnp
import numpy as np

N_TOTAL = 100000
D = 128
B = 4096
L = 9
K = 5


def _multinomial(key, cdf, shape):
    # torch.Tensor.multinomial(num_samples=k, replacement) equivalent via inverse-CDF
    u = jax.random.uniform(key, shape, dtype=jnp.float32, minval=0.0, maxval=cdf[-1])
    return jnp.clip(jnp.searchsorted(cdf, u), 0, N_TOTAL - 1)


def setup_inputs(seed: int = 0) -> dict:
    key = jax.random.key(seed)
    k1, k2, k3 = jax.random.split(key, 3)
    path = jax.random.randint(k1, (B, L), 0, N_TOTAL, dtype=jnp.int64 if jax.config.jax_enable_x64 else jnp.int32).astype(jnp.int32)
    embedding_weight = jax.random.normal(k2, (N_TOTAL, D), dtype=jnp.float32) * 0.1
    prob = jax.random.uniform(k3, (N_TOTAL,), dtype=jnp.float32) + 1e-3
    prob = prob / prob.sum()
    return {"path": path, "embedding_weight": embedding_weight, "prob": prob}


def reference(path, embedding_weight, prob):
    # Faithful skipgram objective of metapath2vec over a batch of walks.
    # For each center position i and context j in window [i-k, i+k):
    #   pos = log sigmoid(<e_i, e_j>)
    #   neg = sum_k log sigmoid(-<e_neg, e_i>) with negatives ~ multinomial(prob, k)
    #   O_x = -(pos.mean() + neg.mean())
    cdf = jnp.cumsum(prob)
    path_emb = jnp.take(embedding_weight, path, axis=0)  # [B, L, D] gather
    skey = jax.random.key(42)
    losses = []
    for i in range(L):
        lbd = max(0, i - K)
        rbd = min(L, i + K)
        e_i = path_emb[:, i, :]  # [B, D]
        for j in range(lbd, rbd):
            e_j = path_emb[:, j, :]
            pos = jnp.log(jax.nn.sigmoid(jnp.sum(e_i * e_j, axis=1)))  # [B]
            neg_idx = _multinomial(jax.random.fold_in(skey, i * L + j), cdf, (B, K))
            neg_emb = jnp.take(embedding_weight, neg_idx, axis=0)  # [B, K, D] gather
            neg = jnp.sum(jnp.log(jax.nn.sigmoid(-jnp.sum(neg_emb * e_i[:, None, :], axis=2))), axis=1)  # [B]
            losses.append(-(pos.mean() + neg.mean()))
    return jnp.stack(losses).sum()

if __name__ == "__main__":
    import jax
    _d = setup_inputs()
    print(jax.jit(kernel)(*tuple(_d.values())))

</pallas_src>

<mosaic_0001>
#map = affine_map<(d0, d1) -> (0, 0)>
#map1 = affine_map<(d0, d1) -> (0)>
#map2 = affine_map<(d0, d1) -> (0, 0, 0)>
module attributes {stable_mosaic.version = 14 : i64} {
  func.func @k(%arg0: i32, %arg1: i32, %arg2: memref<9x4096xi32, #tpu.memory_space<hbm>>, %arg3: memref<32x640xf32, #tpu.memory_space<hbm>>, %arg4: memref<100000xf32, #tpu.memory_space<hbm>>, %arg5: memref<100000x128xf32, #tpu.memory_space<hbm>>, %arg6: memref<9x4096x128xf32, #tpu.memory_space<hbm>>, %arg7: memref<5x4096x128xf32, #tpu.memory_space<hbm>>, %arg8: memref<9x128xi32, #tpu.memory_space<vmem>>, %arg9: memref<640xf32, #tpu.memory_space<vmem>>, %arg10: memref<640xi32, #tpu.memory_space<vmem>>, %arg11: memref<!tpu.dma_semaphore, #tpu.memory_space<semaphore_mem>>, %arg12: memref<!tpu.dma_semaphore, #tpu.memory_space<semaphore_mem>>, %arg13: memref<!tpu.dma_semaphore, #tpu.memory_space<semaphore_mem>>, %arg14: memref<!tpu.dma_semaphore, #tpu.memory_space<semaphore_mem>>, %arg15: memref<!tpu.dma_semaphore, #tpu.memory_space<semaphore_mem>>, %arg16: memref<!tpu.dma_semaphore, #tpu.memory_space<semaphore_mem>>) attributes {dimension_semantics = [#tpu.dimension_semantics<core_parallel>, #tpu.dimension_semantics<subcore_parallel>], iteration_bounds = array<i64: 2, 16>, scalar_prefetch = 0 : i64, scratch_operands = 9 : i64, tpu.core_type = #tpu.core_type<sc_vector_subcore>, window_params = [{transform_indices = #map}, {transform_indices = #map}, {transform_indices = #map1}, {transform_indices = #map}, {transform_indices = #map2}, {transform_indices = #map2}]} {
    %mul3A = arith.constant 2 : i32
    %mul3A_0 = arith.muli %arg1, %mul3A : i32
    %add3A = arith.addi %mul3A_0, %arg0 : i32
    %mul3A_1 = arith.constant 128 : i32
    %mul3A_2 = arith.muli %add3A, %mul3A_1 : i32
    "tpu.region"() ({
      %run_scoped3A_25 = tpu.sem_alloc : memref<!tpu.dma_semaphore, #tpu.memory_space<semaphore_mem>>
      %dma_start3A = arith.constant 0 : i32
      %dma_start3A_26 = tpu.memref_slice %arg2[%dma_start3A, %mul3A_2] : memref<9x4096xi32, #tpu.memory_space<hbm>> -> memref<9x128xi32, #tpu.memory_space<hbm>>
      %dma_start3A_27 = arith.constant 0 : i32
      %dma_start3A_28 = tpu.memref_slice %arg2[%dma_start3A_27, %mul3A_2] : memref<9x4096xi32, #tpu.memory_space<hbm>> -> memref<9x128xi32, #tpu.memory_space<hbm>>
      tpu.enqueue_dma source(%dma_start3A_28 : memref<9x128xi32, #tpu.memory_space<hbm>>) target(%arg8 : memref<9x128xi32, #tpu.memory_space<vmem>>) target_semaphore(%run_scoped3A_25 : memref<!tpu.dma_semaphore, #tpu.memory_space<semaphore_mem>>)
      %dma_wait3A = arith.constant 0 : i32
      %dma_wait3A_29 = tpu.memref_slice %arg2[%dma_wait3A, %mul3A_2] : memref<9x4096xi32, #tpu.memory_space<hbm>> -> memref<9x128xi32, #tpu.memory_space<hbm>>
      %dma_wait3A_30 = arith.constant 0 : i32
      %dma_wait3A_31 = tpu.memref_slice %arg2[%dma_wait3A_30, %mul3A_2] : memref<9x4096xi32, #tpu.memory_space<hbm>> -> memref<9x128xi32, #tpu.memory_space<hbm>>
      tpu.wait_dma2 semaphore(%run_scoped3A_25 : memref<!tpu.dma_semaphore, #tpu.memory_space<semaphore_mem>>) src(%dma_wait3A_31 : memref<9x128xi32, #tpu.memory_space<hbm>>) dst(%arg8 : memref<9x128xi32, #tpu.memory_space<vmem>>)
      tpu.yield
    }) : () -> ()
    "tpu.region"() ({
      %run_scoped3A_25 = tpu.sem_alloc : memref<!tpu.dma_semaphore, #tpu.memory_space<semaphore_mem>>
      %dma_start3A = arith.constant 0 : i32
      %dma_start3A_26 = tpu.memref_slice %arg3[%add3A, %dma_start3A] : memref<32x640xf32, #tpu.memory_space<hbm>> -> memref<1x640xf32, #tpu.memory_space<hbm>>
      %dma_start3A_27 = tpu.memref_squeeze %dma_start3A_26 : memref<1x640xf32, #tpu.memory_space<hbm>> -> memref<640xf32, #tpu.memory_space<hbm>>
      %dma_start3A_28 = arith.constant 0 : i32
      %dma_start3A_29 = tpu.memref_slice %arg3[%add3A, %dma_start3A_28] : memref<32x640xf32, #tpu.memory_space<hbm>> -> memref<1x640xf32, #tpu.memory_space<hbm>>
      %dma_start3A_30 = tpu.memref_squeeze %dma_start3A_29 : memref<1x640xf32, #tpu.memory_space<hbm>> -> memref<640xf32, #tpu.memory_space<hbm>>
      tpu.enqueue_dma source(%dma_start3A_30 : memref<640xf32, #tpu.memory_space<hbm>>) target(%arg9 : memref<640xf32, #tpu.memory_space<vmem>>) target_semaphore(%run_scoped3A_25 : memref<!tpu.dma_semaphore, #tpu.memory_space<semaphore_mem>>)
      %dma_wait3A = arith.constant 0 : i32
      %dma_wait3A_31 = tpu.memref_slice %arg3[%add3A, %dma_wait3A] : memref<32x640xf32, #tpu.memory_space<hbm>> -> memref<1x640xf32, #tpu.memory_space<hbm>>
      %dma_wait3A_32 = tpu.memref_squeeze %dma_wait3A_31 : memref<1x640xf32, #tpu.memory_space<hbm>> -> memref<640xf32, #tpu.memory_space<hbm>>
      %dma_wait3A_33 = arith.constant 0 : i32
      %dma_wait3A_34 = tpu.memref_slice %arg3[%add3A, %dma_wait3A_33] : memref<32x640xf32, #tpu.memory_space<hbm>> -> memref<1x640xf32, #tpu.memory_space<hbm>>
      %dma_wait3A_35 = tpu.memref_squeeze %dma_wait3A_34 : memref<1x640xf32, #tpu.memory_space<hbm>> -> memref<640xf32, #tpu.memory_space<hbm>>
      tpu.wait_dma2 semaphore(%run_scoped3A_25 : memref<!tpu.dma_semaphore, #tpu.memory_space<semaphore_mem>>) src(%dma_wait3A_35 : memref<640xf32, #tpu.memory_space<hbm>>) dst(%arg9 : memref<640xf32, #tpu.memory_space<vmem>>)
      tpu.yield
    }) : () -> ()
    "tpu.region"() ({
      %run_scoped3A_25 = memref.alloca() : memref<100000xf32, #tpu.memory_space<vmem>>
      "tpu.region"() ({
        %run_scoped3A_32 = tpu.sem_alloc : memref<!tpu.dma_semaphore, #tpu.memory_space<semaphore_mem>>
        tpu.enqueue_dma source(%arg4 : memref<100000xf32, #tpu.memory_space<hbm>>) target(%run_scoped3A_25 : memref<100000xf32, #tpu.memory_space<vmem>>) target_semaphore(%run_scoped3A_32 : memref<!tpu.dma_semaphore, #tpu.memory_space<semaphore_mem>>)
        tpu.wait_dma2 semaphore(%run_scoped3A_32 : memref<!tpu.dma_semaphore, #tpu.memory_space<semaphore_mem>>) src(%arg4 : memref<100000xf32, #tpu.memory_space<hbm>>) dst(%run_scoped3A_25 : memref<100000xf32, #tpu.memory_space<vmem>>)
        tpu.yield
      }) : () -> ()
      %scan3A = arith.constant 0 : i32
      %scan3A_26 = arith.constant 0 : i32
      %scan3A_27 = arith.constant 5 : i32
      %scan3A_28 = arith.addi %scan3A_26, %scan3A_27 : i32
      %scan3A_29 = arith.constant 1 : i32
      %scan3A_30 = scf.for %scan3A_32 = %scan3A_26 to %scan3A_28 step %scan3A_29 iter_args(%scan3A_33 = %scan3A) -> (i32)  : i32 {
        %mul3A_34 = arith.constant 128 : i32
        %mul3A_35 = arith.muli %scan3A_32, %mul3A_34 : i32
        %add3A_36 = arith.constant 0 : i32
        %add3A_37 = arith.addi %mul3A_35, %add3A_36 : i32
        %get3A = arith.index_cast %add3A_37 : i32 to index
        %get3A_38 = tpu.vector_load %arg9[%get3A] {strides = array<i32>} : memref<640xf32, #tpu.memory_space<vmem>>, vector<16xf32>,
        %add3A_39 = arith.constant 16 : i32
        %add3A_40 = arith.addi %mul3A_35, %add3A_39 : i32
        %get3A_41 = arith.index_cast %add3A_40 : i32 to index
        %get3A_42 = tpu.vector_load %arg9[%get3A_41] {strides = array<i32>} : memref<640xf32, #tpu.memory_space<vmem>>, vector<16xf32>,
        %add3A_43 = arith.constant 32 : i32
        %add3A_44 = arith.addi %mul3A_35, %add3A_43 : i32
        %get3A_45 = arith.index_cast %add3A_44 : i32 to index
        %get3A_46 = tpu.vector_load %arg9[%get3A_45] {strides = array<i32>} : memref<640xf32, #tpu.memory_space<vmem>>, vector<16xf32>,
        %add3A_47 = arith.constant 48 : i32
        %add3A_48 = arith.addi %mul3A_35, %add3A_47 : i32
        %get3A_49 = arith.index_cast %add3A_48 : i32 to index
        %get3A_50 = tpu.vector_load %arg9[%get3A_49] {strides = array<i32>} : memref<640xf32, #tpu.memory_space<vmem>>, vector<16xf32>,
        %add3A_51 = arith.constant 64 : i32
        %add3A_52 = arith.addi %mul3A_35, %add3A_51 : i32
        %get3A_53 = arith.index_cast %add3A_52 : i32 to index
        %get3A_54 = tpu.vector_load %arg9[%get3A_53] {strides = array<i32>} : memref<640xf32, #tpu.memory_space<vmem>>, vector<16xf32>,
        %add3A_55 = arith.constant 80 : i32
        %add3A_56 = arith.addi %mul3A_35, %add3A_55 : i32
        %get3A_57 = arith.index_cast %add3A_56 : i32 to index
        %get3A_58 = tpu.vector_load %arg9[%get3A_57] {strides = array<i32>} : memref<640xf32, #tpu.memory_space<vmem>>, vector<16xf32>,
        %add3A_59 = arith.constant 96 : i32
        %add3A_60 = arith.addi %mul3A_35, %add3A_59 : i32
        %get3A_61 = arith.index_cast %add3A_60 : i32 to index
        %get3A_62 = tpu.vector_load %arg9[%get3A_61] {strides = array<i32>} : memref<640xf32, #tpu.memory_space<vmem>>, vector<16xf32>,
        %add3A_63 = arith.constant 112 : i32
        %add3A_64 = arith.addi %mul3A_35, %add3A_63 : i32
        %get3A_65 = arith.index_cast %add3A_64 : i32 to index
        %get3A_66 = tpu.vector_load %arg9[%get3A_65] {strides = array<i32>} : memref<640xf32, #tpu.memory_space<vmem>>, vector<16xf32>,
        %broadcast_in_dim3A = arith.constant 0 : i32
        %broadcast_in_dim3A_67 = vector.broadcast %broadcast_in_dim3A : i32 to vector<16xi32>
        %broadcast_in_dim3A_68 = arith.constant 0 : i32
        %broadcast_in_dim3A_69 = vector.broadcast %broadcast_in_dim3A_68 : i32 to vector<16xi32>
        %broadcast_in_dim3A_70 = arith.constant 0 : i32
        %broadcast_in_dim3A_71 = vector.broadcast %broadcast_in_dim3A_70 : i32 to vector<16xi32>
        %broadcast_in_dim3A_72 = arith.constant 0 : i32
        %broadcast_in_dim3A_73 = vector.broadcast %broadcast_in_dim3A_72 : i32 to vector<16xi32>
        %broadcast_in_dim3A_74 = arith.constant 0 : i32
        %broadcast_in_dim3A_75 = vector.broadcast %broadcast_in_dim3A_74 : i32 to vector<16xi32>
        %broadcast_in_dim3A_76 = arith.constant 0 : i32
        %broadcast_in_dim3A_77 = vector.broadcast %broadcast_in_dim3A_76 : i32 to vector<16xi32>
        %broadcast_in_dim3A_78 = arith.constant 0 : i32
        %broadcast_in_dim3A_79 = vector.broadcast %broadcast_in_dim3A_78 : i32 to vector<16xi32>
        %broadcast_in_dim3A_80 = arith.constant 0 : i32
        %broadcast_in_dim3A_81 = vector.broadcast %broadcast_in_dim3A_80 : i32 to vector<16xi32>
        %broadcast_in_dim3A_82 = arith.constant 100000 : i32
        %broadcast_in_dim3A_83 = vector.broadcast %broadcast_in_dim3A_82 : i32 to vector<16xi32>
        %broadcast_in_dim3A_84 = arith.constant 100000 : i32
        %broadcast_in_dim3A_85 = vector.broadcast %broadcast_in_dim3A_84 : i32 to vector<16xi32>
        %broadcast_in_dim3A_86 = arith.constant 100000 : i32
        %broadcast_in_dim3A_87 = vector.broadcast %broadcast_in_dim3A_86 : i32 to vector<16xi32>
        %broadcast_in_dim3A_88 = arith.constant 100000 : i32
        %broadcast_in_dim3A_89 = vector.broadcast %broadcast_in_dim3A_88 : i32 to vector<16xi32>
        %broadcast_in_dim3A_90 = arith.constant 100000 : i32
        %broadcast_in_dim3A_91 = vector.broadcast %broadcast_in_dim3A_90 : i32 to vector<16xi32>
        %broadcast_in_dim3A_92 = arith.constant 100000 : i32
        %broadcast_in_dim3A_93 = vector.broadcast %broadcast_in_dim3A_92 : i32 to vector<16xi32>
        %broadcast_in_dim3A_94 = arith.constant 100000 : i32
        %broadcast_in_dim3A_95 = vector.broadcast %broadcast_in_dim3A_94 : i32 to vector<16xi32>
        %broadcast_in_dim3A_96 = arith.constant 100000 : i32
        %broadcast_in_dim3A_97 = vector.broadcast %broadcast_in_dim3A_96 : i32 to vector<16xi32>
        %scan3A_98 = arith.constant 0 : i32
        %scan3A_99 = arith.constant 17 : i32
        %scan3A_100 = arith.addi %scan3A_98, %scan3A_99 : i32
        %scan3A_101 = arith.constant 1 : i32
        %scan3A_102:16 = scf.for %scan3A_159 = %scan3A_98 to %scan3A_100 step %scan3A_101 iter_args(%scan3A_160 = %broadcast_in_dim3A_67, %scan3A_161 = %broadcast_in_dim3A_69, %scan3A_162 = %broadcast_in_dim3A_71, %scan3A_163 = %broadcast_in_dim3A_73, %scan3A_164 = %broadcast_in_dim3A_75, %scan3A_165 = %broadcast_in_dim3A_77, %scan3A_166 = %broadcast_in_dim3A_79, %scan3A_167 = %broadcast_in_dim3A_81, %scan3A_168 = %broadcast_in_dim3A_83, %scan3A_169 = %broadcast_in_dim3A_85, %scan3A_170 = %broadcast_in_dim3A_87, %scan3A_171 = %broadcast_in_dim3A_89, %scan3A_172 = %broadcast_in_dim3A_91, %scan3A_173 = %broadcast_in_dim3A_93, %scan3A_174 = %broadcast_in_dim3A_95, %scan3A_175 = %broadcast_in_dim3A_97) -> (vector<16xi32>, vector<16xi32>, vector<16xi32>, vector<16xi32>, vector<16xi32>, vector<16xi32>, vector<16xi32>, vector<16xi32>, vector<16xi32>, vector<16xi32>, vector<16xi32>, vector<16xi32>, vector<16xi32>, vector<16xi32>, vector<16xi32>, vector<16xi32>)  : i32 {
          %add3A_176 = arith.addi %scan3A_160, %scan3A_168 : vector<16xi32>
          %jit3A = arith.constant 2 : i32
          %div3A = vector.broadcast %jit3A : i32 to vector<16xi32>
          %div3A_177 = arith.divsi %add3A_176, %div3A : vector<16xi32>
          %sign3A = arith.constant 0 : i32
          %sign3A_178 = vector.broadcast %sign3A : i32 to vector<16xi32>
          %sign3A_179 = arith.cmpi sgt, %add3A_176, %sign3A_178 : vector<16xi32>
          %sign3A_180 = arith.extui %sign3A_179 : vector<16xi1> to vector<16xi32>
          %sign3A_181 = arith.constant 0 : i32
          %sign3A_182 = vector.broadcast %sign3A_181 : i32 to vector<16xi32>
          %sign3A_183 = arith.cmpi slt, %add3A_176, %sign3A_182 : vector<16xi32>
          %sign3A_184 = arith.extui %sign3A_183 : vector<16xi1> to vector<16xi32>
          %sign3A_185 = arith.subi %sign3A_180, %sign3A_184 : vector<16xi32>
          %sign3A_186 = arith.constant 0 : i32
          %sign3A_187 = arith.cmpi sgt, %jit3A, %sign3A_186 : i32
          %sign3A_188 = arith.extui %sign3A_187 : i1 to i32
          %sign3A_189 = arith.constant 0 : i32
          %sign3A_190 = arith.cmpi slt, %jit3A, %sign3A_189 : i32
          %sign3A_191 = arith.extui %sign3A_190 : i1 to i32
          %sign3A_192 = arith.subi %sign3A_188, %sign3A_191 : i32
          %ne3A = vector.broadcast %sign3A_192 : i32 to vector<16xi32>
          %ne3A_193 = arith.cmpi ne, %sign3A_185, %ne3A : vector<16xi32>
          %rem3A = vector.broadcast %jit3A : i32 to vector<16xi32>
          %rem3A_194 = arith.remsi %add3A_176, %rem3A : vector<16xi32>
          %ne3A_195 = arith.constant 0 : i32
          %ne3A_196 = vector.broadcast %ne3A_195 : i32 to vector<16xi32>
          %ne3A_197 = arith.cmpi ne, %rem3A_194, %ne3A_196 : vector<16xi32>
          %and3A = arith.andi %ne3A_193, %ne3A_197 : vector<16xi1>
          %sub3A = arith.constant 1 : i32
          %sub3A_198 = vector.broadcast %sub3A : i32 to vector<16xi32>
          %sub3A_199 = arith.subi %div3A_177, %sub3A_198 : vector<16xi32>
          %select_n3A = arith.select %and3A, %sub3A_199, %div3A_177 : vector<16xi1>, vector<16xi32>
          %gather3A = tpu.vector_load_idx %run_scoped3A_25[%select_n3A] : memref<100000xf32, #tpu.memory_space<vmem>>[vector<16xi32>], vector<16xf32>,
          %lt3A = arith.cmpf olt, %gather3A, %get3A_38 : vector<16xf32>
          %add3A_200 = arith.constant 1 : i32
          %add3A_201 = vector.broadcast %add3A_200 : i32 to vector<16xi32>
          %add3A_202 = arith.addi %select_n3A, %add3A_201 : vector<16xi32>
          %select_n3A_203 = arith.select %lt3A, %add3A_202, %scan3A_160 : vector<16xi1>, vector<16xi32>
          %select_n3A_204 = arith.select %lt3A, %scan3A_168, %select_n3A : vector<16xi1>, vector<16xi32>
          %add3A_205 = arith.addi %scan3A_161, %scan3A_169 : vector<16xi32>
          %jit3A_206 = arith.constant 2 : i32
          %div3A_207 = vector.broadcast %jit3A_206 : i32 to vector<16xi32>
          %div3A_208 = arith.divsi %add3A_205, %div3A_207 : vector<16xi32>
          %sign3A_209 = arith.constant 0 : i32
          %sign3A_210 = vector.broadcast %sign3A_209 : i32 to vector<16xi32>
          %sign3A_211 = arith.cmpi sgt, %add3A_205, %sign3A_210 : vector<16xi32>
          %sign3A_212 = arith.extui %sign3A_211 : vector<16xi1> to vector<16xi32>
          %sign3A_213 = arith.constant 0 : i32
          %sign3A_214 = vector.broadcast %sign3A_213 : i32 to vector<16xi32>
          %sign3A_215 = arith.cmpi slt, %add3A_205, %sign3A_214 : vector<16xi32>
          %sign3A_216 = arith.extui %sign3A_215 : vector<16xi1> to vector<16xi32>
          %sign3A_217 = arith.subi %sign3A_212, %sign3A_216 : vector<16xi32>
          %sign3A_218 = arith.constant 0 : i32
          %sign3A_219 = arith.cmpi sgt, %jit3A_206, %sign3A_218 : i32
          %sign3A_220 = arith.extui %sign3A_219 : i1 to i32
          %sign3A_221 = arith.constant 0 : i32
          %sign3A_222 = arith.cmpi slt, %jit3A_206, %sign3A_221 : i32
          %sign3A_223 = arith.extui %sign3A_222 : i1 to i32
          %sign3A_224 = arith.subi %sign3A_220, %sign3A_223 : i32
          %ne3A_225 = vector.broadcast %sign3A_224 : i32 to vector<16xi32>
          %ne3A_226 = arith.cmpi ne, %sign3A_217, %ne3A_225 : vector<16xi32>
          %rem3A_227 = vector.broadcast %jit3A_206 : i32 to vector<16xi32>
          %rem3A_228 = arith.remsi %add3A_205, %rem3A_227 : vector<16xi32>
          %ne3A_229 = arith.constant 0 : i32
          %ne3A_230 = vector.broadcast %ne3A_229 : i32 to vector<16xi32>
          %ne3A_231 = arith.cmpi ne, %rem3A_228, %ne3A_230 : vector<16xi32>
          %and3A_232 = arith.andi %ne3A_226, %ne3A_231 : vector<16xi1>
          %sub3A_233 = arith.constant 1 : i32
          %sub3A_234 = vector.broadcast %sub3A_233 : i32 to vector<16xi32>
          %sub3A_235 = arith.subi %div3A_208, %sub3A_234 : vector<16xi32>
          %select_n3A_236 = arith.select %and3A_232, %sub3A_235, %div3A_208 : vector<16xi1>, vector<16xi32>
          %gather3A_237 = tpu.vector_load_idx %run_scoped3A_25[%select_n3A_236] : memref<100000xf32, #tpu.memory_space<vmem>>[vector<16xi32>], vector<16xf32>,
          %lt3A_238 = arith.cmpf olt, %gather3A_237, %get3A_42 : vector<16xf32>
          %add3A_239 = arith.constant 1 : i32
          %add3A_240 = vector.broadcast %add3A_239 : i32 to vector<16xi32>
          %add3A_241 = arith.addi %select_n3A_236, %add3A_240 : vector<16xi32>
          %select_n3A_242 = arith.select %lt3A_238, %add3A_241, %scan3A_161 : vector<16xi1>, vector<16xi32>
          %select_n3A_243 = arith.select %lt3A_238, %scan3A_169, %select_n3A_236 : vector<16xi1>, vector<16xi32>
          %add3A_244 = arith.addi %scan3A_162, %scan3A_170 : vector<16xi32>
          %jit3A_245 = arith.constant 2 : i32
          %div3A_246 = vector.broadcast %jit3A_245 : i32 to vector<16xi32>
          %div3A_247 = arith.divsi %add3A_244, %div3A_246 : vector<16xi32>
          %sign3A_248 = arith.constant 0 : i32
          %sign3A_249 = vector.broadcast %sign3A_248 : i32 to vector<16xi32>
          %sign3A_250 = arith.cmpi sgt, %add3A_244, %sign3A_249 : vector<16xi32>
          %sign3A_251 = arith.extui %sign3A_250 : vector<16xi1> to vector<16xi32>
          %sign3A_252 = arith.constant 0 : i32
          %sign3A_253 = vector.broadcast %sign3A_252 : i32 to vector<16xi32>
          %sign3A_254 = arith.cmpi slt, %add3A_244, %sign3A_253 : vector<16xi32>
          %sign3A_255 = arith.extui %sign3A_254 : vector<16xi1> to vector<16xi32>
          %sign3A_256 = arith.subi %sign3A_251, %sign3A_255 : vector<16xi32>
          %sign3A_257 = arith.constant 0 : i32
          %sign3A_258 = arith.cmpi sgt, %jit3A_245, %sign3A_257 : i32
          %sign3A_259 = arith.extui %sign3A_258 : i1 to i32
          %sign3A_260 = arith.constant 0 : i32
          %sign3A_261 = arith.cmpi slt, %jit3A_245, %sign3A_260 : i32
          %sign3A_262 = arith.extui %sign3A_261 : i1 to i32
          %sign3A_263 = arith.subi %sign3A_259, %sign3A_262 : i32
          %ne3A_264 = vector.broadcast %sign3A_263 : i32 to vector<16xi32>
          %ne3A_265 = arith.cmpi ne, %sign3A_256, %ne3A_264 : vector<16xi32>
          %rem3A_266 = vector.broadcast %jit3A_245 : i32 to vector<16xi32>
          %rem3A_267 = arith.remsi %add3A_244, %rem3A_266 : vector<16xi32>
          %ne3A_268 = arith.constant 0 : i32
          %ne3A_269 = vector.broadcast %ne3A_268 : i32 to vector<16xi32>
          %ne3A_270 = arith.cmpi ne, %rem3A_267, %ne3A_269 : vector<16xi32>
          %and3A_271 = arith.andi %ne3A_265, %ne3A_270 : vector<16xi1>
          %sub3A_272 = arith.constant 1 : i32
          %sub3A_273 = vector.broadcast %sub3A_272 : i32 to vector<16xi32>
          %sub3A_274 = arith.subi %div3A_247, %sub3A_273 : vector<16xi32>
          %select_n3A_275 = arith.select %and3A_271, %sub3A_274, %div3A_247 : vector<16xi1>, vector<16xi32>
          %gather3A_276 = tpu.vector_load_idx %run_scoped3A_25[%select_n3A_275] : memref<100000xf32, #tpu.memory_space<vmem>>[vector<16xi32>], vector<16xf32>,
          %lt3A_277 = arith.cmpf olt, %gather3A_276, %get3A_46 : vector<16xf32>
          %add3A_278 = arith.constant 1 : i32
          %add3A_279 = vector.broadcast %add3A_278 : i32 to vector<16xi32>
          %add3A_280 = arith.addi %select_n3A_275, %add3A_279 : vector<16xi32>
          %select_n3A_281 = arith.select %lt3A_277, %add3A_280, %scan3A_162 : vector<16xi1>, vector<16xi32>
          %select_n3A_282 = arith.select %lt3A_277, %scan3A_170, %select_n3A_275 : vector<16xi1>, vector<16xi32>
          %add3A_283 = arith.addi %scan3A_163, %scan3A_171 : vector<16xi32>
          %jit3A_284 = arith.constant 2 : i32
          %div3A_285 = vector.broadcast %jit3A_284 : i32 to vector<16xi32>
          %div3A_286 = arith.divsi %add3A_283, %div3A_285 : vector<16xi32>
          %sign3A_287 = arith.constant 0 : i32
          %sign3A_288 = vector.broadcast %sign3A_287 : i32 to vector<16xi32>
          %sign3A_289 = arith.cmpi sgt, %add3A_283, %sign3A_288 : vector<16xi32>
          %sign3A_290 = arith.extui %sign3A_289 : vector<16xi1> to vector<16xi32>
          %sign3A_291 = arith.constant 0 : i32
          %sign3A_292 = vector.broadcast %sign3A_291 : i32 to vector<16xi32>
          %sign3A_293 = arith.cmpi slt, %add3A_283, %sign3A_292 : vector<16xi32>
          %sign3A_294 = arith.extui %sign3A_293 : vector<16xi1> to vector<16xi32>
          %sign3A_295 = arith.subi %sign3A_290, %sign3A_294 : vector<16xi32>
          %sign3A_296 = arith.constant 0 : i32
          %sign3A_297 = arith.cmpi sgt, %jit3A_284, %sign3A_296 : i32
          %sign3A_298 = arith.extui %sign3A_297 : i1 to i32
          %sign3A_299 = arith.constant 0 : i32
          %sign3A_300 = arith.cmpi slt, %jit3A_284, %sign3A_299 : i32
          %sign3A_301 = arith.extui %sign3A_300 : i1 to i32
          %sign3A_302 = arith.subi %sign3A_298, %sign3A_301 : i32
          %ne3A_303 = vector.broadcast %sign3A_302 : i32 to vector<16xi32>
          %ne3A_304 = arith.cmpi ne, %sign3A_295, %ne3A_303 : vector<16xi32>
          %rem3A_305 = vector.broadcast %jit3A_284 : i32 to vector<16xi32>
          %rem3A_306 = arith.remsi %add3A_283, %rem3A_305 : vector<16xi32>
          %ne3A_307 = arith.constant 0 : i32
          %ne3A_308 = vector.broadcast %ne3A_307 : i32 to vector<16xi32>
          %ne3A_309 = arith.cmpi ne, %rem3A_306, %ne3A_308 : vector<16xi32>
          %and3A_310 = arith.andi %ne3A_304, %ne3A_309 : vector<16xi1>
          %sub3A_311 = arith.constant 1 : i32
          %sub3A_312 = vector.broadcast %sub3A_311 : i32 to vector<16xi32>
          %sub3A_313 = arith.subi %div3A_286, %sub3A_312 : vector<16xi32>
          %select_n3A_314 = arith.select %and3A_310, %sub3A_313, %div3A_286 : vector<16xi1>, vector<16xi32>
          %gather3A_315 = tpu.vector_load_idx %run_scoped3A_25[%select_n3A_314] : memref<100000xf32, #tpu.memory_space<vmem>>[vector<16xi32>], vector<16xf32>,
          %lt3A_316 = arith.cmpf olt, %gather3A_315, %get3A_50 : vector<16xf32>
          %add3A_317 = arith.constant 1 : i32
          %add3A_318 = vector.broadcast %add3A_317 : i32 to vector<16xi32>
          %add3A_319 = arith.addi %select_n3A_314, %add3A_318 : vector<16xi32>
          %select_n3A_320 = arith.select %lt3A_316, %add3A_319, %scan3A_163 : vector<16xi1>, vector<16xi32>
          %select_n3A_321 = arith.select %lt3A_316, %scan3A_171, %select_n3A_314 : vector<16xi1>, vector<16xi32>
          %add3A_322 = arith.addi %scan3A_164, %scan3A_172 : vector<16xi32>
          %jit3A_323 = arith.constant 2 : i32
          %div3A_324 = vector.broadcast %jit3A_323 : i32 to vector<16xi32>
          %div3A_325 = arith.divsi %add3A_322, %div3A_324 : vector<16xi32>
          %sign3A_326 = arith.constant 0 : i32
          %sign3A_327 = vector.broadcast %sign3A_326 : i32 to vector<16xi32>
          %sign3A_328 = arith.cmpi sgt, %add3A_322, %sign3A_327 : vector<16xi32>
          %sign3A_329 = arith.extui %sign3A_328 : vector<16xi1> to vector<16xi32>
          %sign3A_330 = arith.constant 0 : i32
          %sign3A_331 = vector.broadcast %sign3A_330 : i32 to vector<16xi32>
          %sign3A_332 = arith.cmpi slt, %add3A_322, %sign3A_331 : vector<16xi32>
          %sign3A_333 = arith.extui %sign3A_332 : vector<16xi1> to vector<16xi32>
          %sign3A_334 = arith.subi %sign3A_329, %sign3A_333 : vector<16xi32>
          %sign3A_335 = arith.constant 0 : i32
          %sign3A_336 = arith.cmpi sgt, %jit3A_323, %sign3A_335 : i32
          %sign3A_337 = arith.extui %sign3A_336 : i1 to i32
          %sign3A_338 = arith.constant 0 : i32
          %sign3A_339 = arith.cmpi slt, %jit3A_323, %sign3A_338 : i32
          %sign3A_340 = arith.extui %sign3A_339 : i1 to i32
          %sign3A_341 = arith.subi %sign3A_337, %sign3A_340 : i32
          %ne3A_342 = vector.broadcast %sign3A_341 : i32 to vector<16xi32>
          %ne3A_343 = arith.cmpi ne, %sign3A_334, %ne3A_342 : vector<16xi32>
          %rem3A_344 = vector.broadcast %jit3A_323 : i32 to vector<16xi32>
          %rem3A_345 = arith.remsi %add3A_322, %rem3A_344 : vector<16xi32>
          %ne3A_346 = arith.constant 0 : i32
          %ne3A_347 = vector.broadcast %ne3A_346 : i32 to vector<16xi32>
          %ne3A_348 = arith.cmpi ne, %rem3A_345, %ne3A_347 : vector<16xi32>
          %and3A_349 = arith.andi %ne3A_343, %ne3A_348 : vector<16xi1>
          %sub3A_350 = arith.constant 1 : i32
          %sub3A_351 = vector.broadcast %sub3A_350 : i32 to vector<16xi32>
          %sub3A_352 = arith.subi %div3A_325, %sub3A_351 : vector<16xi32>
          %select_n3A_353 = arith.select %and3A_349, %sub3A_352, %div3A_325 : vector<16xi1>, vector<16xi32>
          %gather3A_354 = tpu.vector_load_idx %run_scoped3A_25[%select_n3A_353] : memref<100000xf32, #tpu.memory_space<vmem>>[vector<16xi32>], vector<16xf32>,
          %lt3A_355 = arith.cmpf olt, %gather3A_354, %get3A_54 : vector<16xf32>
          %add3A_356 = arith.constant 1 : i32
          %add3A_357 = vector.broadcast %add3A_356 : i32 to vector<16xi32>
          %add3A_358 = arith.addi %select_n3A_353, %add3A_357 : vector<16xi32>
          %select_n3A_359 = arith.select %lt3A_355, %add3A_358, %scan3A_164 : vector<16xi1>, vector<16xi32>
          %select_n3A_360 = arith.select %lt3A_355, %scan3A_172, %select_n3A_353 : vector<16xi1>, vector<16xi32>
          %add3A_361 = arith.addi %scan3A_165, %scan3A_173 : vector<16xi32>
          %jit3A_362 = arith.constant 2 : i32
          %div3A_363 = vector.broadcast %jit3A_362 : i32 to vector<16xi32>
          %div3A_364 = arith.divsi %add3A_361, %div3A_363 : vector<16xi32>
          %sign3A_365 = arith.constant 0 : i32
          %sign3A_366 = vector.broadcast %sign3A_365 : i32 to vector<16xi32>
          %sign3A_367 = arith.cmpi sgt, %add3A_361, %sign3A_366 : vector<16xi32>
          %sign3A_368 = arith.extui %sign3A_367 : vector<16xi1> to vector<16xi32>
          %sign3A_369 = arith.constant 0 : i32
          %sign3A_370 = vector.broadcast %sign3A_369 : i32 to vector<16xi32>
          %sign3A_371 = arith.cmpi slt, %add3A_361, %sign3A_370 : vector<16xi32>
          %sign3A_372 = arith.extui %sign3A_371 : vector<16xi1> to vector<16xi32>
          %sign3A_373 = arith.subi %sign3A_368, %sign3A_372 : vector<16xi32>
          %sign3A_374 = arith.constant 0 : i32
          %sign3A_375 = arith.cmpi sgt, %jit3A_362, %sign3A_374 : i32
          %sign3A_376 = arith.extui %sign3A_375 : i1 to i32
          %sign3A_377 = arith.constant 0 : i32
          %sign3A_378 = arith.cmpi slt, %jit3A_362, %sign3A_377 : i32
          %sign3A_379 = arith.extui %sign3A_378 : i1 to i32
          %sign3A_380 = arith.subi %sign3A_376, %sign3A_379 : i32
          %ne3A_381 = vector.broadcast %sign3A_380 : i32 to vector<16xi32>
          %ne3A_382 = arith.cmpi ne, %sign3A_373, %ne3A_381 : vector<16xi32>
          %rem3A_383 = vector.broadcast %jit3A_362 : i32 to vector<16xi32>
          %rem3A_384 = arith.remsi %add3A_361, %rem3A_383 : vector<16xi32>
          %ne3A_385 = arith.constant 0 : i32
          %ne3A_386 = vector.broadcast %ne3A_385 : i32 to vector<16xi32>
          %ne3A_387 = arith.cmpi ne, %rem3A_384, %ne3A_386 : vector<16xi32>
          %and3A_388 = arith.andi %ne3A_382, %ne3A_387 : vector<16xi1>
          %sub3A_389 = arith.constant 1 : i32
          %sub3A_390 = vector.broadcast %sub3A_389 : i32 to vector<16xi32>
          %sub3A_391 = arith.subi %div3A_364, %sub3A_390 : vector<16xi32>
          %select_n3A_392 = arith.select %and3A_388, %sub3A_391, %div3A_364 : vector<16xi1>, vector<16xi32>
          %gather3A_393 = tpu.vector_load_idx %run_scoped3A_25[%select_n3A_392] : memref<100000xf32, #tpu.memory_space<vmem>>[vector<16xi32>], vector<16xf32>,
          %lt3A_394 = arith.cmpf olt, %gather3A_393, %get3A_58 : vector<16xf32>
          %add3A_395 = arith.constant 1 : i32
          %add3A_396 = vector.broadcast %add3A_395 : i32 to vector<16xi32>
          %add3A_397 = arith.addi %select_n3A_392, %add3A_396 : vector<16xi32>
          %select_n3A_398 = arith.select %lt3A_394, %add3A_397, %scan3A_165 : vector<16xi1>, vector<16xi32>
          %select_n3A_399 = arith.select %lt3A_394, %scan3A_173, %select_n3A_392 : vector<16xi1>, vector<16xi32>
          %add3A_400 = arith.addi %scan3A_166, %scan3A_174 : vector<16xi32>
          %jit3A_401 = arith.constant 2 : i32
          %div3A_402 = vector.broadcast %jit3A_401 : i32 to vector<16xi32>
          %div3A_403 = arith.divsi %add3A_400, %div3A_402 : vector<16xi32>
          %sign3A_404 = arith.constant 0 : i32
          %sign3A_405 = vector.broadcast %sign3A_404 : i32 to vector<16xi32>
          %sign3A_406 = arith.cmpi sgt, %add3A_400, %sign3A_405 : vector<16xi32>
          %sign3A_407 = arith.extui %sign3A_406 : vector<16xi1> to vector<16xi32>
          %sign3A_408 = arith.constant 0 : i32
          %sign3A_409 = vector.broadcast %sign3A_408 : i32 to vector<16xi32>
          %sign3A_410 = arith.cmpi slt, %add3A_400, %sign3A_409 : vector<16xi32>
          %sign3A_411 = arith.extui %sign3A_410 : vector<16xi1> to vector<16xi32>
          %sign3A_412 = arith.subi %sign3A_407, %sign3A_411 : vector<16xi32>
          %sign3A_413 = arith.constant 0 : i32
          %sign3A_414 = arith.cmpi sgt, %jit3A_401, %sign3A_413 : i32
          %sign3A_415 = arith.extui %sign3A_414 : i1 to i32
          %sign3A_416 = arith.constant 0 : i32
          %sign3A_417 = arith.cmpi slt, %jit3A_401, %sign3A_416 : i32
          %sign3A_418 = arith.extui %sign3A_417 : i1 to i32
          %sign3A_419 = arith.subi %sign3A_415, %sign3A_418 : i32
          %ne3A_420 = vector.broadcast %sign3A_419 : i32 to vector<16xi32>
          %ne3A_421 = arith.cmpi ne, %sign3A_412, %ne3A_420 : vector<16xi32>
          %rem3A_422 = vector.broadcast %jit3A_401 : i32 to vector<16xi32>
          %rem3A_423 = arith.remsi %add3A_400, %rem3A_422 : vector<16xi32>
          %ne3A_424 = arith.constant 0 : i32
          %ne3A_425 = vector.broadcast %ne3A_424 : i32 to vector<16xi32>
          %ne3A_426 = arith.cmpi ne, %rem3A_423, %ne3A_425 : vector<16xi32>
          %and3A_427 = arith.andi %ne3A_421, %ne3A_426 : vector<16xi1>
          %sub3A_428 = arith.constant 1 : i32
          %sub3A_429 = vector.broadcast %sub3A_428 : i32 to vector<16xi32>
          %sub3A_430 = arith.subi %div3A_403, %sub3A_429 : vector<16xi32>
          %select_n3A_431 = arith.select %and3A_427, %sub3A_430, %div3A_403 : vector<16xi1>, vector<16xi32>
          %gather3A_432 = tpu.vector_load_idx %run_scoped3A_25[%select_n3A_431] : memref<100000xf32, #tpu.memory_space<vmem>>[vector<16xi32>], vector<16xf32>,
          %lt3A_433 = arith.cmpf olt, %gather3A_432, %get3A_62 : vector<16xf32>
          %add3A_434 = arith.constant 1 : i32
          %add3A_435 = vector.broadcast %add3A_434 : i32 to vector<16xi32>
          %add3A_436 = arith.addi %select_n3A_431, %add3A_435 : vector<16xi32>
          %select_n3A_437 = arith.select %lt3A_433, %add3A_436, %scan3A_166 : vector<16xi1>, vector<16xi32>
          %select_n3A_438 = arith.select %lt3A_433, %scan3A_174, %select_n3A_431 : vector<16xi1>, vector<16xi32>
          %add3A_439 = arith.addi %scan3A_167, %scan3A_175 : vector<16xi32>
          %jit3A_440 = arith.constant 2 : i32
          %div3A_441 = vector.broadcast %jit3A_440 : i32 to vector<16xi32>
          %div3A_442 = arith.divsi %add3A_439, %div3A_441 : vector<16xi32>
          %sign3A_443 = arith.constant 0 : i32
          %sign3A_444 = vector.broadcast %sign3A_443 : i32 to vector<16xi32>
          %sign3A_445 = arith.cmpi sgt, %add3A_439, %sign3A_444 : vector<16xi32>
          %sign3A_446 = arith.extui %sign3A_445 : vector<16xi1> to vector<16xi32>
          %sign3A_447 = arith.constant 0 : i32
          %sign3A_448 = vector.broadcast %sign3A_447 : i32 to vector<16xi32>
          %sign3A_449 = arith.cmpi slt, %add3A_439, %sign3A_448 : vector<16xi32>
          %sign3A_450 = arith.extui %sign3A_449 : vector<16xi1> to vector<16xi32>
          %sign3A_451 = arith.subi %sign3A_446, %sign3A_450 : vector<16xi32>
          %sign3A_452 = arith.constant 0 : i32
          %sign3A_453 = arith.cmpi sgt, %jit3A_440, %sign3A_452 : i32
          %sign3A_454 = arith.extui %sign3A_453 : i1 to i32
          %sign3A_455 = arith.constant 0 : i32
          %sign3A_456 = arith.cmpi slt, %jit3A_440, %sign3A_455 : i32
          %sign3A_457 = arith.extui %sign3A_456 : i1 to i32
          %sign3A_458 = arith.subi %sign3A_454, %sign3A_457 : i32
          %ne3A_459 = vector.broadcast %sign3A_458 : i32 to vector<16xi32>
          %ne3A_460 = arith.cmpi ne, %sign3A_451, %ne3A_459 : vector<16xi32>
          %rem3A_461 = vector.broadcast %jit3A_440 : i32 to vector<16xi32>
          %rem3A_462 = arith.remsi %add3A_439, %rem3A_461 : vector<16xi32>
          %ne3A_463 = arith.constant 0 : i32
          %ne3A_464 = vector.broadcast %ne3A_463 : i32 to vector<16xi32>
          %ne3A_465 = arith.cmpi ne, %rem3A_462, %ne3A_464 : vector<16xi32>
          %and3A_466 = arith.andi %ne3A_460, %ne3A_465 : vector<16xi1>
          %sub3A_467 = arith.constant 1 : i32
          %sub3A_468 = vector.broadcast %sub3A_467 : i32 to vector<16xi32>
          %sub3A_469 = arith.subi %div3A_442, %sub3A_468 : vector<16xi32>
          %select_n3A_470 = arith.select %and3A_466, %sub3A_469, %div3A_442 : vector<16xi1>, vector<16xi32>
          %gather3A_471 = tpu.vector_load_idx %run_scoped3A_25[%select_n3A_470] : memref<100000xf32, #tpu.memory_space<vmem>>[vector<16xi32>], vector<16xf32>,
          %lt3A_472 = arith.cmpf olt, %gather3A_471, %get3A_66 : vector<16xf32>
          %add3A_473 = arith.constant 1 : i32
          %add3A_474 = vector.broadcast %add3A_473 : i32 to vector<16xi32>
          %add3A_475 = arith.addi %select_n3A_470, %add3A_474 : vector<16xi32>
          %select_n3A_476 = arith.select %lt3A_472, %add3A_475, %scan3A_167 : vector<16xi1>, vector<16xi32>
          %select_n3A_477 = arith.select %lt3A_472, %scan3A_175, %select_n3A_470 : vector<16xi1>, vector<16xi32>
          scf.yield %select_n3A_203, %select_n3A_242, %select_n3A_281, %select_n3A_320, %select_n3A_359, %select_n3A_398, %select_n3A_437, %select_n3A_476, %select_n3A_204, %select_n3A_243, %select_n3A_282, %select_n3A_321, %select_n3A_360, %select_n3A_399, %select_n3A_438, %select_n3A_477 : vector<16xi32>, vector<16xi32>, vector<16xi32>, vector<16xi32>, vector<16xi32>, vector<16xi32>, vector<16xi32>, vector<16xi32>, vector<16xi32>, vector<16xi32>, vector<16xi32>, vector<16xi32>, vector<16xi32>, vector<16xi32>, vector<16xi32>, vector<16xi32>
        }
        %scan3A_103 = arith.constant 17 : i32
        %min3A = arith.constant 99999 : i32
        %min3A_104 = vector.broadcast %min3A : i32 to vector<16xi32>
        %min3A_105 = arith.minsi %scan3A_102#0, %min3A_104 : vector<16xi32>
        %add3A_106 = arith.constant 0 : i32
        %add3A_107 = arith.addi %mul3A_35, %add3A_106 : i32
        %swap3A = arith.index_cast %add3A_107 : i32 to index
        %swap3A_108 = tpu.vector_load %arg10[%swap3A] {strides = array<i32>} : memref<640xi32, #tpu.memory_space<vmem>>, vector<16xi32>,
        tpu.vector_store %arg10[%swap3A], %min3A_105 {strides = array<i32>} : memref<640xi32, #tpu.memory_space<vmem>>, vector<16xi32>,
        %min3A_109 = arith.constant 99999 : i32
        %min3A_110 = vector.broadcast %min3A_109 : i32 to vector<16xi32>
        %min3A_111 = arith.minsi %scan3A_102#1, %min3A_110 : vector<16xi32>
        %add3A_112 = arith.constant 16 : i32
        %add3A_113 = arith.addi %mul3A_35, %add3A_112 : i32
        %swap3A_114 = arith.index_cast %add3A_113 : i32 to index
        %swap3A_115 = tpu.vector_load %arg10[%swap3A_114] {strides = array<i32>} : memref<640xi32, #tpu.memory_space<vmem>>, vector<16xi32>,
        tpu.vector_store %arg10[%swap3A_114], %min3A_111 {strides = array<i32>} : memref<640xi32, #tpu.memory_space<vmem>>, vector<16xi32>,
        %min3A_116 = arith.constant 99999 : i32
        %min3A_117 = vector.broadcast %min3A_116 : i32 to vector<16xi32>
        %min3A_118 = arith.minsi %scan3A_102#2, %min3A_117 : vector<16xi32>
        %add3A_119 = arith.constant 32 : i32
        %add3A_120 = arith.addi %mul3A_35, %add3A_119 : i32
        %swap3A_121 = arith.index_cast %add3A_120 : i32 to index
        %swap3A_122 = tpu.vector_load %arg10[%swap3A_121] {strides = array<i32>} : memref<640xi32, #tpu.memory_space<vmem>>, vector<16xi32>,
        tpu.vector_store %arg10[%swap3A_121], %min3A_118 {strides = array<i32>} : memref<640xi32, #tpu.memory_space<vmem>>, vector<16xi32>,
        %min3A_123 = arith.constant 99999 : i32
        %min3A_124 = vector.broadcast %min3A_123 : i32 to vector<16xi32>
        %min3A_125 = arith.minsi %scan3A_102#3, %min3A_124 : vector<16xi32>
        %add3A_126 = arith.constant 48 : i32
        %add3A_127 = arith.addi %mul3A_35, %add3A_126 : i32
        %swap3A_128 = arith.index_cast %add3A_127 : i32 to index
        %swap3A_129 = tpu.vector_load %arg10[%swap3A_128] {strides = array<i32>} : memref<640xi32, #tpu.memory_space<vmem>>, vector<16xi32>,
        tpu.vector_store %arg10[%swap3A_128], %min3A_125 {strides = array<i32>} : memref<640xi32, #tpu.memory_space<vmem>>, vector<16xi32>,
        %min3A_130 = arith.constant 99999 : i32
        %min3A_131 = vector.broadcast %min3A_130 : i32 to vector<16xi32>
        %min3A_132 = arith.minsi %scan3A_102#4, %min3A_131 : vector<16xi32>
        %add3A_133 = arith.constant 64 : i32
        %add3A_134 = arith.addi %mul3A_35, %add3A_133 : i32
        %swap3A_135 = arith.index_cast %add3A_134 : i32 to index
        %swap3A_136 = tpu.vector_load %arg10[%swap3A_135] {strides = array<i32>} : memref<640xi32, #tpu.memory_space<vmem>>, vector<16xi32>,
        tpu.vector_store %arg10[%swap3A_135], %min3A_132 {strides = array<i32>} : memref<640xi32, #tpu.memory_space<vmem>>, vector<16xi32>,
        %min3A_137 = arith.constant 99999 : i32
        %min3A_138 = vector.broadcast %min3A_137 : i32 to vector<16xi32>
        %min3A_139 = arith.minsi %scan3A_102#5, %min3A_138 : vector<16xi32>
        %add3A_140 = arith.constant 80 : i32
        %add3A_141 = arith.addi %mul3A_35, %add3A_140 : i32
        %swap3A_142 = arith.index_cast %add3A_141 : i32 to index
        %swap3A_143 = tpu.vector_load %arg10[%swap3A_142] {strides = array<i32>} : memref<640xi32, #tpu.memory_space<vmem>>, vector<16xi32>,
        tpu.vector_store %arg10[%swap3A_142], %min3A_139 {strides = array<i32>} : memref<640xi32, #tpu.memory_space<vmem>>, vector<16xi32>,
        %min3A_144 = arith.constant 99999 : i32
        %min3A_145 = vector.broadcast %min3A_144 : i32 to vector<16xi32>
        %min3A_146 = arith.minsi %scan3A_102#6, %min3A_145 : vector<16xi32>
        %add3A_147 = arith.constant 96 : i32
        %add3A_148 = arith.addi %mul3A_35, %add3A_147 : i32
        %swap3A_149 = arith.index_cast %add3A_148 : i32 to index
        %swap3A_150 = tpu.vector_load %arg10[%swap3A_149] {strides = array<i32>} : memref<640xi32, #tpu.memory_space<vmem>>, vector<16xi32>,
        tpu.vector_store %arg10[%swap3A_149], %min3A_146 {strides = array<i32>} : memref<640xi32, #tpu.memory_space<vmem>>, vector<16xi32>,
        %min3A_151 = arith.constant 99999 : i32
        %min3A_152 = vector.broadcast %min3A_151 : i32 to vector<16xi32>
        %min3A_153 = arith.minsi %scan3A_102#7, %min3A_152 : vector<16xi32>
        %add3A_154 = arith.constant 112 : i32
        %add3A_155 = arith.addi %mul3A_35, %add3A_154 : i32
        %swap3A_156 = arith.index_cast %add3A_155 : i32 to index
        %swap3A_157 = tpu.vector_load %arg10[%swap3A_156] {strides = array<i32>} : memref<640xi32, #tpu.memory_space<vmem>>, vector<16xi32>,
        tpu.vector_store %arg10[%swap3A_156], %min3A_153 {strides = array<i32>} : memref<640xi32, #tpu.memory_space<vmem>>, vector<16xi32>,
        %scan3A_158 = arith.constant 0 : i32
        scf.yield %scan3A_158 : i32
      }
      %scan3A_31 = arith.constant 5 : i32
      tpu.yield
    }) : () -> ()
    %run_scoped3A = arith.constant 0 : i32
    %run_scoped3A_3 = arith.constant 1 : i32
    %run_scoped3A_4 = arith.constant 2 : i32
    %run_scoped3A_5 = arith.constant 0 : i32
    %run_scoped3A_6 = arith.constant 3 : i32
    %run_scoped3A_7 = arith.constant 1 : i32
    %run_scoped3A_8 = arith.constant 4 : i32
    %run_scoped3A_9 = arith.constant 2 : i32
    %run_scoped3A_10 = arith.constant 5 : i32
    %run_scoped3A_11 = arith.constant 3 : i32
    %run_scoped3A_12 = arith.constant 6 : i32
    %run_scoped3A_13 = arith.constant 4 : i32
    %run_scoped3A_14 = arith.constant 7 : i32
    %run_scoped3A_15 = arith.constant 5 : i32
    %run_scoped3A_16 = arith.constant 8 : i32
    %run_scoped3A_17 = arith.constant 6 : i32
    %run_scoped3A_18 = arith.constant 7 : i32
    %run_scoped3A_19 = arith.constant 8 : i32
    %run_scoped3A_20 = arith.constant 0 : i32
    %run_scoped3A_21 = arith.constant 1 : i32
    %run_scoped3A_22 = arith.constant 2 : i32
    %run_scoped3A_23 = arith.constant 3 : i32
    %run_scoped3A_24 = arith.constant 4 : i32
    "tpu.region"() ({
      %run_scoped3A_25 = memref.alloca() : memref<128x128xf32, #tpu.memory_space<vmem>>
      %run_scoped3A_26 = memref.alloca() : memref<128x128xf32, #tpu.memory_space<vmem>>
      %run_scoped3A_27 = memref.alloca() : memref<128x128xf32, #tpu.memory_space<vmem>>
      %dma_start3A = arith.constant 0 : i32
      %dma_start3A_28 = tpu.memref_slice %arg8[%run_scoped3A, %dma_start3A] : memref<9x128xi32, #tpu.memory_space<vmem>> -> memref<1x128xi32, #tpu.memory_space<vmem>>
      %dma_start3A_29 = tpu.memref_squeeze %dma_start3A_28 : memref<1x128xi32, #tpu.memory_space<vmem>> -> memref<128xi32, #tpu.memory_space<vmem>>
      %dma_start3A_30 = arith.constant 0 : i32
      %dma_start3A_31 = arith.constant 0 : i32
      %dma_start3A_32 = tpu.memref_slice %arg5[%dma_start3A_30, %dma_start3A_31] : memref<100000x128xf32, #tpu.memory_space<hbm>> -> memref<100000x128xf32, #tpu.memory_space<hbm>>
      tpu.enqueue_indirect_dma source(%dma_start3A_32 : memref<100000x128xf32, #tpu.memory_space<hbm>>) target(%run_scoped3A_25 : memref<128x128xf32, #tpu.memory_space<vmem>>) offsets(%dma_start3A_29 : memref<128xi32, #tpu.memory_space<vmem>>) semaphore(%arg11 : memref<!tpu.dma_semaphore, #tpu.memory_space<semaphore_mem>>)
      %dma_start3A_33 = arith.constant 0 : i32
      %dma_start3A_34 = tpu.memref_slice %arg8[%run_scoped3A_3, %dma_start3A_33] : memref<9x128xi32, #tpu.memory_space<vmem>> -> memref<1x128xi32, #tpu.memory_space<vmem>>
      %dma_start3A_35 = tpu.memref_squeeze %dma_start3A_34 : memref<1x128xi32, #tpu.memory_space<vmem>> -> memref<128xi32, #tpu.memory_space<vmem>>
      %dma_start3A_36 = arith.constant 0 : i32
      %dma_start3A_37 = arith.constant 0 : i32
      %dma_start3A_38 = tpu.memref_slice %arg5[%dma_start3A_36, %dma_start3A_37] : memref<100000x128xf32, #tpu.memory_space<hbm>> -> memref<100000x128xf32, #tpu.memory_space<hbm>>
      tpu.enqueue_indirect_dma source(%dma_start3A_38 : memref<100000x128xf32, #tpu.memory_space<hbm>>) target(%run_scoped3A_26 : memref<128x128xf32, #tpu.memory_space<vmem>>) offsets(%dma_start3A_35 : memref<128xi32, #tpu.memory_space<vmem>>) semaphore(%arg12 : memref<!tpu.dma_semaphore, #tpu.memory_space<semaphore_mem>>)
      %dma_start3A_39 = arith.constant 0 : i32
      %dma_start3A_40 = tpu.memref_slice %arg8[%run_scoped3A_4, %dma_start3A_39] : memref<9x128xi32, #tpu.memory_space<vmem>> -> memref<1x128xi32, #tpu.memory_space<vmem>>
      %dma_start3A_41 = tpu.memref_squeeze %dma_start3A_40 : memref<1x128xi32, #tpu.memory_space<vmem>> -> memref<128xi32, #tpu.memory_space<vmem>>
      %dma_start3A_42 = arith.constant 0 : i32
      %dma_start3A_43 = arith.constant 0 : i32
      %dma_start3A_44 = tpu.memref_slice %arg5[%dma_start3A_42, %dma_start3A_43] : memref<100000x128xf32, #tpu.memory_space<hbm>> -> memref<100000x128xf32, #tpu.memory_space<hbm>>
      tpu.enqueue_indirect_dma source(%dma_start3A_44 : memref<100000x128xf32, #tpu.memory_space<hbm>>) target(%run_scoped3A_27 : memref<128x128xf32, #tpu.memory_space<vmem>>) offsets(%dma_start3A_41 : memref<128xi32, #tpu.memory_space<vmem>>) semaphore(%arg13 : memref<!tpu.dma_semaphore, #tpu.memory_space<semaphore_mem>>)
      %dma_wait3A = arith.constant 0 : i32
      %dma_wait3A_45 = tpu.memref_slice %arg8[%run_scoped3A, %dma_wait3A] : memref<9x128xi32, #tpu.memory_space<vmem>> -> memref<1x128xi32, #tpu.memory_space<vmem>>
      %dma_wait3A_46 = tpu.memref_squeeze %dma_wait3A_45 : memref<1x128xi32, #tpu.memory_space<vmem>> -> memref<128xi32, #tpu.memory_space<vmem>>
      %dma_wait3A_47 = arith.constant 0 : i32
      %dma_wait3A_48 = arith.constant 0 : i32
      %dma_wait3A_49 = tpu.memref_slice %arg5[%dma_wait3A_47, %dma_wait3A_48] : memref<100000x128xf32, #tpu.memory_space<hbm>> -> memref<100000x128xf32, #tpu.memory_space<hbm>>
      tpu.wait_indirect_dma semaphore(%arg11 : memref<!tpu.dma_semaphore, #tpu.memory_space<semaphore_mem>>) src(%dma_wait3A_49 : memref<100000x128xf32, #tpu.memory_space<hbm>>) dst(%run_scoped3A_25 : memref<128x128xf32, #tpu.memory_space<vmem>>)
      %dma_start3A_50 = arith.constant 0 : i32
      %dma_start3A_51 = tpu.memref_slice %arg6[%run_scoped3A_5, %mul3A_2, %dma_start3A_50] : memref<9x4096x128xf32, #tpu.memory_space<hbm>> -> memref<1x128x128xf32, #tpu.memory_space<hbm>>
      %dma_start3A_52 = tpu.memref_squeeze %dma_start3A_51 : memref<1x128x128xf32, #tpu.memory_space<hbm>> -> memref<128x128xf32, #tpu.memory_space<hbm>>
      %dma_start3A_53 = arith.constant 0 : i32
      %dma_start3A_54 = tpu.memref_slice %arg6[%run_scoped3A_5, %mul3A_2, %dma_start3A_53] : memref<9x4096x128xf32, #tpu.memory_space<hbm>> -> memref<1x128x128xf32, #tpu.memory_space<hbm>>
      %dma_start3A_55 = tpu.memref_squeeze %dma_start3A_54 : memref<1x128x128xf32, #tpu.memory_space<hbm>> -> memref<128x128xf32, #tpu.memory_space<hbm>>
      tpu.enqueue_dma source(%run_scoped3A_25 : memref<128x128xf32, #tpu.memory_space<vmem>>) target(%dma_start3A_55 : memref<128x128xf32, #tpu.memory_space<hbm>>) target_semaphore(%arg14 : memref<!tpu.dma_semaphore, #tpu.memory_space<semaphore_mem>>)
      %dma_wait3A_56 = arith.constant 0 : i32
      %dma_wait3A_57 = tpu.memref_slice %arg6[%run_scoped3A_5, %mul3A_2, %dma_wait3A_56] : memref<9x4096x128xf32, #tpu.memory_space<hbm>> -> memref<1x128x128xf32, #tpu.memory_space<hbm>>
      %dma_wait3A_58 = tpu.memref_squeeze %dma_wait3A_57 : memref<1x128x128xf32, #tpu.memory_space<hbm>> -> memref<128x128xf32, #tpu.memory_space<hbm>>
      %dma_wait3A_59 = arith.constant 0 : i32
      %dma_wait3A_60 = tpu.memref_slice %arg6[%run_scoped3A_5, %mul3A_2, %dma_wait3A_59] : memref<9x4096x128xf32, #tpu.memory_space<hbm>> -> memref<1x128x128xf32, #tpu.memory_space<hbm>>
      %dma_wait3A_61 = tpu.memref_squeeze %dma_wait3A_60 : memref<1x128x128xf32, #tpu.memory_space<hbm>> -> memref<128x128xf32, #tpu.memory_space<hbm>>
      tpu.wait_dma2 semaphore(%arg14 : memref<!tpu.dma_semaphore, #tpu.memory_space<semaphore_mem>>) src(%run_scoped3A_25 : memref<128x128xf32, #tpu.memory_space<vmem>>) dst(%dma_wait3A_61 : memref<128x128xf32, #tpu.memory_space<hbm>>)
      %dma_start3A_62 = arith.constant 0 : i32
      %dma_start3A_63 = tpu.memref_slice %arg8[%run_scoped3A_6, %dma_start3A_62] : memref<9x128xi32, #tpu.memory_space<vmem>> -> memref<1x128xi32, #tpu.memory_space<vmem>>
      %dma_start3A_64 = tpu.memref_squeeze %dma_start3A_63 : memref<1x128xi32, #tpu.memory_space<vmem>> -> memref<128xi32, #tpu.memory_space<vmem>>
      %dma_start3A_65 = arith.constant 0 : i32
      %dma_start3A_66 = arith.constant 0 : i32
      %dma_start3A_67 = tpu.memref_slice %arg5[%dma_start3A_65, %dma_start3A_66] : memref<100000x128xf32, #tpu.memory_space<hbm>> -> memref<100000x128xf32, #tpu.memory_space<hbm>>
      tpu.enqueue_indirect_dma source(%dma_start3A_67 : memref<100000x128xf32, #tpu.memory_space<hbm>>) target(%run_scoped3A_25 : memref<128x128xf32, #tpu.memory_space<vmem>>) offsets(%dma_start3A_64 : memref<128xi32, #tpu.memory_space<vmem>>) semaphore(%arg11 : memref<!tpu.dma_semaphore, #tpu.memory_space<semaphore_mem>>)
      %dma_wait3A_68 = arith.constant 0 : i32
      %dma_wait3A_69 = tpu.memref_slice %arg8[%run_scoped3A_3, %dma_wait3A_68] : memref<9x128xi32, #tpu.memory_space<vmem>> -> memref<1x128xi32, #tpu.memory_space<vmem>>
      %dma_wait3A_70 = tpu.memref_squeeze %dma_wait3A_69 : memref<1x128xi32, #tpu.memory_space<vmem>> -> memref<128xi32, #tpu.memory_space<vmem>>
      %dma_wait3A_71 = arith.constant 0 : i32
      %dma_wait3A_72 = arith.constant 0 : i32
      %dma_wait3A_73 = tpu.memref_slice %arg5[%dma_wait3A_71, %dma_wait3A_72] : memref<100000x128xf32, #tpu.memory_space<hbm>> -> memref<100000x128xf32, #tpu.memory_space<hbm>>
      tpu.wait_indirect_dma semaphore(%arg12 : memref<!tpu.dma_semaphore, #tpu.memory_space<semaphore_mem>>) src(%dma_wait3A_73 : memref<100000x128xf32, #tpu.memory_space<hbm>>) dst(%run_scoped3A_26 : memref<128x128xf32, #tpu.memory_space<vmem>>)
      %dma_start3A_74 = arith.constant 0 : i32
      %dma_start3A_75 = tpu.memref_slice %arg6[%run_scoped3A_7, %mul3A_2, %dma_start3A_74] : memref<9x4096x128xf32, #tpu.memory_space<hbm>> -> memref<1x128x128xf32, #tpu.memory_space<hbm>>
      %dma_start3A_76 = tpu.memref_squeeze %dma_start3A_75 : memref<1x128x128xf32, #tpu.memory_space<hbm>> -> memref<128x128xf32, #tpu.memory_space<hbm>>
      %dma_start3A_77 = arith.constant 0 : i32
      %dma_start3A_78 = tpu.memref_slice %arg6[%run_scoped3A_7, %mul3A_2, %dma_start3A_77] : memref<9x4096x128xf32, #tpu.memory_space<hbm>> -> memref<1x128x128xf32, #tpu.memory_space<hbm>>
      %dma_start3A_79 = tpu.memref_squeeze %dma_start3A_78 : memref<1x128x128xf32, #tpu.memory_space<hbm>> -> memref<128x128xf32, #tpu.memory_space<hbm>>
      tpu.enqueue_dma source(%run_scoped3A_26 : memref<128x128xf32, #tpu.memory_space<vmem>>) target(%dma_start3A_79 : memref<128x128xf32, #tpu.memory_space<hbm>>) target_semaphore(%arg15 : memref<!tpu.dma_semaphore, #tpu.memory_space<semaphore_mem>>)
      %dma_wait3A_80 = arith.constant 0 : i32
      %dma_wait3A_81 = tpu.memref_slice %arg6[%run_scoped3A_7, %mul3A_2, %dma_wait3A_80] : memref<9x4096x128xf32, #tpu.memory_space<hbm>> -> memref<1x128x128xf32, #tpu.memory_space<hbm>>
      %dma_wait3A_82 = tpu.memref_squeeze %dma_wait3A_81 : memref<1x128x128xf32, #tpu.memory_space<hbm>> -> memref<128x128xf32, #tpu.memory_space<hbm>>
      %dma_wait3A_83 = arith.constant 0 : i32
      %dma_wait3A_84 = tpu.memref_slice %arg6[%run_scoped3A_7, %mul3A_2, %dma_wait3A_83] : memref<9x4096x128xf32, #tpu.memory_space<hbm>> -> memref<1x128x128xf32, #tpu.memory_space<hbm>>
      %dma_wait3A_85 = tpu.memref_squeeze %dma_wait3A_84 : memref<1x128x128xf32, #tpu.memory_space<hbm>> -> memref<128x128xf32, #tpu.memory_space<hbm>>
      tpu.wait_dma2 semaphore(%arg15 : memref<!tpu.dma_semaphore, #tpu.memory_space<semaphore_mem>>) src(%run_scoped3A_26 : memref<128x128xf32, #tpu.memory_space<vmem>>) dst(%dma_wait3A_85 : memref<128x128xf32, #tpu.memory_space<hbm>>)
      %dma_start3A_86 = arith.constant 0 : i32
      %dma_start3A_87 = tpu.memref_slice %arg8[%run_scoped3A_8, %dma_start3A_86] : memref<9x128xi32, #tpu.memory_space<vmem>> -> memref<1x128xi32, #tpu.memory_space<vmem>>
      %dma_start3A_88 = tpu.memref_squeeze %dma_start3A_87 : memref<1x128xi32, #tpu.memory_space<vmem>> -> memref<128xi32, #tpu.memory_space<vmem>>
      %dma_start3A_89 = arith.constant 0 : i32
      %dma_start3A_90 = arith.constant 0 : i32
      %dma_start3A_91 = tpu.memref_slice %arg5[%dma_start3A_89, %dma_start3A_90] : memref<100000x128xf32, #tpu.memory_space<hbm>> -> memref<100000x128xf32, #tpu.memory_space<hbm>>
      tpu.enqueue_indirect_dma source(%dma_start3A_91 : memref<100000x128xf32, #tpu.memory_space<hbm>>) target(%run_scoped3A_26 : memref<128x128xf32, #tpu.memory_space<vmem>>) offsets(%dma_start3A_88 : memref<128xi32, #tpu.memory_space<vmem>>) semaphore(%arg12 : memref<!tpu.dma_semaphore, #tpu.memory_space<semaphore_mem>>)
      %dma_wait3A_92 = arith.constant 0 : i32
      %dma_wait3A_93 = tpu.memref_slice %arg8[%run_scoped3A_4, %dma_wait3A_92] : memref<9x128xi32, #tpu.memory_space<vmem>> -> memref<1x128xi32, #tpu.memory_space<vmem>>
      %dma_wait3A_94 = tpu.memref_squeeze %dma_wait3A_93 : memref<1x128xi32, #tpu.memory_space<vmem>> -> memref<128xi32, #tpu.memory_space<vmem>>
      %dma_wait3A_95 = arith.constant 0 : i32
      %dma_wait3A_96 = arith.constant 0 : i32
      %dma_wait3A_97 = tpu.memref_slice %arg5[%dma_wait3A_95, %dma_wait3A_96] : memref<100000x128xf32, #tpu.memory_space<hbm>> -> memref<100000x128xf32, #tpu.memory_space<hbm>>
      tpu.wait_indirect_dma semaphore(%arg13 : memref<!tpu.dma_semaphore, #tpu.memory_space<semaphore_mem>>) src(%dma_wait3A_97 : memref<100000x128xf32, #tpu.memory_space<hbm>>) dst(%run_scoped3A_27 : memref<128x128xf32, #tpu.memory_space<vmem>>)
      %dma_start3A_98 = arith.constant 0 : i32
      %dma_start3A_99 = tpu.memref_slice %arg6[%run_scoped3A_9, %mul3A_2, %dma_start3A_98] : memref<9x4096x128xf32, #tpu.memory_space<hbm>> -> memref<1x128x128xf32, #tpu.memory_space<hbm>>
      %dma_start3A_100 = tpu.memref_squeeze %dma_start3A_99 : memref<1x128x128xf32, #tpu.memory_space<hbm>> -> memref<128x128xf32, #tpu.memory_space<hbm>>
      %dma_start3A_101 = arith.constant 0 : i32
      %dma_start3A_102 = tpu.memref_slice %arg6[%run_scoped3A_9, %mul3A_2, %dma_start3A_101] : memref<9x4096x128xf32, #tpu.memory_space<hbm>> -> memref<1x128x128xf32, #tpu.memory_space<hbm>>
      %dma_start3A_103 = tpu.memref_squeeze %dma_start3A_102 : memref<1x128x128xf32, #tpu.memory_space<hbm>> -> memref<128x128xf32, #tpu.memory_space<hbm>>
      tpu.enqueue_dma source(%run_scoped3A_27 : memref<128x128xf32, #tpu.memory_space<vmem>>) target(%dma_start3A_103 : memref<128x128xf32, #tpu.memory_space<hbm>>) target_semaphore(%arg16 : memref<!tpu.dma_semaphore, #tpu.memory_space<semaphore_mem>>)
      %dma_wait3A_104 = arith.constant 0 : i32
      %dma_wait3A_105 = tpu.memref_slice %arg6[%run_scoped3A_9, %mul3A_2, %dma_wait3A_104] : memref<9x4096x128xf32, #tpu.memory_space<hbm>> -> memref<1x128x128xf32, #tpu.memory_space<hbm>>
      %dma_wait3A_106 = tpu.memref_squeeze %dma_wait3A_105 : memref<1x128x128xf32, #tpu.memory_space<hbm>> -> memref<128x128xf32, #tpu.memory_space<hbm>>
      %dma_wait3A_107 = arith.constant 0 : i32
      %dma_wait3A_108 = tpu.memref_slice %arg6[%run_scoped3A_9, %mul3A_2, %dma_wait3A_107] : memref<9x4096x128xf32, #tpu.memory_space<hbm>> -> memref<1x128x128xf32, #tpu.memory_space<hbm>>
      %dma_wait3A_109 = tpu.memref_squeeze %dma_wait3A_108 : memref<1x128x128xf32, #tpu.memory_space<hbm>> -> memref<128x128xf32, #tpu.memory_space<hbm>>
      tpu.wait_dma2 semaphore(%arg16 : memref<!tpu.dma_semaphore, #tpu.memory_space<semaphore_mem>>) src(%run_scoped3A_27 : memref<128x128xf32, #tpu.memory_space<vmem>>) dst(%dma_wait3A_109 : memref<128x128xf32, #tpu.memory_space<hbm>>)
      %dma_start3A_110 = arith.constant 0 : i32
      %dma_start3A_111 = tpu.memref_slice %arg8[%run_scoped3A_10, %dma_start3A_110] : memref<9x128xi32, #tpu.memory_space<vmem>> -> memref<1x128xi32, #tpu.memory_space<vmem>>
      %dma_start3A_112 = tpu.memref_squeeze %dma_start3A_111 : memref<1x128xi32, #tpu.memory_space<vmem>> -> memref<128xi32, #tpu.memory_space<vmem>>
      %dma_start3A_113 = arith.constant 0 : i32
      %dma_start3A_114 = arith.constant 0 : i32
      %dma_start3A_115 = tpu.memref_slice %arg5[%dma_start3A_113, %dma_start3A_114] : memref<100000x128xf32, #tpu.memory_space<hbm>> -> memref<100000x128xf32, #tpu.memory_space<hbm>>
      tpu.enqueue_indirect_dma source(%dma_start3A_115 : memref<100000x128xf32, #tpu.memory_space<hbm>>) target(%run_scoped3A_27 : memref<128x128xf32, #tpu.memory_space<vmem>>) offsets(%dma_start3A_112 : memref<128xi32, #tpu.memory_space<vmem>>) semaphore(%arg13 : memref<!tpu.dma_semaphore, #tpu.memory_space<semaphore_mem>>)
      %dma_wait3A_116 = arith.constant 0 : i32
      %dma_wait3A_117 = tpu.memref_slice %arg8[%run_scoped3A_6, %dma_wait3A_116] : memref<9x128xi32, #tpu.memory_space<vmem>> -> memref<1x128xi32, #tpu.memory_space<vmem>>
      %dma_wait3A_118 = tpu.memref_squeeze %dma_wait3A_117 : memref<1x128xi32, #tpu.memory_space<vmem>> -> memref<128xi32, #tpu.memory_space<vmem>>
      %dma_wait3A_119 = arith.constant 0 : i32
      %dma_wait3A_120 = arith.constant 0 : i32
      %dma_wait3A_121 = tpu.memref_slice %arg5[%dma_wait3A_119, %dma_wait3A_120] : memref<100000x128xf32, #tpu.memory_space<hbm>> -> memref<100000x128xf32, #tpu.memory_space<hbm>>
      tpu.wait_indirect_dma semaphore(%arg11 : memref<!tpu.dma_semaphore, #tpu.memory_space<semaphore_mem>>) src(%dma_wait3A_121 : memref<100000x128xf32, #tpu.memory_space<hbm>>) dst(%run_scoped3A_25 : memref<128x128xf32, #tpu.memory_space<vmem>>)
      %dma_start3A_122 = arith.constant 0 : i32
      %dma_start3A_123 = tpu.memref_slice %arg6[%run_scoped3A_11, %mul3A_2, %dma_start3A_122] : memref<9x4096x128xf32, #tpu.memory_space<hbm>> -> memref<1x128x128xf32, #tpu.memory_space<hbm>>
      %dma_start3A_124 = tpu.memref_squeeze %dma_start3A_123 : memref<1x128x128xf32, #tpu.memory_space<hbm>> -> memref<128x128xf32, #tpu.memory_space<hbm>>
      %dma_start3A_125 = arith.constant 0 : i32
      %dma_start3A_126 = tpu.memref_slice %arg6[%run_scoped3A_11, %mul3A_2, %dma_start3A_125] : memref<9x4096x128xf32, #tpu.memory_space<hbm>> -> memref<1x128x128xf32, #tpu.memory_space<hbm>>
      %dma_start3A_127 = tpu.memref_squeeze %dma_start3A_126 : memref<1x128x128xf32, #tpu.memory_space<hbm>> -> memref<128x128xf32, #tpu.memory_space<hbm>>
      tpu.enqueue_dma source(%run_scoped3A_25 : memref<128x128xf32, #tpu.memory_space<vmem>>) target(%dma_start3A_127 : memref<128x128xf32, #tpu.memory_space<hbm>>) target_semaphore(%arg14 : memref<!tpu.dma_semaphore, #tpu.memory_space<semaphore_mem>>)
      %dma_wait3A_128 = arith.constant 0 : i32
      %dma_wait3A_129 = tpu.memref_slice %arg6[%run_scoped3A_11, %mul3A_2, %dma_wait3A_128] : memref<9x4096x128xf32, #tpu.memory_space<hbm>> -> memref<1x128x128xf32, #tpu.memory_space<hbm>>
      %dma_wait3A_130 = tpu.memref_squeeze %dma_wait3A_129 : memref<1x128x128xf32, #tpu.memory_space<hbm>> -> memref<128x128xf32, #tpu.memory_space<hbm>>
      %dma_wait3A_131 = arith.constant 0 : i32
      %dma_wait3A_132 = tpu.memref_slice %arg6[%run_scoped3A_11, %mul3A_2, %dma_wait3A_131] : memref<9x4096x128xf32, #tpu.memory_space<hbm>> -> memref<1x128x128xf32, #tpu.memory_space<hbm>>
      %dma_wait3A_133 = tpu.memref_squeeze %dma_wait3A_132 : memref<1x128x128xf32, #tpu.memory_space<hbm>> -> memref<128x128xf32, #tpu.memory_space<hbm>>
      tpu.wait_dma2 semaphore(%arg14 : memref<!tpu.dma_semaphore, #tpu.memory_space<semaphore_mem>>) src(%run_scoped3A_25 : memref<128x128xf32, #tpu.memory_space<vmem>>) dst(%dma_wait3A_133 : memref<128x128xf32, #tpu.memory_space<hbm>>)
      %dma_start3A_134 = arith.constant 0 : i32
      %dma_start3A_135 = tpu.memref_slice %arg8[%run_scoped3A_12, %dma_start3A_134] : memref<9x128xi32, #tpu.memory_space<vmem>> -> memref<1x128xi32, #tpu.memory_space<vmem>>
      %dma_start3A_136 = tpu.memref_squeeze %dma_start3A_135 : memref<1x128xi32, #tpu.memory_space<vmem>> -> memref<128xi32, #tpu.memory_space<vmem>>
      %dma_start3A_137 = arith.constant 0 : i32
      %dma_start3A_138 = arith.constant 0 : i32
      %dma_start3A_139 = tpu.memref_slice %arg5[%dma_start3A_137, %dma_start3A_138] : memref<100000x128xf32, #tpu.memory_space<hbm>> -> memref<100000x128xf32, #tpu.memory_space<hbm>>
      tpu.enqueue_indirect_dma source(%dma_start3A_139 : memref<100000x128xf32, #tpu.memory_space<hbm>>) target(%run_scoped3A_25 : memref<128x128xf32, #tpu.memory_space<vmem>>) offsets(%dma_start3A_136 : memref<128xi32, #tpu.memory_space<vmem>>) semaphore(%arg11 : memref<!tpu.dma_semaphore, #tpu.memory_space<semaphore_mem>>)
      %dma_wait3A_140 = arith.constant 0 : i32
      %dma_wait3A_141 = tpu.memref_slice %arg8[%run_scoped3A_8, %dma_wait3A_140] : memref<9x128xi32, #tpu.memory_space<vmem>> -> memref<1x128xi32, #tpu.memory_space<vmem>>
      %dma_wait3A_142 = tpu.memref_squeeze %dma_wait3A_141 : memref<1x128xi32, #tpu.memory_space<vmem>> -> memref<128xi32, #tpu.memory_space<vmem>>
      %dma_wait3A_143 = arith.constant 0 : i32
      %dma_wait3A_144 = arith.constant 0 : i32
      %dma_wait3A_145 = tpu.memref_slice %arg5[%dma_wait3A_143, %dma_wait3A_144] : memref<100000x128xf32, #tpu.memory_space<hbm>> -> memref<100000x128xf32, #tpu.memory_space<hbm>>
      tpu.wait_indirect_dma semaphore(%arg12 : memref<!tpu.dma_semaphore, #tpu.memory_space<semaphore_mem>>) src(%dma_wait3A_145 : memref<100000x128xf32, #tpu.memory_space<hbm>>) dst(%run_scoped3A_26 : memref<128x128xf32, #tpu.memory_space<vmem>>)
      %dma_start3A_146 = arith.constant 0 : i32
      %dma_start3A_147 = tpu.memref_slice %arg6[%run_scoped3A_13, %mul3A_2, %dma_start3A_146] : memref<9x4096x128xf32, #tpu.memory_space<hbm>> -> memref<1x128x128xf32, #tpu.memory_space<hbm>>
      %dma_start3A_148 = tpu.memref_squeeze %dma_start3A_147 : memref<1x128x128xf32, #tpu.memory_space<hbm>> -> memref<128x128xf32, #tpu.memory_space<hbm>>
      %dma_start3A_149 = arith.constant 0 : i32
      %dma_start3A_150 = tpu.memref_slice %arg6[%run_scoped3A_13, %mul3A_2, %dma_start3A_149] : memref<9x4096x128xf32, #tpu.memory_space<hbm>> -> memref<1x128x128xf32, #tpu.memory_space<hbm>>
      %dma_start3A_151 = tpu.memref_squeeze %dma_start3A_150 : memref<1x128x128xf32, #tpu.memory_space<hbm>> -> memref<128x128xf32, #tpu.memory_space<hbm>>
      tpu.enqueue_dma source(%run_scoped3A_26 : memref<128x128xf32, #tpu.memory_space<vmem>>) target(%dma_start3A_151 : memref<128x128xf32, #tpu.memory_space<hbm>>) target_semaphore(%arg15 : memref<!tpu.dma_semaphore, #tpu.memory_space<semaphore_mem>>)
      %dma_wait3A_152 = arith.constant 0 : i32
      %dma_wait3A_153 = tpu.memref_slice %arg6[%run_scoped3A_13, %mul3A_2, %dma_wait3A_152] : memref<9x4096x128xf32, #tpu.memory_space<hbm>> -> memref<1x128x128xf32, #tpu.memory_space<hbm>>
      %dma_wait3A_154 = tpu.memref_squeeze %dma_wait3A_153 : memref<1x128x128xf32, #tpu.memory_space<hbm>> -> memref<128x128xf32, #tpu.memory_space<hbm>>
      %dma_wait3A_155 = arith.constant 0 : i32
      %dma_wait3A_156 = tpu.memref_slice %arg6[%run_scoped3A_13, %mul3A_2, %dma_wait3A_155] : memref<9x4096x128xf32, #tpu.memory_space<hbm>> -> memref<1x128x128xf32, #tpu.memory_space<hbm>>
      %dma_wait3A_157 = tpu.memref_squeeze %dma_wait3A_156 : memref<1x128x128xf32, #tpu.memory_space<hbm>> -> memref<128x128xf32, #tpu.memory_space<hbm>>
      tpu.wait_dma2 semaphore(%arg15 : memref<!tpu.dma_semaphore, #tpu.memory_space<semaphore_mem>>) src(%run_scoped3A_26 : memref<128x128xf32, #tpu.memory_space<vmem>>) dst(%dma_wait3A_157 : memref<128x128xf32, #tpu.memory_space<hbm>>)
      %dma_start3A_158 = arith.constant 0 : i32
      %dma_start3A_159 = tpu.memref_slice %arg8[%run_scoped3A_14, %dma_start3A_158] : memref<9x128xi32, #tpu.memory_space<vmem>> -> memref<1x128xi32, #tpu.memory_space<vmem>>
      %dma_start3A_160 = tpu.memref_squeeze %dma_start3A_159 : memref<1x128xi32, #tpu.memory_space<vmem>> -> memref<128xi32, #tpu.memory_space<vmem>>
      %dma_start3A_161 = arith.constant 0 : i32
      %dma_start3A_162 = arith.constant 0 : i32
      %dma_start3A_163 = tpu.memref_slice %arg5[%dma_start3A_161, %dma_start3A_162] : memref<100000x128xf32, #tpu.memory_space<hbm>> -> memref<100000x128xf32, #tpu.memory_space<hbm>>
      tpu.enqueue_indirect_dma source(%dma_start3A_163 : memref<100000x128xf32, #tpu.memory_space<hbm>>) target(%run_scoped3A_26 : memref<128x128xf32, #tpu.memory_space<vmem>>) offsets(%dma_start3A_160 : memref<128xi32, #tpu.memory_space<vmem>>) semaphore(%arg12 : memref<!tpu.dma_semaphore, #tpu.memory_space<semaphore_mem>>)
      %dma_wait3A_164 = arith.constant 0 : i32
      %dma_wait3A_165 = tpu.memref_slice %arg8[%run_scoped3A_10, %dma_wait3A_164] : memref<9x128xi32, #tpu.memory_space<vmem>> -> memref<1x128xi32, #tpu.memory_space<vmem>>
      %dma_wait3A_166 = tpu.memref_squeeze %dma_wait3A_165 : memref<1x128xi32, #tpu.memory_space<vmem>> -> memref<128xi32, #tpu.memory_space<vmem>>
      %dma_wait3A_167 = arith.constant 0 : i32
      %dma_wait3A_168 = arith.constant 0 : i32
      %dma_wait3A_169 = tpu.memref_slice %arg5[%dma_wait3A_167, %dma_wait3A_168] : memref<100000x128xf32, #tpu.memory_space<hbm>> -> memref<100000x128xf32, #tpu.memory_space<hbm>>
      tpu.wait_indirect_dma semaphore(%arg13 : memref<!tpu.dma_semaphore, #tpu.memory_space<semaphore_mem>>) src(%dma_wait3A_169 : memref<100000x128xf32, #tpu.memory_space<hbm>>) dst(%run_scoped3A_27 : memref<128x128xf32, #tpu.memory_space<vmem>>)
      %dma_start3A_170 = arith.constant 0 : i32
      %dma_start3A_171 = tpu.memref_slice %arg6[%run_scoped3A_15, %mul3A_2, %dma_start3A_170] : memref<9x4096x128xf32, #tpu.memory_space<hbm>> -> memref<1x128x128xf32, #tpu.memory_space<hbm>>
      %dma_start3A_172 = tpu.memref_squeeze %dma_start3A_171 : memref<1x128x128xf32, #tpu.memory_space<hbm>> -> memref<128x128xf32, #tpu.memory_space<hbm>>
      %dma_start3A_173 = arith.constant 0 : i32
      %dma_start3A_174 = tpu.memref_slice %arg6[%run_scoped3A_15, %mul3A_2, %dma_start3A_173] : memref<9x4096x128xf32, #tpu.memory_space<hbm>> -> memref<1x128x128xf32, #tpu.memory_space<hbm>>
      %dma_start3A_175 = tpu.memref_squeeze %dma_start3A_174 : memref<1x128x128xf32, #tpu.memory_space<hbm>> -> memref<128x128xf32, #tpu.memory_space<hbm>>
      tpu.enqueue_dma source(%run_scoped3A_27 : memref<128x128xf32, #tpu.memory_space<vmem>>) target(%dma_start3A_175 : memref<128x128xf32, #tpu.memory_space<hbm>>) target_semaphore(%arg16 : memref<!tpu.dma_semaphore, #tpu.memory_space<semaphore_mem>>)
      %dma_wait3A_176 = arith.constant 0 : i32
      %dma_wait3A_177 = tpu.memref_slice %arg6[%run_scoped3A_15, %mul3A_2, %dma_wait3A_176] : memref<9x4096x128xf32, #tpu.memory_space<hbm>> -> memref<1x128x128xf32, #tpu.memory_space<hbm>>
      %dma_wait3A_178 = tpu.memref_squeeze %dma_wait3A_177 : memref<1x128x128xf32, #tpu.memory_space<hbm>> -> memref<128x128xf32, #tpu.memory_space<hbm>>
      %dma_wait3A_179 = arith.constant 0 : i32
      %dma_wait3A_180 = tpu.memref_slice %arg6[%run_scoped3A_15, %mul3A_2, %dma_wait3A_179] : memref<9x4096x128xf32, #tpu.memory_space<hbm>> -> memref<1x128x128xf32, #tpu.memory_space<hbm>>
      %dma_wait3A_181 = tpu.memref_squeeze %dma_wait3A_180 : memref<1x128x128xf32, #tpu.memory_space<hbm>> -> memref<128x128xf32, #tpu.memory_space<hbm>>
      tpu.wait_dma2 semaphore(%arg16 : memref<!tpu.dma_semaphore, #tpu.memory_space<semaphore_mem>>) src(%run_scoped3A_27 : memref<128x128xf32, #tpu.memory_space<vmem>>) dst(%dma_wait3A_181 : memref<128x128xf32, #tpu.memory_space<hbm>>)
      %dma_start3A_182 = arith.constant 0 : i32
      %dma_start3A_183 = tpu.memref_slice %arg8[%run_scoped3A_16, %dma_start3A_182] : memref<9x128xi32, #tpu.memory_space<vmem>> -> memref<1x128xi32, #tpu.memory_space<vmem>>
      %dma_start3A_184 = tpu.memref_squeeze %dma_start3A_183 : memref<1x128xi32, #tpu.memory_space<vmem>> -> memref<128xi32, #tpu.memory_space<vmem>>
      %dma_start3A_185 = arith.constant 0 : i32
      %dma_start3A_186 = arith.constant 0 : i32
      %dma_start3A_187 = tpu.memref_slice %arg5[%dma_start3A_185, %dma_start3A_186] : memref<100000x128xf32, #tpu.memory_space<hbm>> -> memref<100000x128xf32, #tpu.memory_space<hbm>>
      tpu.enqueue_indirect_dma source(%dma_start3A_187 : memref<100000x128xf32, #tpu.memory_space<hbm>>) target(%run_scoped3A_27 : memref<128x128xf32, #tpu.memory_space<vmem>>) offsets(%dma_start3A_184 : memref<128xi32, #tpu.memory_space<vmem>>) semaphore(%arg13 : memref<!tpu.dma_semaphore, #tpu.memory_space<semaphore_mem>>)
      %dma_wait3A_188 = arith.constant 0 : i32
      %dma_wait3A_189 = tpu.memref_slice %arg8[%run_scoped3A_12, %dma_wait3A_188] : memref<9x128xi32, #tpu.memory_space<vmem>> -> memref<1x128xi32, #tpu.memory_space<vmem>>
      %dma_wait3A_190 = tpu.memref_squeeze %dma_wait3A_189 : memref<1x128xi32, #tpu.memory_space<vmem>> -> memref<128xi32, #tpu.memory_space<vmem>>
      %dma_wait3A_191 = arith.constant 0 : i32
      %dma_wait3A_192 = arith.constant 0 : i32
      %dma_wait3A_193 = tpu.memref_slice %arg5[%dma_wait3A_191, %dma_wait3A_192] : memref<100000x128xf32, #tpu.memory_space<hbm>> -> memref<100000x128xf32, #tpu.memory_space<hbm>>
      tpu.wait_indirect_dma semaphore(%arg11 : memref<!tpu.dma_semaphore, #tpu.memory_space<semaphore_mem>>) src(%dma_wait3A_193 : memref<100000x128xf32, #tpu.memory_space<hbm>>) dst(%run_scoped3A_25 : memref<128x128xf32, #tpu.memory_space<vmem>>)
      %dma_start3A_194 = arith.constant 0 : i32
      %dma_start3A_195 = tpu.memref_slice %arg6[%run_scoped3A_17, %mul3A_2, %dma_start3A_194] : memref<9x4096x128xf32, #tpu.memory_space<hbm>> -> memref<1x128x128xf32, #tpu.memory_space<hbm>>
      %dma_start3A_196 = tpu.memref_squeeze %dma_start3A_195 : memref<1x128x128xf32, #tpu.memory_space<hbm>> -> memref<128x128xf32, #tpu.memory_space<hbm>>
      %dma_start3A_197 = arith.constant 0 : i32
      %dma_start3A_198 = tpu.memref_slice %arg6[%run_scoped3A_17, %mul3A_2, %dma_start3A_197] : memref<9x4096x128xf32, #tpu.memory_space<hbm>> -> memref<1x128x128xf32, #tpu.memory_space<hbm>>
      %dma_start3A_199 = tpu.memref_squeeze %dma_start3A_198 : memref<1x128x128xf32, #tpu.memory_space<hbm>> -> memref<128x128xf32, #tpu.memory_space<hbm>>
      tpu.enqueue_dma source(%run_scoped3A_25 : memref<128x128xf32, #tpu.memory_space<vmem>>) target(%dma_start3A_199 : memref<128x128xf32, #tpu.memory_space<hbm>>) target_semaphore(%arg14 : memref<!tpu.dma_semaphore, #tpu.memory_space<semaphore_mem>>)
      %dma_wait3A_200 = arith.constant 0 : i32
      %dma_wait3A_201 = tpu.memref_slice %arg6[%run_scoped3A_17, %mul3A_2, %dma_wait3A_200] : memref<9x4096x128xf32, #tpu.memory_space<hbm>> -> memref<1x128x128xf32, #tpu.memory_space<hbm>>
      %dma_wait3A_202 = tpu.memref_squeeze %dma_wait3A_201 : memref<1x128x128xf32, #tpu.memory_space<hbm>> -> memref<128x128xf32, #tpu.memory_space<hbm>>
      %dma_wait3A_203 = arith.constant 0 : i32
      %dma_wait3A_204 = tpu.memref_slice %arg6[%run_scoped3A_17, %mul3A_2, %dma_wait3A_203] : memref<9x4096x128xf32, #tpu.memory_space<hbm>> -> memref<1x128x128xf32, #tpu.memory_space<hbm>>
      %dma_wait3A_205 = tpu.memref_squeeze %dma_wait3A_204 : memref<1x128x128xf32, #tpu.memory_space<hbm>> -> memref<128x128xf32, #tpu.memory_space<hbm>>
      tpu.wait_dma2 semaphore(%arg14 : memref<!tpu.dma_semaphore, #tpu.memory_space<semaphore_mem>>) src(%run_scoped3A_25 : memref<128x128xf32, #tpu.memory_space<vmem>>) dst(%dma_wait3A_205 : memref<128x128xf32, #tpu.memory_space<hbm>>)
      %dma_start3A_206 = arith.constant 0 : i32
      %dma_start3A_207 = tpu.memref_slice %arg10[%dma_start3A_206] : memref<640xi32, #tpu.memory_space<vmem>> -> memref<128xi32, #tpu.memory_space<vmem>>
      %dma_start3A_208 = arith.constant 0 : i32
      %dma_start3A_209 = arith.constant 0 : i32
      %dma_start3A_210 = tpu.memref_slice %arg5[%dma_start3A_208, %dma_start3A_209] : memref<100000x128xf32, #tpu.memory_space<hbm>> -> memref<100000x128xf32, #tpu.memory_space<hbm>>
      tpu.enqueue_indirect_dma source(%dma_start3A_210 : memref<100000x128xf32, #tpu.memory_space<hbm>>) target(%run_scoped3A_25 : memref<128x128xf32, #tpu.memory_space<vmem>>) offsets(%dma_start3A_207 : memref<128xi32, #tpu.memory_space<vmem>>) semaphore(%arg11 : memref<!tpu.dma_semaphore, #tpu.memory_space<semaphore_mem>>)
      %dma_wait3A_211 = arith.constant 0 : i32
      %dma_wait3A_212 = tpu.memref_slice %arg8[%run_scoped3A_14, %dma_wait3A_211] : memref<9x128xi32, #tpu.memory_space<vmem>> -> memref<1x128xi32, #tpu.memory_space<vmem>>
      %dma_wait3A_213 = tpu.memref_squeeze %dma_wait3A_212 : memref<1x128xi32, #tpu.memory_space<vmem>> -> memref<128xi32, #tpu.memory_space<vmem>>
      %dma_wait3A_214 = arith.constant 0 : i32
      %dma_wait3A_215 = arith.constant 0 : i32
      %dma_wait3A_216 = tpu.memref_slice %arg5[%dma_wait3A_214, %dma_wait3A_215] : memref<100000x128xf32, #tpu.memory_space<hbm>> -> memref<100000x128xf32, #tpu.memory_space<hbm>>
      tpu.wait_indirect_dma semaphore(%arg12 : memref<!tpu.dma_semaphore, #tpu.memory_space<semaphore_mem>>) src(%dma_wait3A_216 : memref<100000x128xf32, #tpu.memory_space<hbm>>) dst(%run_scoped3A_26 : memref<128x128xf32, #tpu.memory_space<vmem>>)
      %dma_start3A_217 = arith.constant 0 : i32
      %dma_start3A_218 = tpu.memref_slice %arg6[%run_scoped3A_18, %mul3A_2, %dma_start3A_217] : memref<9x4096x128xf32, #tpu.memory_space<hbm>> -> memref<1x128x128xf32, #tpu.memory_space<hbm>>
      %dma_start3A_219 = tpu.memref_squeeze %dma_start3A_218 : memref<1x128x128xf32, #tpu.memory_space<hbm>> -> memref<128x128xf32, #tpu.memory_space<hbm>>
      %dma_start3A_220 = arith.constant 0 : i32
      %dma_start3A_221 = tpu.memref_slice %arg6[%run_scoped3A_18, %mul3A_2, %dma_start3A_220] : memref<9x4096x128xf32, #tpu.memory_space<hbm>> -> memref<1x128x128xf32, #tpu.memory_space<hbm>>
      %dma_start3A_222 = tpu.memref_squeeze %dma_start3A_221 : memref<1x128x128xf32, #tpu.memory_space<hbm>> -> memref<128x128xf32, #tpu.memory_space<hbm>>
      tpu.enqueue_dma source(%run_scoped3A_26 : memref<128x128xf32, #tpu.memory_space<vmem>>) target(%dma_start3A_222 : memref<128x128xf32, #tpu.memory_space<hbm>>) target_semaphore(%arg15 : memref<!tpu.dma_semaphore, #tpu.memory_space<semaphore_mem>>)
      %dma_wait3A_223 = arith.constant 0 : i32
      %dma_wait3A_224 = tpu.memref_slice %arg6[%run_scoped3A_18, %mul3A_2, %dma_wait3A_223] : memref<9x4096x128xf32, #tpu.memory_space<hbm>> -> memref<1x128x128xf32, #tpu.memory_space<hbm>>
      %dma_wait3A_225 = tpu.memref_squeeze %dma_wait3A_224 : memref<1x128x128xf32, #tpu.memory_space<hbm>> -> memref<128x128xf32, #tpu.memory_space<hbm>>
      %dma_wait3A_226 = arith.constant 0 : i32
      %dma_wait3A_227 = tpu.memref_slice %arg6[%run_scoped3A_18, %mul3A_2, %dma_wait3A_226] : memref<9x4096x128xf32, #tpu.memory_space<hbm>> -> memref<1x128x128xf32, #tpu.memory_space<hbm>>
      %dma_wait3A_228 = tpu.memref_squeeze %dma_wait3A_227 : memref<1x128x128xf32, #tpu.memory_space<hbm>> -> memref<128x128xf32, #tpu.memory_space<hbm>>
      tpu.wait_dma2 semaphore(%arg15 : memref<!tpu.dma_semaphore, #tpu.memory_space<semaphore_mem>>) src(%run_scoped3A_26 : memref<128x128xf32, #tpu.memory_space<vmem>>) dst(%dma_wait3A_228 : memref<128x128xf32, #tpu.memory_space<hbm>>)
      %dma_start3A_229 = arith.constant 128 : i32
      %dma_start3A_230 = tpu.memref_slice %arg10[%dma_start3A_229] : memref<640xi32, #tpu.memory_space<vmem>> -> memref<128xi32, #tpu.memory_space<vmem>>
      %dma_start3A_231 = arith.constant 0 : i32
      %dma_start3A_232 = arith.constant 0 : i32
      %dma_start3A_233 = tpu.memref_slice %arg5[%dma_start3A_231, %dma_start3A_232] : memref<100000x128xf32, #tpu.memory_space<hbm>> -> memref<100000x128xf32, #tpu.memory_space<hbm>>
      tpu.enqueue_indirect_dma source(%dma_start3A_233 : memref<100000x128xf32, #tpu.memory_space<hbm>>) target(%run_scoped3A_26 : memref<128x128xf32, #tpu.memory_space<vmem>>) offsets(%dma_start3A_230 : memref<128xi32, #tpu.memory_space<vmem>>) semaphore(%arg12 : memref<!tpu.dma_semaphore, #tpu.memory_space<semaphore_mem>>)
      %dma_wait3A_234 = arith.constant 0 : i32
      %dma_wait3A_235 = tpu.memref_slice %arg8[%run_scoped3A_16, %dma_wait3A_234] : memref<9x128xi32, #tpu.memory_space<vmem>> -> memref<1x128xi32, #tpu.memory_space<vmem>>
      %dma_wait3A_236 = tpu.memref_squeeze %dma_wait3A_235 : memref<1x128xi32, #tpu.memory_space<vmem>> -> memref<128xi32, #tpu.memory_space<vmem>>
      %dma_wait3A_237 = arith.constant 0 : i32
      %dma_wait3A_238 = arith.constant 0 : i32
      %dma_wait3A_239 = tpu.memref_slice %arg5[%dma_wait3A_237, %dma_wait3A_238] : memref<100000x128xf32, #tpu.memory_space<hbm>> -> memref<100000x128xf32, #tpu.memory_space<hbm>>
      tpu.wait_indirect_dma semaphore(%arg13 : memref<!tpu.dma_semaphore, #tpu.memory_space<semaphore_mem>>) src(%dma_wait3A_239 : memref<100000x128xf32, #tpu.memory_space<hbm>>) dst(%run_scoped3A_27 : memref<128x128xf32, #tpu.memory_space<vmem>>)
      %dma_start3A_240 = arith.constant 0 : i32
      %dma_start3A_241 = tpu.memref_slice %arg6[%run_scoped3A_19, %mul3A_2, %dma_start3A_240] : memref<9x4096x128xf32, #tpu.memory_space<hbm>> -> memref<1x128x128xf32, #tpu.memory_space<hbm>>
      %dma_start3A_242 = tpu.memref_squeeze %dma_start3A_241 : memref<1x128x128xf32, #tpu.memory_space<hbm>> -> memref<128x128xf32, #tpu.memory_space<hbm>>
      %dma_start3A_243 = arith.constant 0 : i32
      %dma_start3A_244 = tpu.memref_slice %arg6[%run_scoped3A_19, %mul3A_2, %dma_start3A_243] : memref<9x4096x128xf32, #tpu.memory_space<hbm>> -> memref<1x128x128xf32, #tpu.memory_space<hbm>>
      %dma_start3A_245 = tpu.memref_squeeze %dma_start3A_244 : memref<1x128x128xf32, #tpu.memory_space<hbm>> -> memref<128x128xf32, #tpu.memory_space<hbm>>
      tpu.enqueue_dma source(%run_scoped3A_27 : memref<128x128xf32, #tpu.memory_space<vmem>>) target(%dma_start3A_245 : memref<128x128xf32, #tpu.memory_space<hbm>>) target_semaphore(%arg16 : memref<!tpu.dma_semaphore, #tpu.memory_space<semaphore_mem>>)
      %dma_wait3A_246 = arith.constant 0 : i32
      %dma_wait3A_247 = tpu.memref_slice %arg6[%run_scoped3A_19, %mul3A_2, %dma_wait3A_246] : memref<9x4096x128xf32, #tpu.memory_space<hbm>> -> memref<1x128x128xf32, #tpu.memory_space<hbm>>
      %dma_wait3A_248 = tpu.memref_squeeze %dma_wait3A_247 : memref<1x128x128xf32, #tpu.memory_space<hbm>> -> memref<128x128xf32, #tpu.memory_space<hbm>>
      %dma_wait3A_249 = arith.constant 0 : i32
      %dma_wait3A_250 = tpu.memref_slice %arg6[%run_scoped3A_19, %mul3A_2, %dma_wait3A_249] : memref<9x4096x128xf32, #tpu.memory_space<hbm>> -> memref<1x128x128xf32, #tpu.memory_space<hbm>>
      %dma_wait3A_251 = tpu.memref_squeeze %dma_wait3A_250 : memref<1x128x128xf32, #tpu.memory_space<hbm>> -> memref<128x128xf32, #tpu.memory_space<hbm>>
      tpu.wait_dma2 semaphore(%arg16 : memref<!tpu.dma_semaphore, #tpu.memory_space<semaphore_mem>>) src(%run_scoped3A_27 : memref<128x128xf32, #tpu.memory_space<vmem>>) dst(%dma_wait3A_251 : memref<128x128xf32, #tpu.memory_space<hbm>>)
      %dma_start3A_252 = arith.constant 256 : i32
      %dma_start3A_253 = tpu.memref_slice %arg10[%dma_start3A_252] : memref<640xi32, #tpu.memory_space<vmem>> -> memref<128xi32, #tpu.memory_space<vmem>>
      %dma_start3A_254 = arith.constant 0 : i32
      %dma_start3A_255 = arith.constant 0 : i32
      %dma_start3A_256 = tpu.memref_slice %arg5[%dma_start3A_254, %dma_start3A_255] : memref<100000x128xf32, #tpu.memory_space<hbm>> -> memref<100000x128xf32, #tpu.memory_space<hbm>>
      tpu.enqueue_indirect_dma source(%dma_start3A_256 : memref<100000x128xf32, #tpu.memory_space<hbm>>) target(%run_scoped3A_27 : memref<128x128xf32, #tpu.memory_space<vmem>>) offsets(%dma_start3A_253 : memref<128xi32, #tpu.memory_space<vmem>>) semaphore(%arg13 : memref<!tpu.dma_semaphore, #tpu.memory_space<semaphore_mem>>)
      %dma_wait3A_257 = arith.constant 0 : i32
      %dma_wait3A_258 = tpu.memref_slice %arg10[%dma_wait3A_257] : memref<640xi32, #tpu.memory_space<vmem>> -> memref<128xi32, #tpu.memory_space<vmem>>
      %dma_wait3A_259 = arith.constant 0 : i32
      %dma_wait3A_260 = arith.constant 0 : i32
      %dma_wait3A_261 = tpu.memref_slice %arg5[%dma_wait3A_259, %dma_wait3A_260] : memref<100000x128xf32, #tpu.memory_space<hbm>> -> memref<100000x128xf32, #tpu.memory_space<hbm>>
      tpu.wait_indirect_dma semaphore(%arg11 : memref<!tpu.dma_semaphore, #tpu.memory_space<semaphore_mem>>) src(%dma_wait3A_261 : memref<100000x128xf32, #tpu.memory_space<hbm>>) dst(%run_scoped3A_25 : memref<128x128xf32, #tpu.memory_space<vmem>>)
      %dma_start3A_262 = arith.constant 0 : i32
      %dma_start3A_263 = tpu.memref_slice %arg7[%run_scoped3A_20, %mul3A_2, %dma_start3A_262] : memref<5x4096x128xf32, #tpu.memory_space<hbm>> -> memref<1x128x128xf32, #tpu.memory_space<hbm>>
      %dma_start3A_264 = tpu.memref_squeeze %dma_start3A_263 : memref<1x128x128xf32, #tpu.memory_space<hbm>> -> memref<128x128xf32, #tpu.memory_space<hbm>>
      %dma_start3A_265 = arith.constant 0 : i32
      %dma_start3A_266 = tpu.memref_slice %arg7[%run_scoped3A_20, %mul3A_2, %dma_start3A_265] : memref<5x4096x128xf32, #tpu.memory_space<hbm>> -> memref<1x128x128xf32, #tpu.memory_space<hbm>>
      %dma_start3A_267 = tpu.memref_squeeze %dma_start3A_266 : memref<1x128x128xf32, #tpu.memory_space<hbm>> -> memref<128x128xf32, #tpu.memory_space<hbm>>
      tpu.enqueue_dma source(%run_scoped3A_25 : memref<128x128xf32, #tpu.memory_space<vmem>>) target(%dma_start3A_267 : memref<128x128xf32, #tpu.memory_space<hbm>>) target_semaphore(%arg14 : memref<!tpu.dma_semaphore, #tpu.memory_space<semaphore_mem>>)
      %dma_wait3A_268 = arith.constant 0 : i32
      %dma_wait3A_269 = tpu.memref_slice %arg7[%run_scoped3A_20, %mul3A_2, %dma_wait3A_268] : memref<5x4096x128xf32, #tpu.memory_space<hbm>> -> memref<1x128x128xf32, #tpu.memory_space<hbm>>
      %dma_wait3A_270 = tpu.memref_squeeze %dma_wait3A_269 : memref<1x128x128xf32, #tpu.memory_space<hbm>> -> memref<128x128xf32, #tpu.memory_space<hbm>>
      %dma_wait3A_271 = arith.constant 0 : i32
      %dma_wait3A_272 = tpu.memref_slice %arg7[%run_scoped3A_20, %mul3A_2, %dma_wait3A_271] : memref<5x4096x128xf32, #tpu.memory_space<hbm>> -> memref<1x128x128xf32, #tpu.memory_space<hbm>>
      %dma_wait3A_273 = tpu.memref_squeeze %dma_wait3A_272 : memref<1x128x128xf32, #tpu.memory_space<hbm>> -> memref<128x128xf32, #tpu.memory_space<hbm>>
      tpu.wait_dma2 semaphore(%arg14 : memref<!tpu.dma_semaphore, #tpu.memory_space<semaphore_mem>>) src(%run_scoped3A_25 : memref<128x128xf32, #tpu.memory_space<vmem>>) dst(%dma_wait3A_273 : memref<128x128xf32, #tpu.memory_space<hbm>>)
      %dma_start3A_274 = arith.constant 384 : i32
      %dma_start3A_275 = tpu.memref_slice %arg10[%dma_start3A_274] : memref<640xi32, #tpu.memory_space<vmem>> -> memref<128xi32, #tpu.memory_space<vmem>>
      %dma_start3A_276 = arith.constant 0 : i32
      %dma_start3A_277 = arith.constant 0 : i32
      %dma_start3A_278 = tpu.memref_slice %arg5[%dma_start3A_276, %dma_start3A_277] : memref<100000x128xf32, #tpu.memory_space<hbm>> -> memref<100000x128xf32, #tpu.memory_space<hbm>>
      tpu.enqueue_indirect_dma source(%dma_start3A_278 : memref<100000x128xf32, #tpu.memory_space<hbm>>) target(%run_scoped3A_25 : memref<128x128xf32, #tpu.memory_space<vmem>>) offsets(%dma_start3A_275 : memref<128xi32, #tpu.memory_space<vmem>>) semaphore(%arg11 : memref<!tpu.dma_semaphore, #tpu.memory_space<semaphore_mem>>)
      %dma_wait3A_279 = arith.constant 128 : i32
      %dma_wait3A_280 = tpu.memref_slice %arg10[%dma_wait3A_279] : memref<640xi32, #tpu.memory_space<vmem>> -> memref<128xi32, #tpu.memory_space<vmem>>
      %dma_wait3A_281 = arith.constant 0 : i32
      %dma_wait3A_282 = arith.constant 0 : i32
      %dma_wait3A_283 = tpu.memref_slice %arg5[%dma_wait3A_281, %dma_wait3A_282] : memref<100000x128xf32, #tpu.memory_space<hbm>> -> memref<100000x128xf32, #tpu.memory_space<hbm>>
      tpu.wait_indirect_dma semaphore(%arg12 : memref<!tpu.dma_semaphore, #tpu.memory_space<semaphore_mem>>) src(%dma_wait3A_283 : memref<100000x128xf32, #tpu.memory_space<hbm>>) dst(%run_scoped3A_26 : memref<128x128xf32, #tpu.memory_space<vmem>>)
      %dma_start3A_284 = arith.constant 0 : i32
      %dma_start3A_285 = tpu.memref_slice %arg7[%run_scoped3A_21, %mul3A_2, %dma_start3A_284] : memref<5x4096x128xf32, #tpu.memory_space<hbm>> -> memref<1x128x128xf32, #tpu.memory_space<hbm>>
      %dma_start3A_286 = tpu.memref_squeeze %dma_start3A_285 : memref<1x128x128xf32, #tpu.memory_space<hbm>> -> memref<128x128xf32, #tpu.memory_space<hbm>>
      %dma_start3A_287 = arith.constant 0 : i32
      %dma_start3A_288 = tpu.memref_slice %arg7[%run_scoped3A_21, %mul3A_2, %dma_start3A_287] : memref<5x4096x128xf32, #tpu.memory_space<hbm>> -> memref<1x128x128xf32, #tpu.memory_space<hbm>>
      %dma_start3A_289 = tpu.memref_squeeze %dma_start3A_288 : memref<1x128x128xf32, #tpu.memory_space<hbm>> -> memref<128x128xf32, #tpu.memory_space<hbm>>
      tpu.enqueue_dma source(%run_scoped3A_26 : memref<128x128xf32, #tpu.memory_space<vmem>>) target(%dma_start3A_289 : memref<128x128xf32, #tpu.memory_space<hbm>>) target_semaphore(%arg15 : memref<!tpu.dma_semaphore, #tpu.memory_space<semaphore_mem>>)
      %dma_wait3A_290 = arith.constant 0 : i32
      %dma_wait3A_291 = tpu.memref_slice %arg7[%run_scoped3A_21, %mul3A_2, %dma_wait3A_290] : memref<5x4096x128xf32, #tpu.memory_space<hbm>> -> memref<1x128x128xf32, #tpu.memory_space<hbm>>
      %dma_wait3A_292 = tpu.memref_squeeze %dma_wait3A_291 : memref<1x128x128xf32, #tpu.memory_space<hbm>> -> memref<128x128xf32, #tpu.memory_space<hbm>>
      %dma_wait3A_293 = arith.constant 0 : i32
      %dma_wait3A_294 = tpu.memref_slice %arg7[%run_scoped3A_21, %mul3A_2, %dma_wait3A_293] : memref<5x4096x128xf32, #tpu.memory_space<hbm>> -> memref<1x128x128xf32, #tpu.memory_space<hbm>>
      %dma_wait3A_295 = tpu.memref_squeeze %dma_wait3A_294 : memref<1x128x128xf32, #tpu.memory_space<hbm>> -> memref<128x128xf32, #tpu.memory_space<hbm>>
      tpu.wait_dma2 semaphore(%arg15 : memref<!tpu.dma_semaphore, #tpu.memory_space<semaphore_mem>>) src(%run_scoped3A_26 : memref<128x128xf32, #tpu.memory_space<vmem>>) dst(%dma_wait3A_295 : memref<128x128xf32, #tpu.memory_space<hbm>>)
      %dma_start3A_296 = arith.constant 512 : i32
      %dma_start3A_297 = tpu.memref_slice %arg10[%dma_start3A_296] : memref<640xi32, #tpu.memory_space<vmem>> -> memref<128xi32, #tpu.memory_space<vmem>>
      %dma_start3A_298 = arith.constant 0 : i32
      %dma_start3A_299 = arith.constant 0 : i32
      %dma_start3A_300 = tpu.memref_slice %arg5[%dma_start3A_298, %dma_start3A_299] : memref<100000x128xf32, #tpu.memory_space<hbm>> -> memref<100000x128xf32, #tpu.memory_space<hbm>>
      tpu.enqueue_indirect_dma source(%dma_start3A_300 : memref<100000x128xf32, #tpu.memory_space<hbm>>) target(%run_scoped3A_26 : memref<128x128xf32, #tpu.memory_space<vmem>>) offsets(%dma_start3A_297 : memref<128xi32, #tpu.memory_space<vmem>>) semaphore(%arg12 : memref<!tpu.dma_semaphore, #tpu.memory_space<semaphore_mem>>)
      %dma_wait3A_301 = arith.constant 256 : i32
      %dma_wait3A_302 = tpu.memref_slice %arg10[%dma_wait3A_301] : memref<640xi32, #tpu.memory_space<vmem>> -> memref<128xi32, #tpu.memory_space<vmem>>
      %dma_wait3A_303 = arith.constant 0 : i32
      %dma_wait3A_304 = arith.constant 0 : i32
      %dma_wait3A_305 = tpu.memref_slice %arg5[%dma_wait3A_303, %dma_wait3A_304] : memref<100000x128xf32, #tpu.memory_space<hbm>> -> memref<100000x128xf32, #tpu.memory_space<hbm>>
      tpu.wait_indirect_dma semaphore(%arg13 : memref<!tpu.dma_semaphore, #tpu.memory_space<semaphore_mem>>) src(%dma_wait3A_305 : memref<100000x128xf32, #tpu.memory_space<hbm>>) dst(%run_scoped3A_27 : memref<128x128xf32, #tpu.memory_space<vmem>>)
      %dma_start3A_306 = arith.constant 0 : i32
      %dma_start3A_307 = tpu.memref_slice %arg7[%run_scoped3A_22, %mul3A_2, %dma_start3A_306] : memref<5x4096x128xf32, #tpu.memory_space<hbm>> -> memref<1x128x128xf32, #tpu.memory_space<hbm>>
      %dma_start3A_308 = tpu.memref_squeeze %dma_start3A_307 : memref<1x128x128xf32, #tpu.memory_space<hbm>> -> memref<128x128xf32, #tpu.memory_space<hbm>>
      %dma_start3A_309 = arith.constant 0 : i32
      %dma_start3A_310 = tpu.memref_slice %arg7[%run_scoped3A_22, %mul3A_2, %dma_start3A_309] : memref<5x4096x128xf32, #tpu.memory_space<hbm>> -> memref<1x128x128xf32, #tpu.memory_space<hbm>>
      %dma_start3A_311 = tpu.memref_squeeze %dma_start3A_310 : memref<1x128x128xf32, #tpu.memory_space<hbm>> -> memref<128x128xf32, #tpu.memory_space<hbm>>
      tpu.enqueue_dma source(%run_scoped3A_27 : memref<128x128xf32, #tpu.memory_space<vmem>>) target(%dma_start3A_311 : memref<128x128xf32, #tpu.memory_space<hbm>>) target_semaphore(%arg16 : memref<!tpu.dma_semaphore, #tpu.memory_space<semaphore_mem>>)
      %dma_wait3A_312 = arith.constant 384 : i32
      %dma_wait3A_313 = tpu.memref_slice %arg10[%dma_wait3A_312] : memref<640xi32, #tpu.memory_space<vmem>> -> memref<128xi32, #tpu.memory_space<vmem>>
      %dma_wait3A_314 = arith.constant 0 : i32
      %dma_wait3A_315 = arith.constant 0 : i32
      %dma_wait3A_316 = tpu.memref_slice %arg5[%dma_wait3A_314, %dma_wait3A_315] : memref<100000x128xf32, #tpu.memory_space<hbm>> -> memref<100000x128xf32, #tpu.memory_space<hbm>>
      tpu.wait_indirect_dma semaphore(%arg11 : memref<!tpu.dma_semaphore, #tpu.memory_space<semaphore_mem>>) src(%dma_wait3A_316 : memref<100000x128xf32, #tpu.memory_space<hbm>>) dst(%run_scoped3A_25 : memref<128x128xf32, #tpu.memory_space<vmem>>)
      %dma_start3A_317 = arith.constant 0 : i32
      %dma_start3A_318 = tpu.memref_slice %arg7[%run_scoped3A_23, %mul3A_2, %dma_start3A_317] : memref<5x4096x128xf32, #tpu.memory_space<hbm>> -> memref<1x128x128xf32, #tpu.memory_space<hbm>>
      %dma_start3A_319 = tpu.memref_squeeze %dma_start3A_318 : memref<1x128x128xf32, #tpu.memory_space<hbm>> -> memref<128x128xf32, #tpu.memory_space<hbm>>
      %dma_start3A_320 = arith.constant 0 : i32
      %dma_start3A_321 = tpu.memref_slice %arg7[%run_scoped3A_23, %mul3A_2, %dma_start3A_320] : memref<5x4096x128xf32, #tpu.memory_space<hbm>> -> memref<1x128x128xf32, #tpu.memory_space<hbm>>
      %dma_start3A_322 = tpu.memref_squeeze %dma_start3A_321 : memref<1x128x128xf32, #tpu.memory_space<hbm>> -> memref<128x128xf32, #tpu.memory_space<hbm>>
      tpu.enqueue_dma source(%run_scoped3A_25 : memref<128x128xf32, #tpu.memory_space<vmem>>) target(%dma_start3A_322 : memref<128x128xf32, #tpu.memory_space<hbm>>) target_semaphore(%arg14 : memref<!tpu.dma_semaphore, #tpu.memory_space<semaphore_mem>>)
      %dma_wait3A_323 = arith.constant 512 : i32
      %dma_wait3A_324 = tpu.memref_slice %arg10[%dma_wait3A_323] : memref<640xi32, #tpu.memory_space<vmem>> -> memref<128xi32, #tpu.memory_space<vmem>>
      %dma_wait3A_325 = arith.constant 0 : i32
      %dma_wait3A_326 = arith.constant 0 : i32
      %dma_wait3A_327 = tpu.memref_slice %arg5[%dma_wait3A_325, %dma_wait3A_326] : memref<100000x128xf32, #tpu.memory_space<hbm>> -> memref<100000x128xf32, #tpu.memory_space<hbm>>
      tpu.wait_indirect_dma semaphore(%arg12 : memref<!tpu.dma_semaphore, #tpu.memory_space<semaphore_mem>>) src(%dma_wait3A_327 : memref<100000x128xf32, #tpu.memory_space<hbm>>) dst(%run_scoped3A_26 : memref<128x128xf32, #tpu.memory_space<vmem>>)
      %dma_start3A_328 = arith.constant 0 : i32
      %dma_start3A_329 = tpu.memref_slice %arg7[%run_scoped3A_24, %mul3A_2, %dma_start3A_328] : memref<5x4096x128xf32, #tpu.memory_space<hbm>> -> memref<1x128x128xf32, #tpu.memory_space<hbm>>
      %dma_start3A_330 = tpu.memref_squeeze %dma_start3A_329 : memref<1x128x128xf32, #tpu.memory_space<hbm>> -> memref<128x128xf32, #tpu.memory_space<hbm>>
      %dma_start3A_331 = arith.constant 0 : i32
      %dma_start3A_332 = tpu.memref_slice %arg7[%run_scoped3A_24, %mul3A_2, %dma_start3A_331] : memref<5x4096x128xf32, #tpu.memory_space<hbm>> -> memref<1x128x128xf32, #tpu.memory_space<hbm>>
      %dma_start3A_333 = tpu.memref_squeeze %dma_start3A_332 : memref<1x128x128xf32, #tpu.memory_space<hbm>> -> memref<128x128xf32, #tpu.memory_space<hbm>>
      tpu.enqueue_dma source(%run_scoped3A_26 : memref<128x128xf32, #tpu.memory_space<vmem>>) target(%dma_start3A_333 : memref<128x128xf32, #tpu.memory_space<hbm>>) target_semaphore(%arg15 : memref<!tpu.dma_semaphore, #tpu.memory_space<semaphore_mem>>)
      %dma_wait3A_334 = arith.constant 0 : i32
      %dma_wait3A_335 = tpu.memref_slice %arg7[%run_scoped3A_22, %mul3A_2, %dma_wait3A_334] : memref<5x4096x128xf32, #tpu.memory_space<hbm>> -> memref<1x128x128xf32, #tpu.memory_space<hbm>>
      %dma_wait3A_336 = tpu.memref_squeeze %dma_wait3A_335 : memref<1x128x128xf32, #tpu.memory_space<hbm>> -> memref<128x128xf32, #tpu.memory_space<hbm>>
      %dma_wait3A_337 = arith.constant 0 : i32
      %dma_wait3A_338 = tpu.memref_slice %arg7[%run_scoped3A_22, %mul3A_2, %dma_wait3A_337] : memref<5x4096x128xf32, #tpu.memory_space<hbm>> -> memref<1x128x128xf32, #tpu.memory_space<hbm>>
      %dma_wait3A_339 = tpu.memref_squeeze %dma_wait3A_338 : memref<1x128x128xf32, #tpu.memory_space<hbm>> -> memref<128x128xf32, #tpu.memory_space<hbm>>
      tpu.wait_dma2 semaphore(%arg16 : memref<!tpu.dma_semaphore, #tpu.memory_space<semaphore_mem>>) src(%run_scoped3A_27 : memref<128x128xf32, #tpu.memory_space<vmem>>) dst(%dma_wait3A_339 : memref<128x128xf32, #tpu.memory_space<hbm>>)
      %dma_wait3A_340 = arith.constant 0 : i32
      %dma_wait3A_341 = tpu.memref_slice %arg7[%run_scoped3A_23, %mul3A_2, %dma_wait3A_340] : memref<5x4096x128xf32, #tpu.memory_space<hbm>> -> memref<1x128x128xf32, #tpu.memory_space<hbm>>
      %dma_wait3A_342 = tpu.memref_squeeze %dma_wait3A_341 : memref<1x128x128xf32, #tpu.memory_space<hbm>> -> memref<128x128xf32, #tpu.memory_space<hbm>>
      %dma_wait3A_343 = arith.constant 0 : i32
      %dma_wait3A_344 = tpu.memref_slice %arg7[%run_scoped3A_23, %mul3A_2, %dma_wait3A_343] : memref<5x4096x128xf32, #tpu.memory_space<hbm>> -> memref<1x128x128xf32, #tpu.memory_space<hbm>>
      %dma_wait3A_345 = tpu.memref_squeeze %dma_wait3A_344 : memref<1x128x128xf32, #tpu.memory_space<hbm>> -> memref<128x128xf32, #tpu.memory_space<hbm>>
      tpu.wait_dma2 semaphore(%arg14 : memref<!tpu.dma_semaphore, #tpu.memory_space<semaphore_mem>>) src(%run_scoped3A_25 : memref<128x128xf32, #tpu.memory_space<vmem>>) dst(%dma_wait3A_345 : memref<128x128xf32, #tpu.memory_space<hbm>>)
      %dma_wait3A_346 = arith.constant 0 : i32
      %dma_wait3A_347 = tpu.memref_slice %arg7[%run_scoped3A_24, %mul3A_2, %dma_wait3A_346] : memref<5x4096x128xf32, #tpu.memory_space<hbm>> -> memref<1x128x128xf32, #tpu.memory_space<hbm>>
      %dma_wait3A_348 = tpu.memref_squeeze %dma_wait3A_347 : memref<1x128x128xf32, #tpu.memory_space<hbm>> -> memref<128x128xf32, #tpu.memory_space<hbm>>
      %dma_wait3A_349 = arith.constant 0 : i32
      %dma_wait3A_350 = tpu.memref_slice %arg7[%run_scoped3A_24, %mul3A_2, %dma_wait3A_349] : memref<5x4096x128xf32, #tpu.memory_space<hbm>> -> memref<1x128x128xf32, #tpu.memory_space<hbm>>
      %dma_wait3A_351 = tpu.memref_squeeze %dma_wait3A_350 : memref<1x128x128xf32, #tpu.memory_space<hbm>> -> memref<128x128xf32, #tpu.memory_space<hbm>>
      tpu.wait_dma2 semaphore(%arg15 : memref<!tpu.dma_semaphore, #tpu.memory_space<semaphore_mem>>) src(%run_scoped3A_26 : memref<128x128xf32, #tpu.memory_space<vmem>>) dst(%dma_wait3A_351 : memref<128x128xf32, #tpu.memory_space<hbm>>)
      tpu.yield
    }) : () -> ()
    return
  }
}

module attributes {stable_mosaic.version = 14 : i64} {
  func.func @body(%arg0: i32, %arg1: memref<9x256x128xf32, #tpu.memory_space<vmem>>, %arg2: memref<5x256x128xf32, #tpu.memory_space<vmem>>, %arg3: memref<1x256xf32, #tpu.memory_space<vmem>>) attributes {dimension_semantics = [#tpu.dimension_semantics<arbitrary>], iteration_bounds = array<i64: 16>, scalar_prefetch = 0 : i64, scratch_operands = 0 : i64, tpu.core_type = #tpu.core_type<tc>, window_params = [{transform_indices = @transform_0, window_bounds = array<i64: 9, 256, 128>}, {transform_indices = @transform_1, window_bounds = array<i64: 5, 256, 128>}, {pipeline_mode = #tpu.pipeline_mode<synchronous>, transform_indices = @transform_2, window_bounds = array<i64: 1, 256>}]} {
    %eq3A = arith.constant 0 : i32
    %eq3A_0 = arith.cmpi eq, %arg0, %eq3A : i32
    %convert_element_type3A = arith.extui %eq3A_0 : i1 to i32
    %cond3A = arith.constant 0 : i32
    %cond3A_1 = arith.cmpi ne, %convert_element_type3A, %cond3A : i32
    scf.if %cond3A_1 {
      %broadcast_in_dim3A_1740 = arith.constant 0.000000e+00 : f32
      %broadcast_in_dim3A_1741 = vector.broadcast %broadcast_in_dim3A_1740 : f32 to vector<1x256xf32>
      %swap3A_1742 = arith.constant 0 : index
      %swap3A_1743 = arith.constant 0 : index
      %swap3A_1744 = vector.load %arg3[%swap3A_1742, %swap3A_1743] : memref<1x256xf32, #tpu.memory_space<vmem>>, vector<1x256xf32>
      tpu.vector_store %arg3[%swap3A_1742, %swap3A_1743], %broadcast_in_dim3A_1741 {strides = array<i32>} : memref<1x256xf32, #tpu.memory_space<vmem>>, vector<1x256xf32>,
    } else {
    }
    %get3A = arith.constant 0 : index
    %get3A_2 = arith.constant 0 : index
    %get3A_3 = arith.constant 0 : index
    %get3A_4 = vector.load %arg1[%get3A, %get3A_2, %get3A_3] : memref<9x256x128xf32, #tpu.memory_space<vmem>>, vector<1x256x128xf32>
    %get3A_5 = vector.shape_cast %get3A_4 : vector<1x256x128xf32> to vector<256x128xf32>
    %transpose3A = tpu.transpose %get3A_5, [1, 0] : vector<256x128xf32> -> vector<128x256xf32>
    %get3A_6 = arith.constant 1 : index
    %get3A_7 = arith.constant 0 : index
    %get3A_8 = arith.constant 0 : index
    %get3A_9 = vector.load %arg1[%get3A_6, %get3A_7, %get3A_8] : memref<9x256x128xf32, #tpu.memory_space<vmem>>, vector<1x256x128xf32>
    %get3A_10 = vector.shape_cast %get3A_9 : vector<1x256x128xf32> to vector<256x128xf32>
    %transpose3A_11 = tpu.transpose %get3A_10, [1, 0] : vector<256x128xf32> -> vector<128x256xf32>
    %get3A_12 = arith.constant 2 : index
    %get3A_13 = arith.constant 0 : index
    %get3A_14 = arith.constant 0 : index
    %get3A_15 = vector.load %arg1[%get3A_12, %get3A_13, %get3A_14] : memref<9x256x128xf32, #tpu.memory_space<vmem>>, vector<1x256x128xf32>
    %get3A_16 = vector.shape_cast %get3A_15 : vector<1x256x128xf32> to vector<256x128xf32>
    %transpose3A_17 = tpu.transpose %get3A_16, [1, 0] : vector<256x128xf32> -> vector<128x256xf32>
    %get3A_18 = arith.constant 3 : index
    %get3A_19 = arith.constant 0 : index
    %get3A_20 = arith.constant 0 : index
    %get3A_21 = vector.load %arg1[%get3A_18, %get3A_19, %get3A_20] : memref<9x256x128xf32, #tpu.memory_space<vmem>>, vector<1x256x128xf32>
    %get3A_22 = vector.shape_cast %get3A_21 : vector<1x256x128xf32> to vector<256x128xf32>
    %transpose3A_23 = tpu.transpose %get3A_22, [1, 0] : vector<256x128xf32> -> vector<128x256xf32>
    %get3A_24 = arith.constant 4 : index
    %get3A_25 = arith.constant 0 : index
    %get3A_26 = arith.constant 0 : index
    %get3A_27 = vector.load %arg1[%get3A_24, %get3A_25, %get3A_26] : memref<9x256x128xf32, #tpu.memory_space<vmem>>, vector<1x256x128xf32>
    %get3A_28 = vector.shape_cast %get3A_27 : vector<1x256x128xf32> to vector<256x128xf32>
    %transpose3A_29 = tpu.transpose %get3A_28, [1, 0] : vector<256x128xf32> -> vector<128x256xf32>
    %get3A_30 = arith.constant 5 : index
    %get3A_31 = arith.constant 0 : index
    %get3A_32 = arith.constant 0 : index
    %get3A_33 = vector.load %arg1[%get3A_30, %get3A_31, %get3A_32] : memref<9x256x128xf32, #tpu.memory_space<vmem>>, vector<1x256x128xf32>
    %get3A_34 = vector.shape_cast %get3A_33 : vector<1x256x128xf32> to vector<256x128xf32>
    %transpose3A_35 = tpu.transpose %get3A_34, [1, 0] : vector<256x128xf32> -> vector<128x256xf32>
    %get3A_36 = arith.constant 6 : index
    %get3A_37 = arith.constant 0 : index
    %get3A_38 = arith.constant 0 : index
    %get3A_39 = vector.load %arg1[%get3A_36, %get3A_37, %get3A_38] : memref<9x256x128xf32, #tpu.memory_space<vmem>>, vector<1x256x128xf32>
    %get3A_40 = vector.shape_cast %get3A_39 : vector<1x256x128xf32> to vector<256x128xf32>
    %transpose3A_41 = tpu.transpose %get3A_40, [1, 0] : vector<256x128xf32> -> vector<128x256xf32>
    %get3A_42 = arith.constant 7 : index
    %get3A_43 = arith.constant 0 : index
    %get3A_44 = arith.constant 0 : index
    %get3A_45 = vector.load %arg1[%get3A_42, %get3A_43, %get3A_44] : memref<9x256x128xf32, #tpu.memory_space<vmem>>, vector<1x256x128xf32>
    %get3A_46 = vector.shape_cast %get3A_45 : vector<1x256x128xf32> to vector<256x128xf32>
    %transpose3A_47 = tpu.transpose %get3A_46, [1, 0] : vector<256x128xf32> -> vector<128x256xf32>
    %get3A_48 = arith.constant 8 : index
    %get3A_49 = arith.constant 0 : index
    %get3A_50 = arith.constant 0 : index
    %get3A_51 = vector.load %arg1[%get3A_48, %get3A_49, %get3A_50] : memref<9x256x128xf32, #tpu.memory_space<vmem>>, vector<1x256x128xf32>
    %get3A_52 = vector.shape_cast %get3A_51 : vector<1x256x128xf32> to vector<256x128xf32>
    %transpose3A_53 = tpu.transpose %get3A_52, [1, 0] : vector<256x128xf32> -> vector<128x256xf32>
    %get3A_54 = arith.constant 0 : index
    %get3A_55 = arith.constant 0 : index
    %get3A_56 = arith.constant 0 : index
    %get3A_57 = vector.load %arg2[%get3A_54, %get3A_55, %get3A_56] : memref<5x256x128xf32, #tpu.memory_space<vmem>>, vector<1x256x128xf32>
    %get3A_58 = vector.shape_cast %get3A_57 : vector<1x256x128xf32> to vector<256x128xf32>
    %transpose3A_59 = tpu.transpose %get3A_58, [1, 0] : vector<256x128xf32> -> vector<128x256xf32>
    %get3A_60 = arith.constant 1 : index
    %get3A_61 = arith.constant 0 : index
    %get3A_62 = arith.constant 0 : index
    %get3A_63 = vector.load %arg2[%get3A_60, %get3A_61, %get3A_62] : memref<5x256x128xf32, #tpu.memory_space<vmem>>, vector<1x256x128xf32>
    %get3A_64 = vector.shape_cast %get3A_63 : vector<1x256x128xf32> to vector<256x128xf32>
    %transpose3A_65 = tpu.transpose %get3A_64, [1, 0] : vector<256x128xf32> -> vector<128x256xf32>
    %get3A_66 = arith.constant 2 : index
    %get3A_67 = arith.constant 0 : index
    %get3A_68 = arith.constant 0 : index
    %get3A_69 = vector.load %arg2[%get3A_66, %get3A_67, %get3A_68] : memref<5x256x128xf32, #tpu.memory_space<vmem>>, vector<1x256x128xf32>
    %get3A_70 = vector.shape_cast %get3A_69 : vector<1x256x128xf32> to vector<256x128xf32>
    %transpose3A_71 = tpu.transpose %get3A_70, [1, 0] : vector<256x128xf32> -> vector<128x256xf32>
    %get3A_72 = arith.constant 3 : index
    %get3A_73 = arith.constant 0 : index
    %get3A_74 = arith.constant 0 : index
    %get3A_75 = vector.load %arg2[%get3A_72, %get3A_73, %get3A_74] : memref<5x256x128xf32, #tpu.memory_space<vmem>>, vector<1x256x128xf32>
    %get3A_76 = vector.shape_cast %get3A_75 : vector<1x256x128xf32> to vector<256x128xf32>
    %transpose3A_77 = tpu.transpose %get3A_76, [1, 0] : vector<256x128xf32> -> vector<128x256xf32>
    %get3A_78 = arith.constant 4 : index
    %get3A_79 = arith.constant 0 : index
    %get3A_80 = arith.constant 0 : index
    %get3A_81 = vector.load %arg2[%get3A_78, %get3A_79, %get3A_80] : memref<5x256x128xf32, #tpu.memory_space<vmem>>, vector<1x256x128xf32>
    %get3A_82 = vector.shape_cast %get3A_81 : vector<1x256x128xf32> to vector<256x128xf32>
    %transpose3A_83 = tpu.transpose %get3A_82, [1, 0] : vector<256x128xf32> -> vector<128x256xf32>
    %broadcast_in_dim3A = arith.constant 0.000000e+00 : f32
    %broadcast_in_dim3A_84 = vector.broadcast %broadcast_in_dim3A : f32 to vector<256xf32>
    %mul3A = arith.mulf %transpose3A, %transpose3A : vector<128x256xf32>
    %reduce_sum3A = arith.constant dense<0.000000e+00> : vector<256xf32>
    %reduce_sum3A_85 = vector.multi_reduction <add>, %mul3A, %reduce_sum3A [0] : vector<128x256xf32> to vector<256xf32>
    %neg3A = arith.constant 0.000000e+00 : f32
    %neg3A_86 = vector.broadcast %neg3A : f32 to vector<256xf32>
    %neg3A_87 = arith.subf %neg3A_86, %reduce_sum3A_85 : vector<256xf32>
    %exp3A = math.exp %neg3A_87 : vector<256xf32>
    %add3A = arith.constant 1.000000e+00 : f32
    %add3A_88 = vector.broadcast %add3A : f32 to vector<256xf32>
    %add3A_89 = arith.addf %add3A_88, %exp3A : vector<256xf32>
    %div3A = arith.constant 1.000000e+00 : f32
    %div3A_90 = vector.broadcast %div3A : f32 to vector<256xf32>
    %div3A_91 = arith.divf %div3A_90, %add3A_89 : vector<256xf32>
    %log3A = math.log %div3A_91 : vector<256xf32>
    %mul3A_92 = arith.constant 1.000000e+00 : f32
    %mul3A_93 = vector.broadcast %mul3A_92 : f32 to vector<256xf32>
    %mul3A_94 = arith.mulf %mul3A_93, %log3A : vector<256xf32>
    %add3A_95 = arith.addf %broadcast_in_dim3A_84, %mul3A_94 : vector<256xf32>
    %mul3A_96 = arith.mulf %transpose3A, %transpose3A_11 : vector<128x256xf32>
    %reduce_sum3A_97 = arith.constant dense<0.000000e+00> : vector<256xf32>
    %reduce_sum3A_98 = vector.multi_reduction <add>, %mul3A_96, %reduce_sum3A_97 [0] : vector<128x256xf32> to vector<256xf32>
    %neg3A_99 = arith.constant 0.000000e+00 : f32
    %neg3A_100 = vector.broadcast %neg3A_99 : f32 to vector<256xf32>
    %neg3A_101 = arith.subf %neg3A_100, %reduce_sum3A_98 : vector<256xf32>
    %exp3A_102 = math.exp %neg3A_101 : vector<256xf32>
    %add3A_103 = arith.constant 1.000000e+00 : f32
    %add3A_104 = vector.broadcast %add3A_103 : f32 to vector<256xf32>
    %add3A_105 = arith.addf %add3A_104, %exp3A_102 : vector<256xf32>
    %div3A_106 = arith.constant 1.000000e+00 : f32
    %div3A_107 = vector.broadcast %div3A_106 : f32 to vector<256xf32>
    %div3A_108 = arith.divf %div3A_107, %add3A_105 : vector<256xf32>
    %log3A_109 = math.log %div3A_108 : vector<256xf32>
    %mul3A_110 = arith.constant 2.000000e+00 : f32
    %mul3A_111 = vector.broadcast %mul3A_110 : f32 to vector<256xf32>
    %mul3A_112 = arith.mulf %mul3A_111, %log3A_109 : vector<256xf32>
    %add3A_113 = arith.addf %add3A_95, %mul3A_112 : vector<256xf32>
    %mul3A_114 = arith.mulf %transpose3A, %transpose3A_17 : vector<128x256xf32>
    %reduce_sum3A_115 = arith.constant dense<0.000000e+00> : vector<256xf32>
    %reduce_sum3A_116 = vector.multi_reduction <add>, %mul3A_114, %reduce_sum3A_115 [0] : vector<128x256xf32> to vector<256xf32>
    %neg3A_117 = arith.constant 0.000000e+00 : f32
    %neg3A_118 = vector.broadcast %neg3A_117 : f32 to vector<256xf32>
    %neg3A_119 = arith.subf %neg3A_118, %reduce_sum3A_116 : vector<256xf32>
    %exp3A_120 = math.exp %neg3A_119 : vector<256xf32>
    %add3A_121 = arith.constant 1.000000e+00 : f32
    %add3A_122 = vector.broadcast %add3A_121 : f32 to vector<256xf32>
    %add3A_123 = arith.addf %add3A_122, %exp3A_120 : vector<256xf32>
    %div3A_124 = arith.constant 1.000000e+00 : f32
    %div3A_125 = vector.broadcast %div3A_124 : f32 to vector<256xf32>
    %div3A_126 = arith.divf %div3A_125, %add3A_123 : vector<256xf32>
    %log3A_127 = math.log %div3A_126 : vector<256xf32>
    %mul3A_128 = arith.constant 2.000000e+00 : f32
    %mul3A_129 = vector.broadcast %mul3A_128 : f32 to vector<256xf32>
    %mul3A_130 = arith.mulf %mul3A_129, %log3A_127 : vector<256xf32>
    %add3A_131 = arith.addf %add3A_113, %mul3A_130 : vector<256xf32>
    %mul3A_132 = arith.mulf %transpose3A, %transpose3A_23 : vector<128x256xf32>
    %reduce_sum3A_133 = arith.constant dense<0.000000e+00> : vector<256xf32>
    %reduce_sum3A_134 = vector.multi_reduction <add>, %mul3A_132, %reduce_sum3A_133 [0] : vector<128x256xf32> to vector<256xf32>
    %neg3A_135 = arith.constant 0.000000e+00 : f32
    %neg3A_136 = vector.broadcast %neg3A_135 : f32 to vector<256xf32>
    %neg3A_137 = arith.subf %neg3A_136, %reduce_sum3A_134 : vector<256xf32>
    %exp3A_138 = math.exp %neg3A_137 : vector<256xf32>
    %add3A_139 = arith.constant 1.000000e+00 : f32
    %add3A_140 = vector.broadcast %add3A_139 : f32 to vector<256xf32>
    %add3A_141 = arith.addf %add3A_140, %exp3A_138 : vector<256xf32>
    %div3A_142 = arith.constant 1.000000e+00 : f32
    %div3A_143 = vector.broadcast %div3A_142 : f32 to vector<256xf32>
    %div3A_144 = arith.divf %div3A_143, %add3A_141 : vector<256xf32>
    %log3A_145 = math.log %div3A_144 : vector<256xf32>
    %mul3A_146 = arith.constant 2.000000e+00 : f32
    %mul3A_147 = vector.broadcast %mul3A_146 : f32 to vector<256xf32>
    %mul3A_148 = arith.mulf %mul3A_147, %log3A_145 : vector<256xf32>
    %add3A_149 = arith.addf %add3A_131, %mul3A_148 : vector<256xf32>
    %mul3A_150 = arith.mulf %transpose3A, %transpose3A_29 : vector<128x256xf32>
    %reduce_sum3A_151 = arith.constant dense<0.000000e+00> : vector<256xf32>
    %reduce_sum3A_152 = vector.multi_reduction <add>, %mul3A_150, %reduce_sum3A_151 [0] : vector<128x256xf32> to vector<256xf32>
    %neg3A_153 = arith.constant 0.000000e+00 : f32
    %neg3A_154 = vector.broadcast %neg3A_153 : f32 to vector<256xf32>
    %neg3A_155 = arith.subf %neg3A_154, %reduce_sum3A_152 : vector<256xf32>
    %exp3A_156 = math.exp %neg3A_155 : vector<256xf32>
    %add3A_157 = arith.constant 1.000000e+00 : f32
    %add3A_158 = vector.broadcast %add3A_157 : f32 to vector<256xf32>
    %add3A_159 = arith.addf %add3A_158, %exp3A_156 : vector<256xf32>
    %div3A_160 = arith.constant 1.000000e+00 : f32
    %div3A_161 = vector.broadcast %div3A_160 : f32 to vector<256xf32>
    %div3A_162 = arith.divf %div3A_161, %add3A_159 : vector<256xf32>
    %log3A_163 = math.log %div3A_162 : vector<256xf32>
    %mul3A_164 = arith.constant 2.000000e+00 : f32
    %mul3A_165 = vector.broadcast %mul3A_164 : f32 to vector<256xf32>
    %mul3A_166 = arith.mulf %mul3A_165, %log3A_163 : vector<256xf32>
    %add3A_167 = arith.addf %add3A_149, %mul3A_166 : vector<256xf32>
    %mul3A_168 = arith.mulf %transpose3A, %transpose3A_35 : vector<128x256xf32>
    %reduce_sum3A_169 = arith.constant dense<0.000000e+00> : vector<256xf32>
    %reduce_sum3A_170 = vector.multi_reduction <add>, %mul3A_168, %reduce_sum3A_169 [0] : vector<128x256xf32> to vector<256xf32>
    %neg3A_171 = arith.constant 0.000000e+00 : f32
    %neg3A_172 = vector.broadcast %neg3A_171 : f32 to vector<256xf32>
    %neg3A_173 = arith.subf %neg3A_172, %reduce_sum3A_170 : vector<256xf32>
    %exp3A_174 = math.exp %neg3A_173 : vector<256xf32>
    %add3A_175 = arith.constant 1.000000e+00 : f32
    %add3A_176 = vector.broadcast %add3A_175 : f32 to vector<256xf32>
    %add3A_177 = arith.addf %add3A_176, %exp3A_174 : vector<256xf32>
    %div3A_178 = arith.constant 1.000000e+00 : f32
    %div3A_179 = vector.broadcast %div3A_178 : f32 to vector<256xf32>
    %div3A_180 = arith.divf %div3A_179, %add3A_177 : vector<256xf32>
    %log3A_181 = math.log %div3A_180 : vector<256xf32>
    %mul3A_182 = arith.constant 1.000000e+00 : f32
    %mul3A_183 = vector.broadcast %mul3A_182 : f32 to vector<256xf32>
    %mul3A_184 = arith.mulf %mul3A_183, %log3A_181 : vector<256xf32>
    %add3A_185 = arith.addf %add3A_167, %mul3A_184 : vector<256xf32>
    %mul3A_186 = arith.mulf %transpose3A_11, %transpose3A_11 : vector<128x256xf32>
    %reduce_sum3A_187 = arith.constant dense<0.000000e+00> : vector<256xf32>
    %reduce_sum3A_188 = vector.multi_reduction <add>, %mul3A_186, %reduce_sum3A_187 [0] : vector<128x256xf32> to vector<256xf32>
    %neg3A_189 = arith.constant 0.000000e+00 : f32
    %neg3A_190 = vector.broadcast %neg3A_189 : f32 to vector<256xf32>
    %neg3A_191 = arith.subf %neg3A_190, %reduce_sum3A_188 : vector<256xf32>
    %exp3A_192 = math.exp %neg3A_191 : vector<256xf32>
    %add3A_193 = arith.constant 1.000000e+00 : f32
    %add3A_194 = vector.broadcast %add3A_193 : f32 to vector<256xf32>
    %add3A_195 = arith.addf %add3A_194, %exp3A_192 : vector<256xf32>
    %div3A_196 = arith.constant 1.000000e+00 : f32
    %div3A_197 = vector.broadcast %div3A_196 : f32 to vector<256xf32>
    %div3A_198 = arith.divf %div3A_197, %add3A_195 : vector<256xf32>
    %log3A_199 = math.log %div3A_198 : vector<256xf32>
    %mul3A_200 = arith.constant 1.000000e+00 : f32
    %mul3A_201 = vector.broadcast %mul3A_200 : f32 to vector<256xf32>
    %mul3A_202 = arith.mulf %mul3A_201, %log3A_199 : vector<256xf32>
    %add3A_203 = arith.addf %add3A_185, %mul3A_202 : vector<256xf32>
    %mul3A_204 = arith.mulf %transpose3A_11, %transpose3A_17 : vector<128x256xf32>
    %reduce_sum3A_205 = arith.constant dense<0.000000e+00> : vector<256xf32>
    %reduce_sum3A_206 = vector.multi_reduction <add>, %mul3A_204, %reduce_sum3A_205 [0] : vector<128x256xf32> to vector<256xf32>
    %neg3A_207 = arith.constant 0.000000e+00 : f32
    %neg3A_208 = vector.broadcast %neg3A_207 : f32 to vector<256xf32>
    %neg3A_209 = arith.subf %neg3A_208, %reduce_sum3A_206 : vector<256xf32>
    %exp3A_210 = math.exp %neg3A_209 : vector<256xf32>
    %add3A_211 = arith.constant 1.000000e+00 : f32
    %add3A_212 = vector.broadcast %add3A_211 : f32 to vector<256xf32>
    %add3A_213 = arith.addf %add3A_212, %exp3A_210 : vector<256xf32>
    %div3A_214 = arith.constant 1.000000e+00 : f32
    %div3A_215 = vector.broadcast %div3A_214 : f32 to vector<256xf32>
    %div3A_216 = arith.divf %div3A_215, %add3A_213 : vector<256xf32>
    %log3A_217 = math.log %div3A_216 : vector<256xf32>
    %mul3A_218 = arith.constant 2.000000e+00 : f32
    %mul3A_219 = vector.broadcast %mul3A_218 : f32 to vector<256xf32>
    %mul3A_220 = arith.mulf %mul3A_219, %log3A_217 : vector<256xf32>
    %add3A_221 = arith.addf %add3A_203, %mul3A_220 : vector<256xf32>
    %mul3A_222 = arith.mulf %transpose3A_11, %transpose3A_23 : vector<128x256xf32>
    %reduce_sum3A_223 = arith.constant dense<0.000000e+00> : vector<256xf32>
    %reduce_sum3A_224 = vector.multi_reduction <add>, %mul3A_222, %reduce_sum3A_223 [0] : vector<128x256xf32> to vector<256xf32>
    %neg3A_225 = arith.constant 0.000000e+00 : f32
    %neg3A_226 = vector.broadcast %neg3A_225 : f32 to vector<256xf32>
    %neg3A_227 = arith.subf %neg3A_226, %reduce_sum3A_224 : vector<256xf32>
    %exp3A_228 = math.exp %neg3A_227 : vector<256xf32>
    %add3A_229 = arith.constant 1.000000e+00 : f32
    %add3A_230 = vector.broadcast %add3A_229 : f32 to vector<256xf32>
    %add3A_231 = arith.addf %add3A_230, %exp3A_228 : vector<256xf32>
    %div3A_232 = arith.constant 1.000000e+00 : f32
    %div3A_233 = vector.broadcast %div3A_232 : f32 to vector<256xf32>
    %div3A_234 = arith.divf %div3A_233, %add3A_231 : vector<256xf32>
    %log3A_235 = math.log %div3A_234 : vector<256xf32>
    %mul3A_236 = arith.constant 2.000000e+00 : f32
    %mul3A_237 = vector.broadcast %mul3A_236 : f32 to vector<256xf32>
    %mul3A_238 = arith.mulf %mul3A_237, %log3A_235 : vector<256xf32>
    %add3A_239 = arith.addf %add3A_221, %mul3A_238 : vector<256xf32>
    %mul3A_240 = arith.mulf %transpose3A_11, %transpose3A_29 : vector<128x256xf32>
    %reduce_sum3A_241 = arith.constant dense<0.000000e+00> : vector<256xf32>
    %reduce_sum3A_242 = vector.multi_reduction <add>, %mul3A_240, %reduce_sum3A_241 [0] : vector<128x256xf32> to vector<256xf32>
    %neg3A_243 = arith.constant 0.000000e+00 : f32
    %neg3A_244 = vector.broadcast %neg3A_243 : f32 to vector<256xf32>
    %neg3A_245 = arith.subf %neg3A_244, %reduce_sum3A_242 : vector<256xf32>
    %exp3A_246 = math.exp %neg3A_245 : vector<256xf32>
    %add3A_247 = arith.constant 1.000000e+00 : f32
    %add3A_248 = vector.broadcast %add3A_247 : f32 to vector<256xf32>
    %add3A_249 = arith.addf %add3A_248, %exp3A_246 : vector<256xf32>
    %div3A_250 = arith.constant 1.000000e+00 : f32
    %div3A_251 = vector.broadcast %div3A_250 : f32 to vector<256xf32>
    %div3A_252 = arith.divf %div3A_251, %add3A_249 : vector<256xf32>
    %log3A_253 = math.log %div3A_252 : vector<256xf32>
    %mul3A_254 = arith.constant 2.000000e+00 : f32
    %mul3A_255 = vector.broadcast %mul3A_254 : f32 to vector<256xf32>
    %mul3A_256 = arith.mulf %mul3A_255, %log3A_253 : vector<256xf32>
    %add3A_257 = arith.addf %add3A_239, %mul3A_256 : vector<256xf32>
    %mul3A_258 = arith.mulf %transpose3A_11, %transpose3A_35 : vector<128x256xf32>
    %reduce_sum3A_259 = arith.constant dense<0.000000e+00> : vector<256xf32>
    %reduce_sum3A_260 = vector.multi_reduction <add>, %mul3A_258, %reduce_sum3A_259 [0] : vector<128x256xf32> to vector<256xf32>
    %neg3A_261 = arith.constant 0.000000e+00 : f32
    %neg3A_262 = vector.broadcast %neg3A_261 : f32 to vector<256xf32>
    %neg3A_263 = arith.subf %neg3A_262, %reduce_sum3A_260 : vector<256xf32>
    %exp3A_264 = math.exp %neg3A_263 : vector<256xf32>
    %add3A_265 = arith.constant 1.000000e+00 : f32
    %add3A_266 = vector.broadcast %add3A_265 : f32 to vector<256xf32>
    %add3A_267 = arith.addf %add3A_266, %exp3A_264 : vector<256xf32>
    %div3A_268 = arith.constant 1.000000e+00 : f32
    %div3A_269 = vector.broadcast %div3A_268 : f32 to vector<256xf32>
    %div3A_270 = arith.divf %div3A_269, %add3A_267 : vector<256xf32>
    %log3A_271 = math.log %div3A_270 : vector<256xf32>
    %mul3A_272 = arith.constant 2.000000e+00 : f32
    %mul3A_273 = vector.broadcast %mul3A_272 : f32 to vector<256xf32>
    %mul3A_274 = arith.mulf %mul3A_273, %log3A_271 : vector<256xf32>
    %add3A_275 = arith.addf %add3A_257, %mul3A_274 : vector<256xf32>
    %mul3A_276 = arith.mulf %transpose3A_11, %transpose3A_41 : vector<128x256xf32>
    %reduce_sum3A_277 = arith.constant dense<0.000000e+00> : vector<256xf32>
    %reduce_sum3A_278 = vector.multi_reduction <add>, %mul3A_276, %reduce_sum3A_277 [0] : vector<128x256xf32> to vector<256xf32>
    %neg3A_279 = arith.constant 0.000000e+00 : f32
    %neg3A_280 = vector.broadcast %neg3A_279 : f32 to vector<256xf32>
    %neg3A_281 = arith.subf %neg3A_280, %reduce_sum3A_278 : vector<256xf32>
    %exp3A_282 = math.exp %neg3A_281 : vector<256xf32>
    %add3A_283 = arith.constant 1.000000e+00 : f32
    %add3A_284 = vector.broadcast %add3A_283 : f32 to vector<256xf32>
    %add3A_285 = arith.addf %add3A_284, %exp3A_282 : vector<256xf32>
    %div3A_286 = arith.constant 1.000000e+00 : f32
    %div3A_287 = vector.broadcast %div3A_286 : f32 to vector<256xf32>
    %div3A_288 = arith.divf %div3A_287, %add3A_285 : vector<256xf32>
    %log3A_289 = math.log %div3A_288 : vector<256xf32>
    %mul3A_290 = arith.constant 1.000000e+00 : f32
    %mul3A_291 = vector.broadcast %mul3A_290 : f32 to vector<256xf32>
    %mul3A_292 = arith.mulf %mul3A_291, %log3A_289 : vector<256xf32>
    %add3A_293 = arith.addf %add3A_275, %mul3A_292 : vector<256xf32>
    %mul3A_294 = arith.mulf %transpose3A_17, %transpose3A_17 : vector<128x256xf32>
    %reduce_sum3A_295 = arith.constant dense<0.000000e+00> : vector<256xf32>
    %reduce_sum3A_296 = vector.multi_reduction <add>, %mul3A_294, %reduce_sum3A_295 [0] : vector<128x256xf32> to vector<256xf32>
    %neg3A_297 = arith.constant 0.000000e+00 : f32
    %neg3A_298 = vector.broadcast %neg3A_297 : f32 to vector<256xf32>
    %neg3A_299 = arith.subf %neg3A_298, %reduce_sum3A_296 : vector<256xf32>
    %exp3A_300 = math.exp %neg3A_299 : vector<256xf32>
    %add3A_301 = arith.constant 1.000000e+00 : f32
    %add3A_302 = vector.broadcast %add3A_301 : f32 to vector<256xf32>
    %add3A_303 = arith.addf %add3A_302, %exp3A_300 : vector<256xf32>
    %div3A_304 = arith.constant 1.000000e+00 : f32
    %div3A_305 = vector.broadcast %div3A_304 : f32 to vector<256xf32>
    %div3A_306 = arith.divf %div3A_305, %add3A_303 : vector<256xf32>
    %log3A_307 = math.log %div3A_306 : vector<256xf32>
    %mul3A_308 = arith.constant 1.000000e+00 : f32
    %mul3A_309 = vector.broadcast %mul3A_308 : f32 to vector<256xf32>
    %mul3A_310 = arith.mulf %mul3A_309, %log3A_307 : vector<256xf32>
    %add3A_311 = arith.addf %add3A_293, %mul3A_310 : vector<256xf32>
    %mul3A_312 = arith.mulf %transpose3A_17, %transpose3A_23 : vector<128x256xf32>
    %reduce_sum3A_313 = arith.constant dense<0.000000e+00> : vector<256xf32>
    %reduce_sum3A_314 = vector.multi_reduction <add>, %mul3A_312, %reduce_sum3A_313 [0] : vector<128x256xf32> to vector<256xf32>
    %neg3A_315 = arith.constant 0.000000e+00 : f32
    %neg3A_316 = vector.broadcast %neg3A_315 : f32 to vector<256xf32>
    %neg3A_317 = arith.subf %neg3A_316, %reduce_sum3A_314 : vector<256xf32>
    %exp3A_318 = math.exp %neg3A_317 : vector<256xf32>
    %add3A_319 = arith.constant 1.000000e+00 : f32
    %add3A_320 = vector.broadcast %add3A_319 : f32 to vector<256xf32>
    %add3A_321 = arith.addf %add3A_320, %exp3A_318 : vector<256xf32>
    %div3A_322 = arith.constant 1.000000e+00 : f32
    %div3A_323 = vector.broadcast %div3A_322 : f32 to vector<256xf32>
    %div3A_324 = arith.divf %div3A_323, %add3A_321 : vector<256xf32>
    %log3A_325 = math.log %div3A_324 : vector<256xf32>
    %mul3A_326 = arith.constant 2.000000e+00 : f32
    %mul3A_327 = vector.broadcast %mul3A_326 : f32 to vector<256xf32>
    %mul3A_328 = arith.mulf %mul3A_327, %log3A_325 : vector<256xf32>
    %add3A_329 = arith.addf %add3A_311, %mul3A_328 : vector<256xf32>
    %mul3A_330 = arith.mulf %transpose3A_17, %transpose3A_29 : vector<128x256xf32>
    %reduce_sum3A_331 = arith.constant dense<0.000000e+00> : vector<256xf32>
    %reduce_sum3A_332 = vector.multi_reduction <add>, %mul3A_330, %reduce_sum3A_331 [0] : vector<128x256xf32> to vector<256xf32>
    %neg3A_333 = arith.constant 0.000000e+00 : f32
    %neg3A_334 = vector.broadcast %neg3A_333 : f32 to vector<256xf32>
    %neg3A_335 = arith.subf %neg3A_334, %reduce_sum3A_332 : vector<256xf32>
    %exp3A_336 = math.exp %neg3A_335 : vector<256xf32>
    %add3A_337 = arith.constant 1.000000e+00 : f32
    %add3A_338 = vector.broadcast %add3A_337 : f32 to vector<256xf32>
    %add3A_339 = arith.addf %add3A_338, %exp3A_336 : vector<256xf32>
    %div3A_340 = arith.constant 1.000000e+00 : f32
    %div3A_341 = vector.broadcast %div3A_340 : f32 to vector<256xf32>
    %div3A_342 = arith.divf %div3A_341, %add3A_339 : vector<256xf32>
    %log3A_343 = math.log %div3A_342 : vector<256xf32>
    %mul3A_344 = arith.constant 2.000000e+00 : f32
    %mul3A_345 = vector.broadcast %mul3A_344 : f32 to vector<256xf32>
    %mul3A_346 = arith.mulf %mul3A_345, %log3A_343 : vector<256xf32>
    %add3A_347 = arith.addf %add3A_329, %mul3A_346 : vector<256xf32>
    %mul3A_348 = arith.mulf %transpose3A_17, %transpose3A_35 : vector<128x256xf32>
    %reduce_sum3A_349 = arith.constant dense<0.000000e+00> : vector<256xf32>
    %reduce_sum3A_350 = vector.multi_reduction <add>, %mul3A_348, %reduce_sum3A_349 [0] : vector<128x256xf32> to vector<256xf32>
    %neg3A_351 = arith.constant 0.000000e+00 : f32
    %neg3A_352 = vector.broadcast %neg3A_351 : f32 to vector<256xf32>
    %neg3A_353 = arith.subf %neg3A_352, %reduce_sum3A_350 : vector<256xf32>
    %exp3A_354 = math.exp %neg3A_353 : vector<256xf32>
    %add3A_355 = arith.constant 1.000000e+00 : f32
    %add3A_356 = vector.broadcast %add3A_355 : f32 to vector<256xf32>
    %add3A_357 = arith.addf %add3A_356, %exp3A_354 : vector<256xf32>
    %div3A_358 = arith.constant 1.000000e+00 : f32
    %div3A_359 = vector.broadcast %div3A_358 : f32 to vector<256xf32>
    %div3A_360 = arith.divf %div3A_359, %add3A_357 : vector<256xf32>
    %log3A_361 = math.log %div3A_360 : vector<256xf32>
    %mul3A_362 = arith.constant 2.000000e+00 : f32
    %mul3A_363 = vector.broadcast %mul3A_362 : f32 to vector<256xf32>
    %mul3A_364 = arith.mulf %mul3A_363, %log3A_361 : vector<256xf32>
    %add3A_365 = arith.addf %add3A_347, %mul3A_364 : vector<256xf32>
    %mul3A_366 = arith.mulf %transpose3A_17, %transpose3A_41 : vector<128x256xf32>
    %reduce_sum3A_367 = arith.constant dense<0.000000e+00> : vector<256xf32>
    %reduce_sum3A_368 = vector.multi_reduction <add>, %mul3A_366, %reduce_sum3A_367 [0] : vector<128x256xf32> to vector<256xf32>
    %neg3A_369 = arith.constant 0.000000e+00 : f32
    %neg3A_370 = vector.broadcast %neg3A_369 : f32 to vector<256xf32>
    %neg3A_371 = arith.subf %neg3A_370, %reduce_sum3A_368 : vector<256xf32>
    %exp3A_372 = math.exp %neg3A_371 : vector<256xf32>
    %add3A_373 = arith.constant 1.000000e+00 : f32
    %add3A_374 = vector.broadcast %add3A_373 : f32 to vector<256xf32>
    %add3A_375 = arith.addf %add3A_374, %exp3A_372 : vector<256xf32>
    %div3A_376 = arith.constant 1.000000e+00 : f32
    %div3A_377 = vector.broadcast %div3A_376 : f32 to vector<256xf32>
    %div3A_378 = arith.divf %div3A_377, %add3A_375 : vector<256xf32>
    %log3A_379 = math.log %div3A_378 : vector<256xf32>
    %mul3A_380 = arith.constant 2.000000e+00 : f32
    %mul3A_381 = vector.broadcast %mul3A_380 : f32 to vector<256xf32>
    %mul3A_382 = arith.mulf %mul3A_381, %log3A_379 : vector<256xf32>
    %add3A_383 = arith.addf %add3A_365, %mul3A_382 : vector<256xf32>
    %mul3A_384 = arith.mulf %transpose3A_17, %transpose3A_47 : vector<128x256xf32>
    %reduce_sum3A_385 = arith.constant dense<0.000000e+00> : vector<256xf32>
    %reduce_sum3A_386 = vector.multi_reduction <add>, %mul3A_384, %reduce_sum3A_385 [0] : vector<128x256xf32> to vector<256xf32>
    %neg3A_387 = arith.constant 0.000000e+00 : f32
    %neg3A_388 = vector.broadcast %neg3A_387 : f32 to vector<256xf32>
    %neg3A_389 = arith.subf %neg3A_388, %reduce_sum3A_386 : vector<256xf32>
    %exp3A_390 = math.exp %neg3A_389 : vector<256xf32>
    %add3A_391 = arith.constant 1.000000e+00 : f32
    %add3A_392 = vector.broadcast %add3A_391 : f32 to vector<256xf32>
    %add3A_393 = arith.addf %add3A_392, %exp3A_390 : vector<256xf32>
    %div3A_394 = arith.constant 1.000000e+00 : f32
    %div3A_395 = vector.broadcast %div3A_394 : f32 to vector<256xf32>
    %div3A_396 = arith.divf %div3A_395, %add3A_393 : vector<256xf32>
    %log3A_397 = math.log %div3A_396 : vector<256xf32>
    %mul3A_398 = arith.constant 1.000000e+00 : f32
    %mul3A_399 = vector.broadcast %mul3A_398 : f32 to vector<256xf32>
    %mul3A_400 = arith.mulf %mul3A_399, %log3A_397 : vector<256xf32>
    %add3A_401 = arith.addf %add3A_383, %mul3A_400 : vector<256xf32>
    %mul3A_402 = arith.mulf %transpose3A_23, %transpose3A_23 : vector<128x256xf32>
    %reduce_sum3A_403 = arith.constant dense<0.000000e+00> : vector<256xf32>
    %reduce_sum3A_404 = vector.multi_reduction <add>, %mul3A_402, %reduce_sum3A_403 [0] : vector<128x256xf32> to vector<256xf32>
    %neg3A_405 = arith.constant 0.000000e+00 : f32
    %neg3A_406 = vector.broadcast %neg3A_405 : f32 to vector<256xf32>
    %neg3A_407 = arith.subf %neg3A_406, %reduce_sum3A_404 : vector<256xf32>
    %exp3A_408 = math.exp %neg3A_407 : vector<256xf32>
    %add3A_409 = arith.constant 1.000000e+00 : f32
    %add3A_410 = vector.broadcast %add3A_409 : f32 to vector<256xf32>
    %add3A_411 = arith.addf %add3A_410, %exp3A_408 : vector<256xf32>
    %div3A_412 = arith.constant 1.000000e+00 : f32
    %div3A_413 = vector.broadcast %div3A_412 : f32 to vector<256xf32>
    %div3A_414 = arith.divf %div3A_413, %add3A_411 : vector<256xf32>
    %log3A_415 = math.log %div3A_414 : vector<256xf32>
    %mul3A_416 = arith.constant 1.000000e+00 : f32
    %mul3A_417 = vector.broadcast %mul3A_416 : f32 to vector<256xf32>
    %mul3A_418 = arith.mulf %mul3A_417, %log3A_415 : vector<256xf32>
    %add3A_419 = arith.addf %add3A_401, %mul3A_418 : vector<256xf32>
    %mul3A_420 = arith.mulf %transpose3A_23, %transpose3A_29 : vector<128x256xf32>
    %reduce_sum3A_421 = arith.constant dense<0.000000e+00> : vector<256xf32>
    %reduce_sum3A_422 = vector.multi_reduction <add>, %mul3A_420, %reduce_sum3A_421 [0] : vector<128x256xf32> to vector<256xf32>
    %neg3A_423 = arith.constant 0.000000e+00 : f32
    %neg3A_424 = vector.broadcast %neg3A_423 : f32 to vector<256xf32>
    %neg3A_425 = arith.subf %neg3A_424, %reduce_sum3A_422 : vector<256xf32>
    %exp3A_426 = math.exp %neg3A_425 : vector<256xf32>
    %add3A_427 = arith.constant 1.000000e+00 : f32
    %add3A_428 = vector.broadcast %add3A_427 : f32 to vector<256xf32>
    %add3A_429 = arith.addf %add3A_428, %exp3A_426 : vector<256xf32>
    %div3A_430 = arith.constant 1.000000e+00 : f32
    %div3A_431 = vector.broadcast %div3A_430 : f32 to vector<256xf32>
    %div3A_432 = arith.divf %div3A_431, %add3A_429 : vector<256xf32>
    %log3A_433 = math.log %div3A_432 : vector<256xf32>
    %mul3A_434 = arith.constant 2.000000e+00 : f32
    %mul3A_435 = vector.broadcast %mul3A_434 : f32 to vector<256xf32>
    %mul3A_436 = arith.mulf %mul3A_435, %log3A_433 : vector<256xf32>
    %add3A_437 = arith.addf %add3A_419, %mul3A_436 : vector<256xf32>
    %mul3A_438 = arith.mulf %transpose3A_23, %transpose3A_35 : vector<128x256xf32>
    %reduce_sum3A_439 = arith.constant dense<0.000000e+00> : vector<256xf32>
    %reduce_sum3A_440 = vector.multi_reduction <add>, %mul3A_438, %reduce_sum3A_439 [0] : vector<128x256xf32> to vector<256xf32>
    %neg3A_441 = arith.constant 0.000000e+00 : f32
    %neg3A_442 = vector.broadcast %neg3A_441 : f32 to vector<256xf32>
    %neg3A_443 = arith.subf %neg3A_442, %reduce_sum3A_440 : vector<256xf32>
    %exp3A_444 = math.exp %neg3A_443 : vector<256xf32>
    %add3A_445 = arith.constant 1.000000e+00 : f32
    %add3A_446 = vector.broadcast %add3A_445 : f32 to vector<256xf32>
    %add3A_447 = arith.addf %add3A_446, %exp3A_444 : vector<256xf32>
    %div3A_448 = arith.constant 1.000000e+00 : f32
    %div3A_449 = vector.broadcast %div3A_448 : f32 to vector<256xf32>
    %div3A_450 = arith.divf %div3A_449, %add3A_447 : vector<256xf32>
    %log3A_451 = math.log %div3A_450 : vector<256xf32>
    %mul3A_452 = arith.constant 2.000000e+00 : f32
    %mul3A_453 = vector.broadcast %mul3A_452 : f32 to vector<256xf32>
    %mul3A_454 = arith.mulf %mul3A_453, %log3A_451 : vector<256xf32>
    %add3A_455 = arith.addf %add3A_437, %mul3A_454 : vector<256xf32>
    %mul3A_456 = arith.mulf %transpose3A_23, %transpose3A_41 : vector<128x256xf32>
    %reduce_sum3A_457 = arith.constant dense<0.000000e+00> : vector<256xf32>
    %reduce_sum3A_458 = vector.multi_reduction <add>, %mul3A_456, %reduce_sum3A_457 [0] : vector<128x256xf32> to vector<256xf32>
    %neg3A_459 = arith.constant 0.000000e+00 : f32
    %neg3A_460 = vector.broadcast %neg3A_459 : f32 to vector<256xf32>
    %neg3A_461 = arith.subf %neg3A_460, %reduce_sum3A_458 : vector<256xf32>
    %exp3A_462 = math.exp %neg3A_461 : vector<256xf32>
    %add3A_463 = arith.constant 1.000000e+00 : f32
    %add3A_464 = vector.broadcast %add3A_463 : f32 to vector<256xf32>
    %add3A_465 = arith.addf %add3A_464, %exp3A_462 : vector<256xf32>
    %div3A_466 = arith.constant 1.000000e+00 : f32
    %div3A_467 = vector.broadcast %div3A_466 : f32 to vector<256xf32>
    %div3A_468 = arith.divf %div3A_467, %add3A_465 : vector<256xf32>
    %log3A_469 = math.log %div3A_468 : vector<256xf32>
    %mul3A_470 = arith.constant 2.000000e+00 : f32
    %mul3A_471 = vector.broadcast %mul3A_470 : f32 to vector<256xf32>
    %mul3A_472 = arith.mulf %mul3A_471, %log3A_469 : vector<256xf32>
    %add3A_473 = arith.addf %add3A_455, %mul3A_472 : vector<256xf32>
    %mul3A_474 = arith.mulf %transpose3A_23, %transpose3A_47 : vector<128x256xf32>
    %reduce_sum3A_475 = arith.constant dense<0.000000e+00> : vector<256xf32>
    %reduce_sum3A_476 = vector.multi_reduction <add>, %mul3A_474, %reduce_sum3A_475 [0] : vector<128x256xf32> to vector<256xf32>
    %neg3A_477 = arith.constant 0.000000e+00 : f32
    %neg3A_478 = vector.broadcast %neg3A_477 : f32 to vector<256xf32>
    %neg3A_479 = arith.subf %neg3A_478, %reduce_sum3A_476 : vector<256xf32>
    %exp3A_480 = math.exp %neg3A_479 : vector<256xf32>
    %add3A_481 = arith.constant 1.000000e+00 : f32
    %add3A_482 = vector.broadcast %add3A_481 : f32 to vector<256xf32>
    %add3A_483 = arith.addf %add3A_482, %exp3A_480 : vector<256xf32>
    %div3A_484 = arith.constant 1.000000e+00 : f32
    %div3A_485 = vector.broadcast %div3A_484 : f32 to vector<256xf32>
    %div3A_486 = arith.divf %div3A_485, %add3A_483 : vector<256xf32>
    %log3A_487 = math.log %div3A_486 : vector<256xf32>
    %mul3A_488 = arith.constant 2.000000e+00 : f32
    %mul3A_489 = vector.broadcast %mul3A_488 : f32 to vector<256xf32>
    %mul3A_490 = arith.mulf %mul3A_489, %log3A_487 : vector<256xf32>
    %add3A_491 = arith.addf %add3A_473, %mul3A_490 : vector<256xf32>
    %mul3A_492 = arith.mulf %transpose3A_23, %transpose3A_53 : vector<128x256xf32>
    %reduce_sum3A_493 = arith.constant dense<0.000000e+00> : vector<256xf32>
    %reduce_sum3A_494 = vector.multi_reduction <add>, %mul3A_492, %reduce_sum3A_493 [0] : vector<128x256xf32> to vector<256xf32>
    %neg3A_495 = arith.constant 0.000000e+00 : f32
    %neg3A_496 = vector.broadcast %neg3A_495 : f32 to vector<256xf32>
    %neg3A_497 = arith.subf %neg3A_496, %reduce_sum3A_494 : vector<256xf32>
    %exp3A_498 = math.exp %neg3A_497 : vector<256xf32>
    %add3A_499 = arith.constant 1.000000e+00 : f32
    %add3A_500 = vector.broadcast %add3A_499 : f32 to vector<256xf32>
    %add3A_501 = arith.addf %add3A_500, %exp3A_498 : vector<256xf32>
    %div3A_502 = arith.constant 1.000000e+00 : f32
    %div3A_503 = vector.broadcast %div3A_502 : f32 to vector<256xf32>
    %div3A_504 = arith.divf %div3A_503, %add3A_501 : vector<256xf32>
    %log3A_505 = math.log %div3A_504 : vector<256xf32>
    %mul3A_506 = arith.constant 1.000000e+00 : f32
    %mul3A_507 = vector.broadcast %mul3A_506 : f32 to vector<256xf32>
    %mul3A_508 = arith.mulf %mul3A_507, %log3A_505 : vector<256xf32>
    %add3A_509 = arith.addf %add3A_491, %mul3A_508 : vector<256xf32>
    %mul3A_510 = arith.mulf %transpose3A_29, %transpose3A_29 : vector<128x256xf32>
    %reduce_sum3A_511 = arith.constant dense<0.000000e+00> : vector<256xf32>
    %reduce_sum3A_512 = vector.multi_reduction <add>, %mul3A_510, %reduce_sum3A_511 [0] : vector<128x256xf32> to vector<256xf32>
    %neg3A_513 = arith.constant 0.000000e+00 : f32
    %neg3A_514 = vector.broadcast %neg3A_513 : f32 to vector<256xf32>
    %neg3A_515 = arith.subf %neg3A_514, %reduce_sum3A_512 : vector<256xf32>
    %exp3A_516 = math.exp %neg3A_515 : vector<256xf32>
    %add3A_517 = arith.constant 1.000000e+00 : f32
    %add3A_518 = vector.broadcast %add3A_517 : f32 to vector<256xf32>
    %add3A_519 = arith.addf %add3A_518, %exp3A_516 : vector<256xf32>
    %div3A_520 = arith.constant 1.000000e+00 : f32
    %div3A_521 = vector.broadcast %div3A_520 : f32 to vector<256xf32>
    %div3A_522 = arith.divf %div3A_521, %add3A_519 : vector<256xf32>
    %log3A_523 = math.log %div3A_522 : vector<256xf32>
    %mul3A_524 = arith.constant 1.000000e+00 : f32
    %mul3A_525 = vector.broadcast %mul3A_524 : f32 to vector<256xf32>
    %mul3A_526 = arith.mulf %mul3A_525, %log3A_523 : vector<256xf32>
    %add3A_527 = arith.addf %add3A_509, %mul3A_526 : vector<256xf32>
    %mul3A_528 = arith.mulf %transpose3A_29, %transpose3A_35 : vector<128x256xf32>
    %reduce_sum3A_529 = arith.constant dense<0.000000e+00> : vector<256xf32>
    %reduce_sum3A_530 = vector.multi_reduction <add>, %mul3A_528, %reduce_sum3A_529 [0] : vector<128x256xf32> to vector<256xf32>
    %neg3A_531 = arith.constant 0.000000e+00 : f32
    %neg3A_532 = vector.broadcast %neg3A_531 : f32 to vector<256xf32>
    %neg3A_533 = arith.subf %neg3A_532, %reduce_sum3A_530 : vector<256xf32>
    %exp3A_534 = math.exp %neg3A_533 : vector<256xf32>
    %add3A_535 = arith.constant 1.000000e+00 : f32
    %add3A_536 = vector.broadcast %add3A_535 : f32 to vector<256xf32>
    %add3A_537 = arith.addf %add3A_536, %exp3A_534 : vector<256xf32>
    %div3A_538 = arith.constant 1.000000e+00 : f32
    %div3A_539 = vector.broadcast %div3A_538 : f32 to vector<256xf32>
    %div3A_540 = arith.divf %div3A_539, %add3A_537 : vector<256xf32>
    %log3A_541 = math.log %div3A_540 : vector<256xf32>
    %mul3A_542 = arith.constant 2.000000e+00 : f32
    %mul3A_543 = vector.broadcast %mul3A_542 : f32 to vector<256xf32>
    %mul3A_544 = arith.mulf %mul3A_543, %log3A_541 : vector<256xf32>
    %add3A_545 = arith.addf %add3A_527, %mul3A_544 : vector<256xf32>
    %mul3A_546 = arith.mulf %transpose3A_29, %transpose3A_41 : vector<128x256xf32>
    %reduce_sum3A_547 = arith.constant dense<0.000000e+00> : vector<256xf32>
    %reduce_sum3A_548 = vector.multi_reduction <add>, %mul3A_546, %reduce_sum3A_547 [0] : vector<128x256xf32> to vector<256xf32>
    %neg3A_549 = arith.constant 0.000000e+00 : f32
    %neg3A_550 = vector.broadcast %neg3A_549 : f32 to vector<256xf32>
    %neg3A_551 = arith.subf %neg3A_550, %reduce_sum3A_548 : vector<256xf32>
    %exp3A_552 = math.exp %neg3A_551 : vector<256xf32>
    %add3A_553 = arith.constant 1.000000e+00 : f32
    %add3A_554 = vector.broadcast %add3A_553 : f32 to vector<256xf32>
    %add3A_555 = arith.addf %add3A_554, %exp3A_552 : vector<256xf32>
    %div3A_556 = arith.constant 1.000000e+00 : f32
    %div3A_557 = vector.broadcast %div3A_556 : f32 to vector<256xf32>
    %div3A_558 = arith.divf %div3A_557, %add3A_555 : vector<256xf32>
    %log3A_559 = math.log %div3A_558 : vector<256xf32>
    %mul3A_560 = arith.constant 2.000000e+00 : f32
    %mul3A_561 = vector.broadcast %mul3A_560 : f32 to vector<256xf32>
    %mul3A_562 = arith.mulf %mul3A_561, %log3A_559 : vector<256xf32>
    %add3A_563 = arith.addf %add3A_545, %mul3A_562 : vector<256xf32>
    %mul3A_564 = arith.mulf %transpose3A_29, %transpose3A_47 : vector<128x256xf32>
    %reduce_sum3A_565 = arith.constant dense<0.000000e+00> : vector<256xf32>
    %reduce_sum3A_566 = vector.multi_reduction <add>, %mul3A_564, %reduce_sum3A_565 [0] : vector<128x256xf32> to vector<256xf32>
    %neg3A_567 = arith.constant 0.000000e+00 : f32
    %neg3A_568 = vector.broadcast %neg3A_567 : f32 to vector<256xf32>
    %neg3A_569 = arith.subf %neg3A_568, %reduce_sum3A_566 : vector<256xf32>
    %exp3A_570 = math.exp %neg3A_569 : vector<256xf32>
    %add3A_571 = arith.constant 1.000000e+00 : f32
    %add3A_572 = vector.broadcast %add3A_571 : f32 to vector<256xf32>
    %add3A_573 = arith.addf %add3A_572, %exp3A_570 : vector<256xf32>
    %div3A_574 = arith.constant 1.000000e+00 : f32
    %div3A_575 = vector.broadcast %div3A_574 : f32 to vector<256xf32>
    %div3A_576 = arith.divf %div3A_575, %add3A_573 : vector<256xf32>
    %log3A_577 = math.log %div3A_576 : vector<256xf32>
    %mul3A_578 = arith.constant 2.000000e+00 : f32
    %mul3A_579 = vector.broadcast %mul3A_578 : f32 to vector<256xf32>
    %mul3A_580 = arith.mulf %mul3A_579, %log3A_577 : vector<256xf32>
    %add3A_581 = arith.addf %add3A_563, %mul3A_580 : vector<256xf32>
    %mul3A_582 = arith.mulf %transpose3A_29, %transpose3A_53 : vector<128x256xf32>
    %reduce_sum3A_583 = arith.constant dense<0.000000e+00> : vector<256xf32>
    %reduce_sum3A_584 = vector.multi_reduction <add>, %mul3A_582, %reduce_sum3A_583 [0] : vector<128x256xf32> to vector<256xf32>
    %neg3A_585 = arith.constant 0.000000e+00 : f32
    %neg3A_586 = vector.broadcast %neg3A_585 : f32 to vector<256xf32>
    %neg3A_587 = arith.subf %neg3A_586, %reduce_sum3A_584 : vector<256xf32>
    %exp3A_588 = math.exp %neg3A_587 : vector<256xf32>
    %add3A_589 = arith.constant 1.000000e+00 : f32
    %add3A_590 = vector.broadcast %add3A_589 : f32 to vector<256xf32>
    %add3A_591 = arith.addf %add3A_590, %exp3A_588 : vector<256xf32>
    %div3A_592 = arith.constant 1.000000e+00 : f32
    %div3A_593 = vector.broadcast %div3A_592 : f32 to vector<256xf32>
    %div3A_594 = arith.divf %div3A_593, %add3A_591 : vector<256xf32>
    %log3A_595 = math.log %div3A_594 : vector<256xf32>
    %mul3A_596 = arith.constant 2.000000e+00 : f32
    %mul3A_597 = vector.broadcast %mul3A_596 : f32 to vector<256xf32>
    %mul3A_598 = arith.mulf %mul3A_597, %log3A_595 : vector<256xf32>
    %add3A_599 = arith.addf %add3A_581, %mul3A_598 : vector<256xf32>
    %mul3A_600 = arith.mulf %transpose3A_35, %transpose3A_35 : vector<128x256xf32>
    %reduce_sum3A_601 = arith.constant dense<0.000000e+00> : vector<256xf32>
    %reduce_sum3A_602 = vector.multi_reduction <add>, %mul3A_600, %reduce_sum3A_601 [0] : vector<128x256xf32> to vector<256xf32>
    %neg3A_603 = arith.constant 0.000000e+00 : f32
    %neg3A_604 = vector.broadcast %neg3A_603 : f32 to vector<256xf32>
    %neg3A_605 = arith.subf %neg3A_604, %reduce_sum3A_602 : vector<256xf32>
    %exp3A_606 = math.exp %neg3A_605 : vector<256xf32>
    %add3A_607 = arith.constant 1.000000e+00 : f32
    %add3A_608 = vector.broadcast %add3A_607 : f32 to vector<256xf32>
    %add3A_609 = arith.addf %add3A_608, %exp3A_606 : vector<256xf32>
    %div3A_610 = arith.constant 1.000000e+00 : f32
    %div3A_611 = vector.broadcast %div3A_610 : f32 to vector<256xf32>
    %div3A_612 = arith.divf %div3A_611, %add3A_609 : vector<256xf32>
    %log3A_613 = math.log %div3A_612 : vector<256xf32>
    %mul3A_614 = arith.constant 1.000000e+00 : f32
    %mul3A_615 = vector.broadcast %mul3A_614 : f32 to vector<256xf32>
    %mul3A_616 = arith.mulf %mul3A_615, %log3A_613 : vector<256xf32>
    %add3A_617 = arith.addf %add3A_599, %mul3A_616 : vector<256xf32>
    %mul3A_618 = arith.mulf %transpose3A_35, %transpose3A_41 : vector<128x256xf32>
    %reduce_sum3A_619 = arith.constant dense<0.000000e+00> : vector<256xf32>
    %reduce_sum3A_620 = vector.multi_reduction <add>, %mul3A_618, %reduce_sum3A_619 [0] : vector<128x256xf32> to vector<256xf32>
    %neg3A_621 = arith.constant 0.000000e+00 : f32
    %neg3A_622 = vector.broadcast %neg3A_621 : f32 to vector<256xf32>
    %neg3A_623 = arith.subf %neg3A_622, %reduce_sum3A_620 : vector<256xf32>
    %exp3A_624 = math.exp %neg3A_623 : vector<256xf32>
    %add3A_625 = arith.constant 1.000000e+00 : f32
    %add3A_626 = vector.broadcast %add3A_625 : f32 to vector<256xf32>
    %add3A_627 = arith.addf %add3A_626, %exp3A_624 : vector<256xf32>
    %div3A_628 = arith.constant 1.000000e+00 : f32
    %div3A_629 = vector.broadcast %div3A_628 : f32 to vector<256xf32>
    %div3A_630 = arith.divf %div3A_629, %add3A_627 : vector<256xf32>
    %log3A_631 = math.log %div3A_630 : vector<256xf32>
    %mul3A_632 = arith.constant 2.000000e+00 : f32
    %mul3A_633 = vector.broadcast %mul3A_632 : f32 to vector<256xf32>
    %mul3A_634 = arith.mulf %mul3A_633, %log3A_631 : vector<256xf32>
    %add3A_635 = arith.addf %add3A_617, %mul3A_634 : vector<256xf32>
    %mul3A_636 = arith.mulf %transpose3A_35, %transpose3A_47 : vector<128x256xf32>
    %reduce_sum3A_637 = arith.constant dense<0.000000e+00> : vector<256xf32>
    %reduce_sum3A_638 = vector.multi_reduction <add>, %mul3A_636, %reduce_sum3A_637 [0] : vector<128x256xf32> to vector<256xf32>
    %neg3A_639 = arith.constant 0.000000e+00 : f32
    %neg3A_640 = vector.broadcast %neg3A_639 : f32 to vector<256xf32>
    %neg3A_641 = arith.subf %neg3A_640, %reduce_sum3A_638 : vector<256xf32>
    %exp3A_642 = math.exp %neg3A_641 : vector<256xf32>
    %add3A_643 = arith.constant 1.000000e+00 : f32
    %add3A_644 = vector.broadcast %add3A_643 : f32 to vector<256xf32>
    %add3A_645 = arith.addf %add3A_644, %exp3A_642 : vector<256xf32>
    %div3A_646 = arith.constant 1.000000e+00 : f32
    %div3A_647 = vector.broadcast %div3A_646 : f32 to vector<256xf32>
    %div3A_648 = arith.divf %div3A_647, %add3A_645 : vector<256xf32>
    %log3A_649 = math.log %div3A_648 : vector<256xf32>
    %mul3A_650 = arith.constant 2.000000e+00 : f32
    %mul3A_651 = vector.broadcast %mul3A_650 : f32 to vector<256xf32>
    %mul3A_652 = arith.mulf %mul3A_651, %log3A_649 : vector<256xf32>
    %add3A_653 = arith.addf %add3A_635, %mul3A_652 : vector<256xf32>
    %mul3A_654 = arith.mulf %transpose3A_35, %transpose3A_53 : vector<128x256xf32>
    %reduce_sum3A_655 = arith.constant dense<0.000000e+00> : vector<256xf32>
    %reduce_sum3A_656 = vector.multi_reduction <add>, %mul3A_654, %reduce_sum3A_655 [0] : vector<128x256xf32> to vector<256xf32>
    %neg3A_657 = arith.constant 0.000000e+00 : f32
    %neg3A_658 = vector.broadcast %neg3A_657 : f32 to vector<256xf32>
    %neg3A_659 = arith.subf %neg3A_658, %reduce_sum3A_656 : vector<256xf32>
    %exp3A_660 = math.exp %neg3A_659 : vector<256xf32>
    %add3A_661 = arith.constant 1.000000e+00 : f32
    %add3A_662 = vector.broadcast %add3A_661 : f32 to vector<256xf32>
    %add3A_663 = arith.addf %add3A_662, %exp3A_660 : vector<256xf32>
    %div3A_664 = arith.constant 1.000000e+00 : f32
    %div3A_665 = vector.broadcast %div3A_664 : f32 to vector<256xf32>
    %div3A_666 = arith.divf %div3A_665, %add3A_663 : vector<256xf32>
    %log3A_667 = math.log %div3A_666 : vector<256xf32>
    %mul3A_668 = arith.constant 2.000000e+00 : f32
    %mul3A_669 = vector.broadcast %mul3A_668 : f32 to vector<256xf32>
    %mul3A_670 = arith.mulf %mul3A_669, %log3A_667 : vector<256xf32>
    %add3A_671 = arith.addf %add3A_653, %mul3A_670 : vector<256xf32>
    %mul3A_672 = arith.mulf %transpose3A_41, %transpose3A_41 : vector<128x256xf32>
    %reduce_sum3A_673 = arith.constant dense<0.000000e+00> : vector<256xf32>
    %reduce_sum3A_674 = vector.multi_reduction <add>, %mul3A_672, %reduce_sum3A_673 [0] : vector<128x256xf32> to vector<256xf32>
    %neg3A_675 = arith.constant 0.000000e+00 : f32
    %neg3A_676 = vector.broadcast %neg3A_675 : f32 to vector<256xf32>
    %neg3A_677 = arith.subf %neg3A_676, %reduce_sum3A_674 : vector<256xf32>
    %exp3A_678 = math.exp %neg3A_677 : vector<256xf32>
    %add3A_679 = arith.constant 1.000000e+00 : f32
    %add3A_680 = vector.broadcast %add3A_679 : f32 to vector<256xf32>
    %add3A_681 = arith.addf %add3A_680, %exp3A_678 : vector<256xf32>
    %div3A_682 = arith.constant 1.000000e+00 : f32
    %div3A_683 = vector.broadcast %div3A_682 : f32 to vector<256xf32>
    %div3A_684 = arith.divf %div3A_683, %add3A_681 : vector<256xf32>
    %log3A_685 = math.log %div3A_684 : vector<256xf32>
    %mul3A_686 = arith.constant 1.000000e+00 : f32
    %mul3A_687 = vector.broadcast %mul3A_686 : f32 to vector<256xf32>
    %mul3A_688 = arith.mulf %mul3A_687, %log3A_685 : vector<256xf32>
    %add3A_689 = arith.addf %add3A_671, %mul3A_688 : vector<256xf32>
    %mul3A_690 = arith.mulf %transpose3A_41, %transpose3A_47 : vector<128x256xf32>
    %reduce_sum3A_691 = arith.constant dense<0.000000e+00> : vector<256xf32>
    %reduce_sum3A_692 = vector.multi_reduction <add>, %mul3A_690, %reduce_sum3A_691 [0] : vector<128x256xf32> to vector<256xf32>
    %neg3A_693 = arith.constant 0.000000e+00 : f32
    %neg3A_694 = vector.broadcast %neg3A_693 : f32 to vector<256xf32>
    %neg3A_695 = arith.subf %neg3A_694, %reduce_sum3A_692 : vector<256xf32>
    %exp3A_696 = math.exp %neg3A_695 : vector<256xf32>
    %add3A_697 = arith.constant 1.000000e+00 : f32
    %add3A_698 = vector.broadcast %add3A_697 : f32 to vector<256xf32>
    %add3A_699 = arith.addf %add3A_698, %exp3A_696 : vector<256xf32>
    %div3A_700 = arith.constant 1.000000e+00 : f32
    %div3A_701 = vector.broadcast %div3A_700 : f32 to vector<256xf32>
    %div3A_702 = arith.divf %div3A_701, %add3A_699 : vector<256xf32>
    %log3A_703 = math.log %div3A_702 : vector<256xf32>
    %mul3A_704 = arith.constant 2.000000e+00 : f32
    %mul3A_705 = vector.broadcast %mul3A_704 : f32 to vector<256xf32>
    %mul3A_706 = arith.mulf %mul3A_705, %log3A_703 : vector<256xf32>
    %add3A_707 = arith.addf %add3A_689, %mul3A_706 : vector<256xf32>
    %mul3A_708 = arith.mulf %transpose3A_41, %transpose3A_53 : vector<128x256xf32>
    %reduce_sum3A_709 = arith.constant dense<0.000000e+00> : vector<256xf32>
    %reduce_sum3A_710 = vector.multi_reduction <add>, %mul3A_708, %reduce_sum3A_709 [0] : vector<128x256xf32> to vector<256xf32>
    %neg3A_711 = arith.constant 0.000000e+00 : f32
    %neg3A_712 = vector.broadcast %neg3A_711 : f32 to vector<256xf32>
    %neg3A_713 = arith.subf %neg3A_712, %reduce_sum3A_710 : vector<256xf32>
    %exp3A_714 = math.exp %neg3A_713 : vector<256xf32>
    %add3A_715 = arith.constant 1.000000e+00 : f32
    %add3A_716 = vector.broadcast %add3A_715 : f32 to vector<256xf32>
    %add3A_717 = arith.addf %add3A_716, %exp3A_714 : vector<256xf32>
    %div3A_718 = arith.constant 1.000000e+00 : f32
    %div3A_719 = vector.broadcast %div3A_718 : f32 to vector<256xf32>
    %div3A_720 = arith.divf %div3A_719, %add3A_717 : vector<256xf32>
    %log3A_721 = math.log %div3A_720 : vector<256xf32>
    %mul3A_722 = arith.constant 2.000000e+00 : f32
    %mul3A_723 = vector.broadcast %mul3A_722 : f32 to vector<256xf32>
    %mul3A_724 = arith.mulf %mul3A_723, %log3A_721 : vector<256xf32>
    %add3A_725 = arith.addf %add3A_707, %mul3A_724 : vector<256xf32>
    %mul3A_726 = arith.mulf %transpose3A_47, %transpose3A_47 : vector<128x256xf32>
    %reduce_sum3A_727 = arith.constant dense<0.000000e+00> : vector<256xf32>
    %reduce_sum3A_728 = vector.multi_reduction <add>, %mul3A_726, %reduce_sum3A_727 [0] : vector<128x256xf32> to vector<256xf32>
    %neg3A_729 = arith.constant 0.000000e+00 : f32
    %neg3A_730 = vector.broadcast %neg3A_729 : f32 to vector<256xf32>
    %neg3A_731 = arith.subf %neg3A_730, %reduce_sum3A_728 : vector<256xf32>
    %exp3A_732 = math.exp %neg3A_731 : vector<256xf32>
    %add3A_733 = arith.constant 1.000000e+00 : f32
    %add3A_734 = vector.broadcast %add3A_733 : f32 to vector<256xf32>
    %add3A_735 = arith.addf %add3A_734, %exp3A_732 : vector<256xf32>
    %div3A_736 = arith.constant 1.000000e+00 : f32
    %div3A_737 = vector.broadcast %div3A_736 : f32 to vector<256xf32>
    %div3A_738 = arith.divf %div3A_737, %add3A_735 : vector<256xf32>
    %log3A_739 = math.log %div3A_738 : vector<256xf32>
    %mul3A_740 = arith.constant 1.000000e+00 : f32
    %mul3A_741 = vector.broadcast %mul3A_740 : f32 to vector<256xf32>
    %mul3A_742 = arith.mulf %mul3A_741, %log3A_739 : vector<256xf32>
    %add3A_743 = arith.addf %add3A_725, %mul3A_742 : vector<256xf32>
    %mul3A_744 = arith.mulf %transpose3A_47, %transpose3A_53 : vector<128x256xf32>
    %reduce_sum3A_745 = arith.constant dense<0.000000e+00> : vector<256xf32>
    %reduce_sum3A_746 = vector.multi_reduction <add>, %mul3A_744, %reduce_sum3A_745 [0] : vector<128x256xf32> to vector<256xf32>
    %neg3A_747 = arith.constant 0.000000e+00 : f32
    %neg3A_748 = vector.broadcast %neg3A_747 : f32 to vector<256xf32>
    %neg3A_749 = arith.subf %neg3A_748, %reduce_sum3A_746 : vector<256xf32>
    %exp3A_750 = math.exp %neg3A_749 : vector<256xf32>
    %add3A_751 = arith.constant 1.000000e+00 : f32
    %add3A_752 = vector.broadcast %add3A_751 : f32 to vector<256xf32>
    %add3A_753 = arith.addf %add3A_752, %exp3A_750 : vector<256xf32>
    %div3A_754 = arith.constant 1.000000e+00 : f32
    %div3A_755 = vector.broadcast %div3A_754 : f32 to vector<256xf32>
    %div3A_756 = arith.divf %div3A_755, %add3A_753 : vector<256xf32>
    %log3A_757 = math.log %div3A_756 : vector<256xf32>
    %mul3A_758 = arith.constant 2.000000e+00 : f32
    %mul3A_759 = vector.broadcast %mul3A_758 : f32 to vector<256xf32>
    %mul3A_760 = arith.mulf %mul3A_759, %log3A_757 : vector<256xf32>
    %add3A_761 = arith.addf %add3A_743, %mul3A_760 : vector<256xf32>
    %mul3A_762 = arith.mulf %transpose3A_53, %transpose3A_53 : vector<128x256xf32>
    %reduce_sum3A_763 = arith.constant dense<0.000000e+00> : vector<256xf32>
    %reduce_sum3A_764 = vector.multi_reduction <add>, %mul3A_762, %reduce_sum3A_763 [0] : vector<128x256xf32> to vector<256xf32>
    %neg3A_765 = arith.constant 0.000000e+00 : f32
    %neg3A_766 = vector.broadcast %neg3A_765 : f32 to vector<256xf32>
    %neg3A_767 = arith.subf %neg3A_766, %reduce_sum3A_764 : vector<256xf32>
    %exp3A_768 = math.exp %neg3A_767 : vector<256xf32>
    %add3A_769 = arith.constant 1.000000e+00 : f32
    %add3A_770 = vector.broadcast %add3A_769 : f32 to vector<256xf32>
    %add3A_771 = arith.addf %add3A_770, %exp3A_768 : vector<256xf32>
    %div3A_772 = arith.constant 1.000000e+00 : f32
    %div3A_773 = vector.broadcast %div3A_772 : f32 to vector<256xf32>
    %div3A_774 = arith.divf %div3A_773, %add3A_771 : vector<256xf32>
    %log3A_775 = math.log %div3A_774 : vector<256xf32>
    %mul3A_776 = arith.constant 1.000000e+00 : f32
    %mul3A_777 = vector.broadcast %mul3A_776 : f32 to vector<256xf32>
    %mul3A_778 = arith.mulf %mul3A_777, %log3A_775 : vector<256xf32>
    %add3A_779 = arith.addf %add3A_761, %mul3A_778 : vector<256xf32>
    %mul3A_780 = arith.mulf %transpose3A, %transpose3A_59 : vector<128x256xf32>
    %reduce_sum3A_781 = arith.constant dense<0.000000e+00> : vector<256xf32>
    %reduce_sum3A_782 = vector.multi_reduction <add>, %mul3A_780, %reduce_sum3A_781 [0] : vector<128x256xf32> to vector<256xf32>
    %neg3A_783 = arith.constant 0.000000e+00 : f32
    %neg3A_784 = vector.broadcast %neg3A_783 : f32 to vector<256xf32>
    %neg3A_785 = arith.subf %neg3A_784, %reduce_sum3A_782 : vector<256xf32>
    %neg3A_786 = arith.constant 0.000000e+00 : f32
    %neg3A_787 = vector.broadcast %neg3A_786 : f32 to vector<256xf32>
    %neg3A_788 = arith.subf %neg3A_787, %neg3A_785 : vector<256xf32>
    %exp3A_789 = math.exp %neg3A_788 : vector<256xf32>
    %add3A_790 = arith.constant 1.000000e+00 : f32
    %add3A_791 = vector.broadcast %add3A_790 : f32 to vector<256xf32>
    %add3A_792 = arith.addf %add3A_791, %exp3A_789 : vector<256xf32>
    %div3A_793 = arith.constant 1.000000e+00 : f32
    %div3A_794 = vector.broadcast %div3A_793 : f32 to vector<256xf32>
    %div3A_795 = arith.divf %div3A_794, %add3A_792 : vector<256xf32>
    %log3A_796 = math.log %div3A_795 : vector<256xf32>
    %mul3A_797 = arith.constant 5.000000e+00 : f32
    %mul3A_798 = vector.broadcast %mul3A_797 : f32 to vector<256xf32>
    %mul3A_799 = arith.mulf %mul3A_798, %log3A_796 : vector<256xf32>
    %add3A_800 = arith.addf %add3A_779, %mul3A_799 : vector<256xf32>
    %mul3A_801 = arith.mulf %transpose3A, %transpose3A_65 : vector<128x256xf32>
    %reduce_sum3A_802 = arith.constant dense<0.000000e+00> : vector<256xf32>
    %reduce_sum3A_803 = vector.multi_reduction <add>, %mul3A_801, %reduce_sum3A_802 [0] : vector<128x256xf32> to vector<256xf32>
    %neg3A_804 = arith.constant 0.000000e+00 : f32
    %neg3A_805 = vector.broadcast %neg3A_804 : f32 to vector<256xf32>
    %neg3A_806 = arith.subf %neg3A_805, %reduce_sum3A_803 : vector<256xf32>
    %neg3A_807 = arith.constant 0.000000e+00 : f32
    %neg3A_808 = vector.broadcast %neg3A_807 : f32 to vector<256xf32>
    %neg3A_809 = arith.subf %neg3A_808, %neg3A_806 : vector<256xf32>
    %exp3A_810 = math.exp %neg3A_809 : vector<256xf32>
    %add3A_811 = arith.constant 1.000000e+00 : f32
    %add3A_812 = vector.broadcast %add3A_811 : f32 to vector<256xf32>
    %add3A_813 = arith.addf %add3A_812, %exp3A_810 : vector<256xf32>
    %div3A_814 = arith.constant 1.000000e+00 : f32
    %div3A_815 = vector.broadcast %div3A_814 : f32 to vector<256xf32>
    %div3A_816 = arith.divf %div3A_815, %add3A_813 : vector<256xf32>
    %log3A_817 = math.log %div3A_816 : vector<256xf32>
    %mul3A_818 = arith.constant 5.000000e+00 : f32
    %mul3A_819 = vector.broadcast %mul3A_818 : f32 to vector<256xf32>
    %mul3A_820 = arith.mulf %mul3A_819, %log3A_817 : vector<256xf32>
    %add3A_821 = arith.addf %add3A_800, %mul3A_820 : vector<256xf32>
    %mul3A_822 = arith.mulf %transpose3A, %transpose3A_71 : vector<128x256xf32>
    %reduce_sum3A_823 = arith.constant dense<0.000000e+00> : vector<256xf32>
    %reduce_sum3A_824 = vector.multi_reduction <add>, %mul3A_822, %reduce_sum3A_823 [0] : vector<128x256xf32> to vector<256xf32>
    %neg3A_825 = arith.constant 0.000000e+00 : f32
    %neg3A_826 = vector.broadcast %neg3A_825 : f32 to vector<256xf32>
    %neg3A_827 = arith.subf %neg3A_826, %reduce_sum3A_824 : vector<256xf32>
    %neg3A_828 = arith.constant 0.000000e+00 : f32
    %neg3A_829 = vector.broadcast %neg3A_828 : f32 to vector<256xf32>
    %neg3A_830 = arith.subf %neg3A_829, %neg3A_827 : vector<256xf32>
    %exp3A_831 = math.exp %neg3A_830 : vector<256xf32>
    %add3A_832 = arith.constant 1.000000e+00 : f32
    %add3A_833 = vector.broadcast %add3A_832 : f32 to vector<256xf32>
    %add3A_834 = arith.addf %add3A_833, %exp3A_831 : vector<256xf32>
    %div3A_835 = arith.constant 1.000000e+00 : f32
    %div3A_836 = vector.broadcast %div3A_835 : f32 to vector<256xf32>
    %div3A_837 = arith.divf %div3A_836, %add3A_834 : vector<256xf32>
    %log3A_838 = math.log %div3A_837 : vector<256xf32>
    %mul3A_839 = arith.constant 5.000000e+00 : f32
    %mul3A_840 = vector.broadcast %mul3A_839 : f32 to vector<256xf32>
    %mul3A_841 = arith.mulf %mul3A_840, %log3A_838 : vector<256xf32>
    %add3A_842 = arith.addf %add3A_821, %mul3A_841 : vector<256xf32>
    %mul3A_843 = arith.mulf %transpose3A, %transpose3A_77 : vector<128x256xf32>
    %reduce_sum3A_844 = arith.constant dense<0.000000e+00> : vector<256xf32>
    %reduce_sum3A_845 = vector.multi_reduction <add>, %mul3A_843, %reduce_sum3A_844 [0] : vector<128x256xf32> to vector<256xf32>
    %neg3A_846 = arith.constant 0.000000e+00 : f32
    %neg3A_847 = vector.broadcast %neg3A_846 : f32 to vector<256xf32>
    %neg3A_848 = arith.subf %neg3A_847, %reduce_sum3A_845 : vector<256xf32>
    %neg3A_849 = arith.constant 0.000000e+00 : f32
    %neg3A_850 = vector.broadcast %neg3A_849 : f32 to vector<256xf32>
    %neg3A_851 = arith.subf %neg3A_850, %neg3A_848 : vector<256xf32>
    %exp3A_852 = math.exp %neg3A_851 : vector<256xf32>
    %add3A_853 = arith.constant 1.000000e+00 : f32
    %add3A_854 = vector.broadcast %add3A_853 : f32 to vector<256xf32>
    %add3A_855 = arith.addf %add3A_854, %exp3A_852 : vector<256xf32>
    %div3A_856 = arith.constant 1.000000e+00 : f32
    %div3A_857 = vector.broadcast %div3A_856 : f32 to vector<256xf32>
    %div3A_858 = arith.divf %div3A_857, %add3A_855 : vector<256xf32>
    %log3A_859 = math.log %div3A_858 : vector<256xf32>
    %mul3A_860 = arith.constant 5.000000e+00 : f32
    %mul3A_861 = vector.broadcast %mul3A_860 : f32 to vector<256xf32>
    %mul3A_862 = arith.mulf %mul3A_861, %log3A_859 : vector<256xf32>
    %add3A_863 = arith.addf %add3A_842, %mul3A_862 : vector<256xf32>
    %mul3A_864 = arith.mulf %transpose3A, %transpose3A_83 : vector<128x256xf32>
    %reduce_sum3A_865 = arith.constant dense<0.000000e+00> : vector<256xf32>
    %reduce_sum3A_866 = vector.multi_reduction <add>, %mul3A_864, %reduce_sum3A_865 [0] : vector<128x256xf32> to vector<256xf32>
    %neg3A_867 = arith.constant 0.000000e+00 : f32
    %neg3A_868 = vector.broadcast %neg3A_867 : f32 to vector<256xf32>
    %neg3A_869 = arith.subf %neg3A_868, %reduce_sum3A_866 : vector<256xf32>
    %neg3A_870 = arith.constant 0.000000e+00 : f32
    %neg3A_871 = vector.broadcast %neg3A_870 : f32 to vector<256xf32>
    %neg3A_872 = arith.subf %neg3A_871, %neg3A_869 : vector<256xf32>
    %exp3A_873 = math.exp %neg3A_872 : vector<256xf32>
    %add3A_874 = arith.constant 1.000000e+00 : f32
    %add3A_875 = vector.broadcast %add3A_874 : f32 to vector<256xf32>
    %add3A_876 = arith.addf %add3A_875, %exp3A_873 : vector<256xf32>
    %div3A_877 = arith.constant 1.000000e+00 : f32
    %div3A_878 = vector.broadcast %div3A_877 : f32 to vector<256xf32>
    %div3A_879 = arith.divf %div3A_878, %add3A_876 : vector<256xf32>
    %log3A_880 = math.log %div3A_879 : vector<256xf32>
    %mul3A_881 = arith.constant 5.000000e+00 : f32
    %mul3A_882 = vector.broadcast %mul3A_881 : f32 to vector<256xf32>
    %mul3A_883 = arith.mulf %mul3A_882, %log3A_880 : vector<256xf32>
    %add3A_884 = arith.addf %add3A_863, %mul3A_883 : vector<256xf32>
    %mul3A_885 = arith.mulf %transpose3A_11, %transpose3A_59 : vector<128x256xf32>
    %reduce_sum3A_886 = arith.constant dense<0.000000e+00> : vector<256xf32>
    %reduce_sum3A_887 = vector.multi_reduction <add>, %mul3A_885, %reduce_sum3A_886 [0] : vector<128x256xf32> to vector<256xf32>
    %neg3A_888 = arith.constant 0.000000e+00 : f32
    %neg3A_889 = vector.broadcast %neg3A_888 : f32 to vector<256xf32>
    %neg3A_890 = arith.subf %neg3A_889, %reduce_sum3A_887 : vector<256xf32>
    %neg3A_891 = arith.constant 0.000000e+00 : f32
    %neg3A_892 = vector.broadcast %neg3A_891 : f32 to vector<256xf32>
    %neg3A_893 = arith.subf %neg3A_892, %neg3A_890 : vector<256xf32>
    %exp3A_894 = math.exp %neg3A_893 : vector<256xf32>
    %add3A_895 = arith.constant 1.000000e+00 : f32
    %add3A_896 = vector.broadcast %add3A_895 : f32 to vector<256xf32>
    %add3A_897 = arith.addf %add3A_896, %exp3A_894 : vector<256xf32>
    %div3A_898 = arith.constant 1.000000e+00 : f32
    %div3A_899 = vector.broadcast %div3A_898 : f32 to vector<256xf32>
    %div3A_900 = arith.divf %div3A_899, %add3A_897 : vector<256xf32>
    %log3A_901 = math.log %div3A_900 : vector<256xf32>
    %mul3A_902 = arith.constant 6.000000e+00 : f32
    %mul3A_903 = vector.broadcast %mul3A_902 : f32 to vector<256xf32>
    %mul3A_904 = arith.mulf %mul3A_903, %log3A_901 : vector<256xf32>
    %add3A_905 = arith.addf %add3A_884, %mul3A_904 : vector<256xf32>
    %mul3A_906 = arith.mulf %transpose3A_11, %transpose3A_65 : vector<128x256xf32>
    %reduce_sum3A_907 = arith.constant dense<0.000000e+00> : vector<256xf32>
    %reduce_sum3A_908 = vector.multi_reduction <add>, %mul3A_906, %reduce_sum3A_907 [0] : vector<128x256xf32> to vector<256xf32>
    %neg3A_909 = arith.constant 0.000000e+00 : f32
    %neg3A_910 = vector.broadcast %neg3A_909 : f32 to vector<256xf32>
    %neg3A_911 = arith.subf %neg3A_910, %reduce_sum3A_908 : vector<256xf32>
    %neg3A_912 = arith.constant 0.000000e+00 : f32
    %neg3A_913 = vector.broadcast %neg3A_912 : f32 to vector<256xf32>
    %neg3A_914 = arith.subf %neg3A_913, %neg3A_911 : vector<256xf32>
    %exp3A_915 = math.exp %neg3A_914 : vector<256xf32>
    %add3A_916 = arith.constant 1.000000e+00 : f32
    %add3A_917 = vector.broadcast %add3A_916 : f32 to vector<256xf32>
    %add3A_918 = arith.addf %add3A_917, %exp3A_915 : vector<256xf32>
    %div3A_919 = arith.constant 1.000000e+00 : f32
    %div3A_920 = vector.broadcast %div3A_919 : f32 to vector<256xf32>
    %div3A_921 = arith.divf %div3A_920, %add3A_918 : vector<256xf32>
    %log3A_922 = math.log %div3A_921 : vector<256xf32>
    %mul3A_923 = arith.constant 6.000000e+00 : f32
    %mul3A_924 = vector.broadcast %mul3A_923 : f32 to vector<256xf32>
    %mul3A_925 = arith.mulf %mul3A_924, %log3A_922 : vector<256xf32>
    %add3A_926 = arith.addf %add3A_905, %mul3A_925 : vector<256xf32>
    %mul3A_927 = arith.mulf %transpose3A_11, %transpose3A_71 : vector<128x256xf32>
    %reduce_sum3A_928 = arith.constant dense<0.000000e+00> : vector<256xf32>
    %reduce_sum3A_929 = vector.multi_reduction <add>, %mul3A_927, %reduce_sum3A_928 [0] : vector<128x256xf32> to vector<256xf32>
    %neg3A_930 = arith.constant 0.000000e+00 : f32
    %neg3A_931 = vector.broadcast %neg3A_930 : f32 to vector<256xf32>
    %neg3A_932 = arith.subf %neg3A_931, %reduce_sum3A_929 : vector<256xf32>
    %neg3A_933 = arith.constant 0.000000e+00 : f32
    %neg3A_934 = vector.broadcast %neg3A_933 : f32 to vector<256xf32>
    %neg3A_935 = arith.subf %neg3A_934, %neg3A_932 : vector<256xf32>
    %exp3A_936 = math.exp %neg3A_935 : vector<256xf32>
    %add3A_937 = arith.constant 1.000000e+00 : f32
    %add3A_938 = vector.broadcast %add3A_937 : f32 to vector<256xf32>
    %add3A_939 = arith.addf %add3A_938, %exp3A_936 : vector<256xf32>
    %div3A_940 = arith.constant 1.000000e+00 : f32
    %div3A_941 = vector.broadcast %div3A_940 : f32 to vector<256xf32>
    %div3A_942 = arith.divf %div3A_941, %add3A_939 : vector<256xf32>
    %log3A_943 = math.log %div3A_942 : vector<256xf32>
    %mul3A_944 = arith.constant 6.000000e+00 : f32
    %mul3A_945 = vector.broadcast %mul3A_944 : f32 to vector<256xf32>
    %mul3A_946 = arith.mulf %mul3A_945, %log3A_943 : vector<256xf32>
    %add3A_947 = arith.addf %add3A_926, %mul3A_946 : vector<256xf32>
    %mul3A_948 = arith.mulf %transpose3A_11, %transpose3A_77 : vector<128x256xf32>
    %reduce_sum3A_949 = arith.constant dense<0.000000e+00> : vector<256xf32>
    %reduce_sum3A_950 = vector.multi_reduction <add>, %mul3A_948, %reduce_sum3A_949 [0] : vector<128x256xf32> to vector<256xf32>
    %neg3A_951 = arith.constant 0.000000e+00 : f32
    %neg3A_952 = vector.broadcast %neg3A_951 : f32 to vector<256xf32>
    %neg3A_953 = arith.subf %neg3A_952, %reduce_sum3A_950 : vector<256xf32>
    %neg3A_954 = arith.constant 0.000000e+00 : f32
    %neg3A_955 = vector.broadcast %neg3A_954 : f32 to vector<256xf32>
    %neg3A_956 = arith.subf %neg3A_955, %neg3A_953 : vector<256xf32>
    %exp3A_957 = math.exp %neg3A_956 : vector<256xf32>
    %add3A_958 = arith.constant 1.000000e+00 : f32
    %add3A_959 = vector.broadcast %add3A_958 : f32 to vector<256xf32>
    %add3A_960 = arith.addf %add3A_959, %exp3A_957 : vector<256xf32>
    %div3A_961 = arith.constant 1.000000e+00 : f32
    %div3A_962 = vector.broadcast %div3A_961 : f32 to vector<256xf32>
    %div3A_963 = arith.divf %div3A_962, %add3A_960 : vector<256xf32>
    %log3A_964 = math.log %div3A_963 : vector<256xf32>
    %mul3A_965 = arith.constant 6.000000e+00 : f32
    %mul3A_966 = vector.broadcast %mul3A_965 : f32 to vector<256xf32>
    %mul3A_967 = arith.mulf %mul3A_966, %log3A_964 : vector<256xf32>
    %add3A_968 = arith.addf %add3A_947, %mul3A_967 : vector<256xf32>
    %mul3A_969 = arith.mulf %transpose3A_11, %transpose3A_83 : vector<128x256xf32>
    %reduce_sum3A_970 = arith.constant dense<0.000000e+00> : vector<256xf32>
    %reduce_sum3A_971 = vector.multi_reduction <add>, %mul3A_969, %reduce_sum3A_970 [0] : vector<128x256xf32> to vector<256xf32>
    %neg3A_972 = arith.constant 0.000000e+00 : f32
    %neg3A_973 = vector.broadcast %neg3A_972 : f32 to vector<256xf32>
    %neg3A_974 = arith.subf %neg3A_973, %reduce_sum3A_971 : vector<256xf32>
    %neg3A_975 = arith.constant 0.000000e+00 : f32
    %neg3A_976 = vector.broadcast %neg3A_975 : f32 to vector<256xf32>
    %neg3A_977 = arith.subf %neg3A_976, %neg3A_974 : vector<256xf32>
    %exp3A_978 = math.exp %neg3A_977 : vector<256xf32>
    %add3A_979 = arith.constant 1.000000e+00 : f32
    %add3A_980 = vector.broadcast %add3A_979 : f32 to vector<256xf32>
    %add3A_981 = arith.addf %add3A_980, %exp3A_978 : vector<256xf32>
    %div3A_982 = arith.constant 1.000000e+00 : f32
    %div3A_983 = vector.broadcast %div3A_982 : f32 to vector<256xf32>
    %div3A_984 = arith.divf %div3A_983, %add3A_981 : vector<256xf32>
    %log3A_985 = math.log %div3A_984 : vector<256xf32>
    %mul3A_986 = arith.constant 6.000000e+00 : f32
    %mul3A_987 = vector.broadcast %mul3A_986 : f32 to vector<256xf32>
    %mul3A_988 = arith.mulf %mul3A_987, %log3A_985 : vector<256xf32>
    %add3A_989 = arith.addf %add3A_968, %mul3A_988 : vector<256xf32>
    %mul3A_990 = arith.mulf %transpose3A_17, %transpose3A_59 : vector<128x256xf32>
    %reduce_sum3A_991 = arith.constant dense<0.000000e+00> : vector<256xf32>
    %reduce_sum3A_992 = vector.multi_reduction <add>, %mul3A_990, %reduce_sum3A_991 [0] : vector<128x256xf32> to vector<256xf32>
    %neg3A_993 = arith.constant 0.000000e+00 : f32
    %neg3A_994 = vector.broadcast %neg3A_993 : f32 to vector<256xf32>
    %neg3A_995 = arith.subf %neg3A_994, %reduce_sum3A_992 : vector<256xf32>
    %neg3A_996 = arith.constant 0.000000e+00 : f32
    %neg3A_997 = vector.broadcast %neg3A_996 : f32 to vector<256xf32>
    %neg3A_998 = arith.subf %neg3A_997, %neg3A_995 : vector<256xf32>
    %exp3A_999 = math.exp %neg3A_998 : vector<256xf32>
    %add3A_1000 = arith.constant 1.000000e+00 : f32
    %add3A_1001 = vector.broadcast %add3A_1000 : f32 to vector<256xf32>
    %add3A_1002 = arith.addf %add3A_1001, %exp3A_999 : vector<256xf32>
    %div3A_1003 = arith.constant 1.000000e+00 : f32
    %div3A_1004 = vector.broadcast %div3A_1003 : f32 to vector<256xf32>
    %div3A_1005 = arith.divf %div3A_1004, %add3A_1002 : vector<256xf32>
    %log3A_1006 = math.log %div3A_1005 : vector<256xf32>
    %mul3A_1007 = arith.constant 7.000000e+00 : f32
    %mul3A_1008 = vector.broadcast %mul3A_1007 : f32 to vector<256xf32>
    %mul3A_1009 = arith.mulf %mul3A_1008, %log3A_1006 : vector<256xf32>
    %add3A_1010 = arith.addf %add3A_989, %mul3A_1009 : vector<256xf32>
    %mul3A_1011 = arith.mulf %transpose3A_17, %transpose3A_65 : vector<128x256xf32>
    %reduce_sum3A_1012 = arith.constant dense<0.000000e+00> : vector<256xf32>
    %reduce_sum3A_1013 = vector.multi_reduction <add>, %mul3A_1011, %reduce_sum3A_1012 [0] : vector<128x256xf32> to vector<256xf32>
    %neg3A_1014 = arith.constant 0.000000e+00 : f32
    %neg3A_1015 = vector.broadcast %neg3A_1014 : f32 to vector<256xf32>
    %neg3A_1016 = arith.subf %neg3A_1015, %reduce_sum3A_1013 : vector<256xf32>
    %neg3A_1017 = arith.constant 0.000000e+00 : f32
    %neg3A_1018 = vector.broadcast %neg3A_1017 : f32 to vector<256xf32>
    %neg3A_1019 = arith.subf %neg3A_1018, %neg3A_1016 : vector<256xf32>
    %exp3A_1020 = math.exp %neg3A_1019 : vector<256xf32>
    %add3A_1021 = arith.constant 1.000000e+00 : f32
    %add3A_1022 = vector.broadcast %add3A_1021 : f32 to vector<256xf32>
    %add3A_1023 = arith.addf %add3A_1022, %exp3A_1020 : vector<256xf32>
    %div3A_1024 = arith.constant 1.000000e+00 : f32
    %div3A_1025 = vector.broadcast %div3A_1024 : f32 to vector<256xf32>
    %div3A_1026 = arith.divf %div3A_1025, %add3A_1023 : vector<256xf32>
    %log3A_1027 = math.log %div3A_1026 : vector<256xf32>
    %mul3A_1028 = arith.constant 7.000000e+00 : f32
    %mul3A_1029 = vector.broadcast %mul3A_1028 : f32 to vector<256xf32>
    %mul3A_1030 = arith.mulf %mul3A_1029, %log3A_1027 : vector<256xf32>
    %add3A_1031 = arith.addf %add3A_1010, %mul3A_1030 : vector<256xf32>
    %mul3A_1032 = arith.mulf %transpose3A_17, %transpose3A_71 : vector<128x256xf32>
    %reduce_sum3A_1033 = arith.constant dense<0.000000e+00> : vector<256xf32>
    %reduce_sum3A_1034 = vector.multi_reduction <add>, %mul3A_1032, %reduce_sum3A_1033 [0] : vector<128x256xf32> to vector<256xf32>
    %neg3A_1035 = arith.constant 0.000000e+00 : f32
    %neg3A_1036 = vector.broadcast %neg3A_1035 : f32 to vector<256xf32>
    %neg3A_1037 = arith.subf %neg3A_1036, %reduce_sum3A_1034 : vector<256xf32>
    %neg3A_1038 = arith.constant 0.000000e+00 : f32
    %neg3A_1039 = vector.broadcast %neg3A_1038 : f32 to vector<256xf32>
    %neg3A_1040 = arith.subf %neg3A_1039, %neg3A_1037 : vector<256xf32>
    %exp3A_1041 = math.exp %neg3A_1040 : vector<256xf32>
    %add3A_1042 = arith.constant 1.000000e+00 : f32
    %add3A_1043 = vector.broadcast %add3A_1042 : f32 to vector<256xf32>
    %add3A_1044 = arith.addf %add3A_1043, %exp3A_1041 : vector<256xf32>
    %div3A_1045 = arith.constant 1.000000e+00 : f32
    %div3A_1046 = vector.broadcast %div3A_1045 : f32 to vector<256xf32>
    %div3A_1047 = arith.divf %div3A_1046, %add3A_1044 : vector<256xf32>
    %log3A_1048 = math.log %div3A_1047 : vector<256xf32>
    %mul3A_1049 = arith.constant 7.000000e+00 : f32
    %mul3A_1050 = vector.broadcast %mul3A_1049 : f32 to vector<256xf32>
    %mul3A_1051 = arith.mulf %mul3A_1050, %log3A_1048 : vector<256xf32>
    %add3A_1052 = arith.addf %add3A_1031, %mul3A_1051 : vector<256xf32>
    %mul3A_1053 = arith.mulf %transpose3A_17, %transpose3A_77 : vector<128x256xf32>
    %reduce_sum3A_1054 = arith.constant dense<0.000000e+00> : vector<256xf32>
    %reduce_sum3A_1055 = vector.multi_reduction <add>, %mul3A_1053, %reduce_sum3A_1054 [0] : vector<128x256xf32> to vector<256xf32>
    %neg3A_1056 = arith.constant 0.000000e+00 : f32
    %neg3A_1057 = vector.broadcast %neg3A_1056 : f32 to vector<256xf32>
    %neg3A_1058 = arith.subf %neg3A_1057, %reduce_sum3A_1055 : vector<256xf32>
    %neg3A_1059 = arith.constant 0.000000e+00 : f32
    %neg3A_1060 = vector.broadcast %neg3A_1059 : f32 to vector<256xf32>
    %neg3A_1061 = arith.subf %neg3A_1060, %neg3A_1058 : vector<256xf32>
    %exp3A_1062 = math.exp %neg3A_1061 : vector<256xf32>
    %add3A_1063 = arith.constant 1.000000e+00 : f32
    %add3A_1064 = vector.broadcast %add3A_1063 : f32 to vector<256xf32>
    %add3A_1065 = arith.addf %add3A_1064, %exp3A_1062 : vector<256xf32>
    %div3A_1066 = arith.constant 1.000000e+00 : f32
    %div3A_1067 = vector.broadcast %div3A_1066 : f32 to vector<256xf32>
    %div3A_1068 = arith.divf %div3A_1067, %add3A_1065 : vector<256xf32>
    %log3A_1069 = math.log %div3A_1068 : vector<256xf32>
    %mul3A_1070 = arith.constant 7.000000e+00 : f32
    %mul3A_1071 = vector.broadcast %mul3A_1070 : f32 to vector<256xf32>
    %mul3A_1072 = arith.mulf %mul3A_1071, %log3A_1069 : vector<256xf32>
    %add3A_1073 = arith.addf %add3A_1052, %mul3A_1072 : vector<256xf32>
    %mul3A_1074 = arith.mulf %transpose3A_17, %transpose3A_83 : vector<128x256xf32>
    %reduce_sum3A_1075 = arith.constant dense<0.000000e+00> : vector<256xf32>
    %reduce_sum3A_1076 = vector.multi_reduction <add>, %mul3A_1074, %reduce_sum3A_1075 [0] : vector<128x256xf32> to vector<256xf32>
    %neg3A_1077 = arith.constant 0.000000e+00 : f32
    %neg3A_1078 = vector.broadcast %neg3A_1077 : f32 to vector<256xf32>
    %neg3A_1079 = arith.subf %neg3A_1078, %reduce_sum3A_1076 : vector<256xf32>
    %neg3A_1080 = arith.constant 0.000000e+00 : f32
    %neg3A_1081 = vector.broadcast %neg3A_1080 : f32 to vector<256xf32>
    %neg3A_1082 = arith.subf %neg3A_1081, %neg3A_1079 : vector<256xf32>
    %exp3A_1083 = math.exp %neg3A_1082 : vector<256xf32>
    %add3A_1084 = arith.constant 1.000000e+00 : f32
    %add3A_1085 = vector.broadcast %add3A_1084 : f32 to vector<256xf32>
    %add3A_1086 = arith.addf %add3A_1085, %exp3A_1083 : vector<256xf32>
    %div3A_1087 = arith.constant 1.000000e+00 : f32
    %div3A_1088 = vector.broadcast %div3A_1087 : f32 to vector<256xf32>
    %div3A_1089 = arith.divf %div3A_1088, %add3A_1086 : vector<256xf32>
    %log3A_1090 = math.log %div3A_1089 : vector<256xf32>
    %mul3A_1091 = arith.constant 7.000000e+00 : f32
    %mul3A_1092 = vector.broadcast %mul3A_1091 : f32 to vector<256xf32>
    %mul3A_1093 = arith.mulf %mul3A_1092, %log3A_1090 : vector<256xf32>
    %add3A_1094 = arith.addf %add3A_1073, %mul3A_1093 : vector<256xf32>
    %mul3A_1095 = arith.mulf %transpose3A_23, %transpose3A_59 : vector<128x256xf32>
    %reduce_sum3A_1096 = arith.constant dense<0.000000e+00> : vector<256xf32>
    %reduce_sum3A_1097 = vector.multi_reduction <add>, %mul3A_1095, %reduce_sum3A_1096 [0] : vector<128x256xf32> to vector<256xf32>
    %neg3A_1098 = arith.constant 0.000000e+00 : f32
    %neg3A_1099 = vector.broadcast %neg3A_1098 : f32 to vector<256xf32>
    %neg3A_1100 = arith.subf %neg3A_1099, %reduce_sum3A_1097 : vector<256xf32>
    %neg3A_1101 = arith.constant 0.000000e+00 : f32
    %neg3A_1102 = vector.broadcast %neg3A_1101 : f32 to vector<256xf32>
    %neg3A_1103 = arith.subf %neg3A_1102, %neg3A_1100 : vector<256xf32>
    %exp3A_1104 = math.exp %neg3A_1103 : vector<256xf32>
    %add3A_1105 = arith.constant 1.000000e+00 : f32
    %add3A_1106 = vector.broadcast %add3A_1105 : f32 to vector<256xf32>
    %add3A_1107 = arith.addf %add3A_1106, %exp3A_1104 : vector<256xf32>
    %div3A_1108 = arith.constant 1.000000e+00 : f32
    %div3A_1109 = vector.broadcast %div3A_1108 : f32 to vector<256xf32>
    %div3A_1110 = arith.divf %div3A_1109, %add3A_1107 : vector<256xf32>
    %log3A_1111 = math.log %div3A_1110 : vector<256xf32>
    %mul3A_1112 = arith.constant 8.000000e+00 : f32
    %mul3A_1113 = vector.broadcast %mul3A_1112 : f32 to vector<256xf32>
    %mul3A_1114 = arith.mulf %mul3A_1113, %log3A_1111 : vector<256xf32>
    %add3A_1115 = arith.addf %add3A_1094, %mul3A_1114 : vector<256xf32>
    %mul3A_1116 = arith.mulf %transpose3A_23, %transpose3A_65 : vector<128x256xf32>
    %reduce_sum3A_1117 = arith.constant dense<0.000000e+00> : vector<256xf32>
    %reduce_sum3A_1118 = vector.multi_reduction <add>, %mul3A_1116, %reduce_sum3A_1117 [0] : vector<128x256xf32> to vector<256xf32>
    %neg3A_1119 = arith.constant 0.000000e+00 : f32
    %neg3A_1120 = vector.broadcast %neg3A_1119 : f32 to vector<256xf32>
    %neg3A_1121 = arith.subf %neg3A_1120, %reduce_sum3A_1118 : vector<256xf32>
    %neg3A_1122 = arith.constant 0.000000e+00 : f32
    %neg3A_1123 = vector.broadcast %neg3A_1122 : f32 to vector<256xf32>
    %neg3A_1124 = arith.subf %neg3A_1123, %neg3A_1121 : vector<256xf32>
    %exp3A_1125 = math.exp %neg3A_1124 : vector<256xf32>
    %add3A_1126 = arith.constant 1.000000e+00 : f32
    %add3A_1127 = vector.broadcast %add3A_1126 : f32 to vector<256xf32>
    %add3A_1128 = arith.addf %add3A_1127, %exp3A_1125 : vector<256xf32>
    %div3A_1129 = arith.constant 1.000000e+00 : f32
    %div3A_1130 = vector.broadcast %div3A_1129 : f32 to vector<256xf32>
    %div3A_1131 = arith.divf %div3A_1130, %add3A_1128 : vector<256xf32>
    %log3A_1132 = math.log %div3A_1131 : vector<256xf32>
    %mul3A_1133 = arith.constant 8.000000e+00 : f32
    %mul3A_1134 = vector.broadcast %mul3A_1133 : f32 to vector<256xf32>
    %mul3A_1135 = arith.mulf %mul3A_1134, %log3A_1132 : vector<256xf32>
    %add3A_1136 = arith.addf %add3A_1115, %mul3A_1135 : vector<256xf32>
    %mul3A_1137 = arith.mulf %transpose3A_23, %transpose3A_71 : vector<128x256xf32>
    %reduce_sum3A_1138 = arith.constant dense<0.000000e+00> : vector<256xf32>
    %reduce_sum3A_1139 = vector.multi_reduction <add>, %mul3A_1137, %reduce_sum3A_1138 [0] : vector<128x256xf32> to vector<256xf32>
    %neg3A_1140 = arith.constant 0.000000e+00 : f32
    %neg3A_1141 = vector.broadcast %neg3A_1140 : f32 to vector<256xf32>
    %neg3A_1142 = arith.subf %neg3A_1141, %reduce_sum3A_1139 : vector<256xf32>
    %neg3A_1143 = arith.constant 0.000000e+00 : f32
    %neg3A_1144 = vector.broadcast %neg3A_1143 : f32 to vector<256xf32>
    %neg3A_1145 = arith.subf %neg3A_1144, %neg3A_1142 : vector<256xf32>
    %exp3A_1146 = math.exp %neg3A_1145 : vector<256xf32>
    %add3A_1147 = arith.constant 1.000000e+00 : f32
    %add3A_1148 = vector.broadcast %add3A_1147 : f32 to vector<256xf32>
    %add3A_1149 = arith.addf %add3A_1148, %exp3A_1146 : vector<256xf32>
    %div3A_1150 = arith.constant 1.000000e+00 : f32
    %div3A_1151 = vector.broadcast %div3A_1150 : f32 to vector<256xf32>
    %div3A_1152 = arith.divf %div3A_1151, %add3A_1149 : vector<256xf32>
    %log3A_1153 = math.log %div3A_1152 : vector<256xf32>
    %mul3A_1154 = arith.constant 8.000000e+00 : f32
    %mul3A_1155 = vector.broadcast %mul3A_1154 : f32 to vector<256xf32>
    %mul3A_1156 = arith.mulf %mul3A_1155, %log3A_1153 : vector<256xf32>
    %add3A_1157 = arith.addf %add3A_1136, %mul3A_1156 : vector<256xf32>
    %mul3A_1158 = arith.mulf %transpose3A_23, %transpose3A_77 : vector<128x256xf32>
    %reduce_sum3A_1159 = arith.constant dense<0.000000e+00> : vector<256xf32>
    %reduce_sum3A_1160 = vector.multi_reduction <add>, %mul3A_1158, %reduce_sum3A_1159 [0] : vector<128x256xf32> to vector<256xf32>
    %neg3A_1161 = arith.constant 0.000000e+00 : f32
    %neg3A_1162 = vector.broadcast %neg3A_1161 : f32 to vector<256xf32>
    %neg3A_1163 = arith.subf %neg3A_1162, %reduce_sum3A_1160 : vector<256xf32>
    %neg3A_1164 = arith.constant 0.000000e+00 : f32
    %neg3A_1165 = vector.broadcast %neg3A_1164 : f32 to vector<256xf32>
    %neg3A_1166 = arith.subf %neg3A_1165, %neg3A_1163 : vector<256xf32>
    %exp3A_1167 = math.exp %neg3A_1166 : vector<256xf32>
    %add3A_1168 = arith.constant 1.000000e+00 : f32
    %add3A_1169 = vector.broadcast %add3A_1168 : f32 to vector<256xf32>
    %add3A_1170 = arith.addf %add3A_1169, %exp3A_1167 : vector<256xf32>
    %div3A_1171 = arith.constant 1.000000e+00 : f32
    %div3A_1172 = vector.broadcast %div3A_1171 : f32 to vector<256xf32>
    %div3A_1173 = arith.divf %div3A_1172, %add3A_1170 : vector<256xf32>
    %log3A_1174 = math.log %div3A_1173 : vector<256xf32>
    %mul3A_1175 = arith.constant 8.000000e+00 : f32
    %mul3A_1176 = vector.broadcast %mul3A_1175 : f32 to vector<256xf32>
    %mul3A_1177 = arith.mulf %mul3A_1176, %log3A_1174 : vector<256xf32>
    %add3A_1178 = arith.addf %add3A_1157, %mul3A_1177 : vector<256xf32>
    %mul3A_1179 = arith.mulf %transpose3A_23, %transpose3A_83 : vector<128x256xf32>
    %reduce_sum3A_1180 = arith.constant dense<0.000000e+00> : vector<256xf32>
    %reduce_sum3A_1181 = vector.multi_reduction <add>, %mul3A_1179, %reduce_sum3A_1180 [0] : vector<128x256xf32> to vector<256xf32>
    %neg3A_1182 = arith.constant 0.000000e+00 : f32
    %neg3A_1183 = vector.broadcast %neg3A_1182 : f32 to vector<256xf32>
    %neg3A_1184 = arith.subf %neg3A_1183, %reduce_sum3A_1181 : vector<256xf32>
    %neg3A_1185 = arith.constant 0.000000e+00 : f32
    %neg3A_1186 = vector.broadcast %neg3A_1185 : f32 to vector<256xf32>
    %neg3A_1187 = arith.subf %neg3A_1186, %neg3A_1184 : vector<256xf32>
    %exp3A_1188 = math.exp %neg3A_1187 : vector<256xf32>
    %add3A_1189 = arith.constant 1.000000e+00 : f32
    %add3A_1190 = vector.broadcast %add3A_1189 : f32 to vector<256xf32>
    %add3A_1191 = arith.addf %add3A_1190, %exp3A_1188 : vector<256xf32>
    %div3A_1192 = arith.constant 1.000000e+00 : f32
    %div3A_1193 = vector.broadcast %div3A_1192 : f32 to vector<256xf32>
    %div3A_1194 = arith.divf %div3A_1193, %add3A_1191 : vector<256xf32>
    %log3A_1195 = math.log %div3A_1194 : vector<256xf32>
    %mul3A_1196 = arith.constant 8.000000e+00 : f32
    %mul3A_1197 = vector.broadcast %mul3A_1196 : f32 to vector<256xf32>
    %mul3A_1198 = arith.mulf %mul3A_1197, %log3A_1195 : vector<256xf32>
    %add3A_1199 = arith.addf %add3A_1178, %mul3A_1198 : vector<256xf32>
    %mul3A_1200 = arith.mulf %transpose3A_29, %transpose3A_59 : vector<128x256xf32>
    %reduce_sum3A_1201 = arith.constant dense<0.000000e+00> : vector<256xf32>
    %reduce_sum3A_1202 = vector.multi_reduction <add>, %mul3A_1200, %reduce_sum3A_1201 [0] : vector<128x256xf32> to vector<256xf32>
    %neg3A_1203 = arith.constant 0.000000e+00 : f32
    %neg3A_1204 = vector.broadcast %neg3A_1203 : f32 to vector<256xf32>
    %neg3A_1205 = arith.subf %neg3A_1204, %reduce_sum3A_1202 : vector<256xf32>
    %neg3A_1206 = arith.constant 0.000000e+00 : f32
    %neg3A_1207 = vector.broadcast %neg3A_1206 : f32 to vector<256xf32>
    %neg3A_1208 = arith.subf %neg3A_1207, %neg3A_1205 : vector<256xf32>
    %exp3A_1209 = math.exp %neg3A_1208 : vector<256xf32>
    %add3A_1210 = arith.constant 1.000000e+00 : f32
    %add3A_1211 = vector.broadcast %add3A_1210 : f32 to vector<256xf32>
    %add3A_1212 = arith.addf %add3A_1211, %exp3A_1209 : vector<256xf32>
    %div3A_1213 = arith.constant 1.000000e+00 : f32
    %div3A_1214 = vector.broadcast %div3A_1213 : f32 to vector<256xf32>
    %div3A_1215 = arith.divf %div3A_1214, %add3A_1212 : vector<256xf32>
    %log3A_1216 = math.log %div3A_1215 : vector<256xf32>
    %mul3A_1217 = arith.constant 9.000000e+00 : f32
    %mul3A_1218 = vector.broadcast %mul3A_1217 : f32 to vector<256xf32>
    %mul3A_1219 = arith.mulf %mul3A_1218, %log3A_1216 : vector<256xf32>
    %add3A_1220 = arith.addf %add3A_1199, %mul3A_1219 : vector<256xf32>
    %mul3A_1221 = arith.mulf %transpose3A_29, %transpose3A_65 : vector<128x256xf32>
    %reduce_sum3A_1222 = arith.constant dense<0.000000e+00> : vector<256xf32>
    %reduce_sum3A_1223 = vector.multi_reduction <add>, %mul3A_1221, %reduce_sum3A_1222 [0] : vector<128x256xf32> to vector<256xf32>
    %neg3A_1224 = arith.constant 0.000000e+00 : f32
    %neg3A_1225 = vector.broadcast %neg3A_1224 : f32 to vector<256xf32>
    %neg3A_1226 = arith.subf %neg3A_1225, %reduce_sum3A_1223 : vector<256xf32>
    %neg3A_1227 = arith.constant 0.000000e+00 : f32
    %neg3A_1228 = vector.broadcast %neg3A_1227 : f32 to vector<256xf32>
    %neg3A_1229 = arith.subf %neg3A_1228, %neg3A_1226 : vector<256xf32>
    %exp3A_1230 = math.exp %neg3A_1229 : vector<256xf32>
    %add3A_1231 = arith.constant 1.000000e+00 : f32
    %add3A_1232 = vector.broadcast %add3A_1231 : f32 to vector<256xf32>
    %add3A_1233 = arith.addf %add3A_1232, %exp3A_1230 : vector<256xf32>
    %div3A_1234 = arith.constant 1.000000e+00 : f32
    %div3A_1235 = vector.broadcast %div3A_1234 : f32 to vector<256xf32>
    %div3A_1236 = arith.divf %div3A_1235, %add3A_1233 : vector<256xf32>
    %log3A_1237 = math.log %div3A_1236 : vector<256xf32>
    %mul3A_1238 = arith.constant 9.000000e+00 : f32
    %mul3A_1239 = vector.broadcast %mul3A_1238 : f32 to vector<256xf32>
    %mul3A_1240 = arith.mulf %mul3A_1239, %log3A_1237 : vector<256xf32>
    %add3A_1241 = arith.addf %add3A_1220, %mul3A_1240 : vector<256xf32>
    %mul3A_1242 = arith.mulf %transpose3A_29, %transpose3A_71 : vector<128x256xf32>
    %reduce_sum3A_1243 = arith.constant dense<0.000000e+00> : vector<256xf32>
    %reduce_sum3A_1244 = vector.multi_reduction <add>, %mul3A_1242, %reduce_sum3A_1243 [0] : vector<128x256xf32> to vector<256xf32>
    %neg3A_1245 = arith.constant 0.000000e+00 : f32
    %neg3A_1246 = vector.broadcast %neg3A_1245 : f32 to vector<256xf32>
    %neg3A_1247 = arith.subf %neg3A_1246, %reduce_sum3A_1244 : vector<256xf32>
    %neg3A_1248 = arith.constant 0.000000e+00 : f32
    %neg3A_1249 = vector.broadcast %neg3A_1248 : f32 to vector<256xf32>
    %neg3A_1250 = arith.subf %neg3A_1249, %neg3A_1247 : vector<256xf32>
    %exp3A_1251 = math.exp %neg3A_1250 : vector<256xf32>
    %add3A_1252 = arith.constant 1.000000e+00 : f32
    %add3A_1253 = vector.broadcast %add3A_1252 : f32 to vector<256xf32>
    %add3A_1254 = arith.addf %add3A_1253, %exp3A_1251 : vector<256xf32>
    %div3A_1255 = arith.constant 1.000000e+00 : f32
    %div3A_1256 = vector.broadcast %div3A_1255 : f32 to vector<256xf32>
    %div3A_1257 = arith.divf %div3A_1256, %add3A_1254 : vector<256xf32>
    %log3A_1258 = math.log %div3A_1257 : vector<256xf32>
    %mul3A_1259 = arith.constant 9.000000e+00 : f32
    %mul3A_1260 = vector.broadcast %mul3A_1259 : f32 to vector<256xf32>
    %mul3A_1261 = arith.mulf %mul3A_1260, %log3A_1258 : vector<256xf32>
    %add3A_1262 = arith.addf %add3A_1241, %mul3A_1261 : vector<256xf32>
    %mul3A_1263 = arith.mulf %transpose3A_29, %transpose3A_77 : vector<128x256xf32>
    %reduce_sum3A_1264 = arith.constant dense<0.000000e+00> : vector<256xf32>
    %reduce_sum3A_1265 = vector.multi_reduction <add>, %mul3A_1263, %reduce_sum3A_1264 [0] : vector<128x256xf32> to vector<256xf32>
    %neg3A_1266 = arith.constant 0.000000e+00 : f32
    %neg3A_1267 = vector.broadcast %neg3A_1266 : f32 to vector<256xf32>
    %neg3A_1268 = arith.subf %neg3A_1267, %reduce_sum3A_1265 : vector<256xf32>
    %neg3A_1269 = arith.constant 0.000000e+00 : f32
    %neg3A_1270 = vector.broadcast %neg3A_1269 : f32 to vector<256xf32>
    %neg3A_1271 = arith.subf %neg3A_1270, %neg3A_1268 : vector<256xf32>
    %exp3A_1272 = math.exp %neg3A_1271 : vector<256xf32>
    %add3A_1273 = arith.constant 1.000000e+00 : f32
    %add3A_1274 = vector.broadcast %add3A_1273 : f32 to vector<256xf32>
    %add3A_1275 = arith.addf %add3A_1274, %exp3A_1272 : vector<256xf32>
    %div3A_1276 = arith.constant 1.000000e+00 : f32
    %div3A_1277 = vector.broadcast %div3A_1276 : f32 to vector<256xf32>
    %div3A_1278 = arith.divf %div3A_1277, %add3A_1275 : vector<256xf32>
    %log3A_1279 = math.log %div3A_1278 : vector<256xf32>
    %mul3A_1280 = arith.constant 9.000000e+00 : f32
    %mul3A_1281 = vector.broadcast %mul3A_1280 : f32 to vector<256xf32>
    %mul3A_1282 = arith.mulf %mul3A_1281, %log3A_1279 : vector<256xf32>
    %add3A_1283 = arith.addf %add3A_1262, %mul3A_1282 : vector<256xf32>
    %mul3A_1284 = arith.mulf %transpose3A_29, %transpose3A_83 : vector<128x256xf32>
    %reduce_sum3A_1285 = arith.constant dense<0.000000e+00> : vector<256xf32>
    %reduce_sum3A_1286 = vector.multi_reduction <add>, %mul3A_1284, %reduce_sum3A_1285 [0] : vector<128x256xf32> to vector<256xf32>
    %neg3A_1287 = arith.constant 0.000000e+00 : f32
    %neg3A_1288 = vector.broadcast %neg3A_1287 : f32 to vector<256xf32>
    %neg3A_1289 = arith.subf %neg3A_1288, %reduce_sum3A_1286 : vector<256xf32>
    %neg3A_1290 = arith.constant 0.000000e+00 : f32
    %neg3A_1291 = vector.broadcast %neg3A_1290 : f32 to vector<256xf32>
    %neg3A_1292 = arith.subf %neg3A_1291, %neg3A_1289 : vector<256xf32>
    %exp3A_1293 = math.exp %neg3A_1292 : vector<256xf32>
    %add3A_1294 = arith.constant 1.000000e+00 : f32
    %add3A_1295 = vector.broadcast %add3A_1294 : f32 to vector<256xf32>
    %add3A_1296 = arith.addf %add3A_1295, %exp3A_1293 : vector<256xf32>
    %div3A_1297 = arith.constant 1.000000e+00 : f32
    %div3A_1298 = vector.broadcast %div3A_1297 : f32 to vector<256xf32>
    %div3A_1299 = arith.divf %div3A_1298, %add3A_1296 : vector<256xf32>
    %log3A_1300 = math.log %div3A_1299 : vector<256xf32>
    %mul3A_1301 = arith.constant 9.000000e+00 : f32
    %mul3A_1302 = vector.broadcast %mul3A_1301 : f32 to vector<256xf32>
    %mul3A_1303 = arith.mulf %mul3A_1302, %log3A_1300 : vector<256xf32>
    %add3A_1304 = arith.addf %add3A_1283, %mul3A_1303 : vector<256xf32>
    %mul3A_1305 = arith.mulf %transpose3A_35, %transpose3A_59 : vector<128x256xf32>
    %reduce_sum3A_1306 = arith.constant dense<0.000000e+00> : vector<256xf32>
    %reduce_sum3A_1307 = vector.multi_reduction <add>, %mul3A_1305, %reduce_sum3A_1306 [0] : vector<128x256xf32> to vector<256xf32>
    %neg3A_1308 = arith.constant 0.000000e+00 : f32
    %neg3A_1309 = vector.broadcast %neg3A_1308 : f32 to vector<256xf32>
    %neg3A_1310 = arith.subf %neg3A_1309, %reduce_sum3A_1307 : vector<256xf32>
    %neg3A_1311 = arith.constant 0.000000e+00 : f32
    %neg3A_1312 = vector.broadcast %neg3A_1311 : f32 to vector<256xf32>
    %neg3A_1313 = arith.subf %neg3A_1312, %neg3A_1310 : vector<256xf32>
    %exp3A_1314 = math.exp %neg3A_1313 : vector<256xf32>
    %add3A_1315 = arith.constant 1.000000e+00 : f32
    %add3A_1316 = vector.broadcast %add3A_1315 : f32 to vector<256xf32>
    %add3A_1317 = arith.addf %add3A_1316, %exp3A_1314 : vector<256xf32>
    %div3A_1318 = arith.constant 1.000000e+00 : f32
    %div3A_1319 = vector.broadcast %div3A_1318 : f32 to vector<256xf32>
    %div3A_1320 = arith.divf %div3A_1319, %add3A_1317 : vector<256xf32>
    %log3A_1321 = math.log %div3A_1320 : vector<256xf32>
    %mul3A_1322 = arith.constant 9.000000e+00 : f32
    %mul3A_1323 = vector.broadcast %mul3A_1322 : f32 to vector<256xf32>
    %mul3A_1324 = arith.mulf %mul3A_1323, %log3A_1321 : vector<256xf32>
    %add3A_1325 = arith.addf %add3A_1304, %mul3A_1324 : vector<256xf32>
    %mul3A_1326 = arith.mulf %transpose3A_35, %transpose3A_65 : vector<128x256xf32>
    %reduce_sum3A_1327 = arith.constant dense<0.000000e+00> : vector<256xf32>
    %reduce_sum3A_1328 = vector.multi_reduction <add>, %mul3A_1326, %reduce_sum3A_1327 [0] : vector<128x256xf32> to vector<256xf32>
    %neg3A_1329 = arith.constant 0.000000e+00 : f32
    %neg3A_1330 = vector.broadcast %neg3A_1329 : f32 to vector<256xf32>
    %neg3A_1331 = arith.subf %neg3A_1330, %reduce_sum3A_1328 : vector<256xf32>
    %neg3A_1332 = arith.constant 0.000000e+00 : f32
    %neg3A_1333 = vector.broadcast %neg3A_1332 : f32 to vector<256xf32>
    %neg3A_1334 = arith.subf %neg3A_1333, %neg3A_1331 : vector<256xf32>
    %exp3A_1335 = math.exp %neg3A_1334 : vector<256xf32>
    %add3A_1336 = arith.constant 1.000000e+00 : f32
    %add3A_1337 = vector.broadcast %add3A_1336 : f32 to vector<256xf32>
    %add3A_1338 = arith.addf %add3A_1337, %exp3A_1335 : vector<256xf32>
    %div3A_1339 = arith.constant 1.000000e+00 : f32
    %div3A_1340 = vector.broadcast %div3A_1339 : f32 to vector<256xf32>
    %div3A_1341 = arith.divf %div3A_1340, %add3A_1338 : vector<256xf32>
    %log3A_1342 = math.log %div3A_1341 : vector<256xf32>
    %mul3A_1343 = arith.constant 9.000000e+00 : f32
    %mul3A_1344 = vector.broadcast %mul3A_1343 : f32 to vector<256xf32>
    %mul3A_1345 = arith.mulf %mul3A_1344, %log3A_1342 : vector<256xf32>
    %add3A_1346 = arith.addf %add3A_1325, %mul3A_1345 : vector<256xf32>
    %mul3A_1347 = arith.mulf %transpose3A_35, %transpose3A_71 : vector<128x256xf32>
    %reduce_sum3A_1348 = arith.constant dense<0.000000e+00> : vector<256xf32>
    %reduce_sum3A_1349 = vector.multi_reduction <add>, %mul3A_1347, %reduce_sum3A_1348 [0] : vector<128x256xf32> to vector<256xf32>
    %neg3A_1350 = arith.constant 0.000000e+00 : f32
    %neg3A_1351 = vector.broadcast %neg3A_1350 : f32 to vector<256xf32>
    %neg3A_1352 = arith.subf %neg3A_1351, %reduce_sum3A_1349 : vector<256xf32>
    %neg3A_1353 = arith.constant 0.000000e+00 : f32
    %neg3A_1354 = vector.broadcast %neg3A_1353 : f32 to vector<256xf32>
    %neg3A_1355 = arith.subf %neg3A_1354, %neg3A_1352 : vector<256xf32>
    %exp3A_1356 = math.exp %neg3A_1355 : vector<256xf32>
    %add3A_1357 = arith.constant 1.000000e+00 : f32
    %add3A_1358 = vector.broadcast %add3A_1357 : f32 to vector<256xf32>
    %add3A_1359 = arith.addf %add3A_1358, %exp3A_1356 : vector<256xf32>
    %div3A_1360 = arith.constant 1.000000e+00 : f32
    %div3A_1361 = vector.broadcast %div3A_1360 : f32 to vector<256xf32>
    %div3A_1362 = arith.divf %div3A_1361, %add3A_1359 : vector<256xf32>
    %log3A_1363 = math.log %div3A_1362 : vector<256xf32>
    %mul3A_1364 = arith.constant 9.000000e+00 : f32
    %mul3A_1365 = vector.broadcast %mul3A_1364 : f32 to vector<256xf32>
    %mul3A_1366 = arith.mulf %mul3A_1365, %log3A_1363 : vector<256xf32>
    %add3A_1367 = arith.addf %add3A_1346, %mul3A_1366 : vector<256xf32>
    %mul3A_1368 = arith.mulf %transpose3A_35, %transpose3A_77 : vector<128x256xf32>
    %reduce_sum3A_1369 = arith.constant dense<0.000000e+00> : vector<256xf32>
    %reduce_sum3A_1370 = vector.multi_reduction <add>, %mul3A_1368, %reduce_sum3A_1369 [0] : vector<128x256xf32> to vector<256xf32>
    %neg3A_1371 = arith.constant 0.000000e+00 : f32
    %neg3A_1372 = vector.broadcast %neg3A_1371 : f32 to vector<256xf32>
    %neg3A_1373 = arith.subf %neg3A_1372, %reduce_sum3A_1370 : vector<256xf32>
    %neg3A_1374 = arith.constant 0.000000e+00 : f32
    %neg3A_1375 = vector.broadcast %neg3A_1374 : f32 to vector<256xf32>
    %neg3A_1376 = arith.subf %neg3A_1375, %neg3A_1373 : vector<256xf32>
    %exp3A_1377 = math.exp %neg3A_1376 : vector<256xf32>
    %add3A_1378 = arith.constant 1.000000e+00 : f32
    %add3A_1379 = vector.broadcast %add3A_1378 : f32 to vector<256xf32>
    %add3A_1380 = arith.addf %add3A_1379, %exp3A_1377 : vector<256xf32>
    %div3A_1381 = arith.constant 1.000000e+00 : f32
    %div3A_1382 = vector.broadcast %div3A_1381 : f32 to vector<256xf32>
    %div3A_1383 = arith.divf %div3A_1382, %add3A_1380 : vector<256xf32>
    %log3A_1384 = math.log %div3A_1383 : vector<256xf32>
    %mul3A_1385 = arith.constant 9.000000e+00 : f32
    %mul3A_1386 = vector.broadcast %mul3A_1385 : f32 to vector<256xf32>
    %mul3A_1387 = arith.mulf %mul3A_1386, %log3A_1384 : vector<256xf32>
    %add3A_1388 = arith.addf %add3A_1367, %mul3A_1387 : vector<256xf32>
    %mul3A_1389 = arith.mulf %transpose3A_35, %transpose3A_83 : vector<128x256xf32>
    %reduce_sum3A_1390 = arith.constant dense<0.000000e+00> : vector<256xf32>
    %reduce_sum3A_1391 = vector.multi_reduction <add>, %mul3A_1389, %reduce_sum3A_1390 [0] : vector<128x256xf32> to vector<256xf32>
    %neg3A_1392 = arith.constant 0.000000e+00 : f32
    %neg3A_1393 = vector.broadcast %neg3A_1392 : f32 to vector<256xf32>
    %neg3A_1394 = arith.subf %neg3A_1393, %reduce_sum3A_1391 : vector<256xf32>
    %neg3A_1395 = arith.constant 0.000000e+00 : f32
    %neg3A_1396 = vector.broadcast %neg3A_1395 : f32 to vector<256xf32>
    %neg3A_1397 = arith.subf %neg3A_1396, %neg3A_1394 : vector<256xf32>
    %exp3A_1398 = math.exp %neg3A_1397 : vector<256xf32>
    %add3A_1399 = arith.constant 1.000000e+00 : f32
    %add3A_1400 = vector.broadcast %add3A_1399 : f32 to vector<256xf32>
    %add3A_1401 = arith.addf %add3A_1400, %exp3A_1398 : vector<256xf32>
    %div3A_1402 = arith.constant 1.000000e+00 : f32
    %div3A_1403 = vector.broadcast %div3A_1402 : f32 to vector<256xf32>
    %div3A_1404 = arith.divf %div3A_1403, %add3A_1401 : vector<256xf32>
    %log3A_1405 = math.log %div3A_1404 : vector<256xf32>
    %mul3A_1406 = arith.constant 9.000000e+00 : f32
    %mul3A_1407 = vector.broadcast %mul3A_1406 : f32 to vector<256xf32>
    %mul3A_1408 = arith.mulf %mul3A_1407, %log3A_1405 : vector<256xf32>
    %add3A_1409 = arith.addf %add3A_1388, %mul3A_1408 : vector<256xf32>
    %mul3A_1410 = arith.mulf %transpose3A_41, %transpose3A_59 : vector<128x256xf32>
    %reduce_sum3A_1411 = arith.constant dense<0.000000e+00> : vector<256xf32>
    %reduce_sum3A_1412 = vector.multi_reduction <add>, %mul3A_1410, %reduce_sum3A_1411 [0] : vector<128x256xf32> to vector<256xf32>
    %neg3A_1413 = arith.constant 0.000000e+00 : f32
    %neg3A_1414 = vector.broadcast %neg3A_1413 : f32 to vector<256xf32>
    %neg3A_1415 = arith.subf %neg3A_1414, %reduce_sum3A_1412 : vector<256xf32>
    %neg3A_1416 = arith.constant 0.000000e+00 : f32
    %neg3A_1417 = vector.broadcast %neg3A_1416 : f32 to vector<256xf32>
    %neg3A_1418 = arith.subf %neg3A_1417, %neg3A_1415 : vector<256xf32>
    %exp3A_1419 = math.exp %neg3A_1418 : vector<256xf32>
    %add3A_1420 = arith.constant 1.000000e+00 : f32
    %add3A_1421 = vector.broadcast %add3A_1420 : f32 to vector<256xf32>
    %add3A_1422 = arith.addf %add3A_1421, %exp3A_1419 : vector<256xf32>
    %div3A_1423 = arith.constant 1.000000e+00 : f32
    %div3A_1424 = vector.broadcast %div3A_1423 : f32 to vector<256xf32>
    %div3A_1425 = arith.divf %div3A_1424, %add3A_1422 : vector<256xf32>
    %log3A_1426 = math.log %div3A_1425 : vector<256xf32>
    %mul3A_1427 = arith.constant 8.000000e+00 : f32
    %mul3A_1428 = vector.broadcast %mul3A_1427 : f32 to vector<256xf32>
    %mul3A_1429 = arith.mulf %mul3A_1428, %log3A_1426 : vector<256xf32>
    %add3A_1430 = arith.addf %add3A_1409, %mul3A_1429 : vector<256xf32>
    %mul3A_1431 = arith.mulf %transpose3A_41, %transpose3A_65 : vector<128x256xf32>
    %reduce_sum3A_1432 = arith.constant dense<0.000000e+00> : vector<256xf32>
    %reduce_sum3A_1433 = vector.multi_reduction <add>, %mul3A_1431, %reduce_sum3A_1432 [0] : vector<128x256xf32> to vector<256xf32>
    %neg3A_1434 = arith.constant 0.000000e+00 : f32
    %neg3A_1435 = vector.broadcast %neg3A_1434 : f32 to vector<256xf32>
    %neg3A_1436 = arith.subf %neg3A_1435, %reduce_sum3A_1433 : vector<256xf32>
    %neg3A_1437 = arith.constant 0.000000e+00 : f32
    %neg3A_1438 = vector.broadcast %neg3A_1437 : f32 to vector<256xf32>
    %neg3A_1439 = arith.subf %neg3A_1438, %neg3A_1436 : vector<256xf32>
    %exp3A_1440 = math.exp %neg3A_1439 : vector<256xf32>
    %add3A_1441 = arith.constant 1.000000e+00 : f32
    %add3A_1442 = vector.broadcast %add3A_1441 : f32 to vector<256xf32>
    %add3A_1443 = arith.addf %add3A_1442, %exp3A_1440 : vector<256xf32>
    %div3A_1444 = arith.constant 1.000000e+00 : f32
    %div3A_1445 = vector.broadcast %div3A_1444 : f32 to vector<256xf32>
    %div3A_1446 = arith.divf %div3A_1445, %add3A_1443 : vector<256xf32>
    %log3A_1447 = math.log %div3A_1446 : vector<256xf32>
    %mul3A_1448 = arith.constant 8.000000e+00 : f32
    %mul3A_1449 = vector.broadcast %mul3A_1448 : f32 to vector<256xf32>
    %mul3A_1450 = arith.mulf %mul3A_1449, %log3A_1447 : vector<256xf32>
    %add3A_1451 = arith.addf %add3A_1430, %mul3A_1450 : vector<256xf32>
    %mul3A_1452 = arith.mulf %transpose3A_41, %transpose3A_71 : vector<128x256xf32>
    %reduce_sum3A_1453 = arith.constant dense<0.000000e+00> : vector<256xf32>
    %reduce_sum3A_1454 = vector.multi_reduction <add>, %mul3A_1452, %reduce_sum3A_1453 [0] : vector<128x256xf32> to vector<256xf32>
    %neg3A_1455 = arith.constant 0.000000e+00 : f32
    %neg3A_1456 = vector.broadcast %neg3A_1455 : f32 to vector<256xf32>
    %neg3A_1457 = arith.subf %neg3A_1456, %reduce_sum3A_1454 : vector<256xf32>
    %neg3A_1458 = arith.constant 0.000000e+00 : f32
    %neg3A_1459 = vector.broadcast %neg3A_1458 : f32 to vector<256xf32>
    %neg3A_1460 = arith.subf %neg3A_1459, %neg3A_1457 : vector<256xf32>
    %exp3A_1461 = math.exp %neg3A_1460 : vector<256xf32>
    %add3A_1462 = arith.constant 1.000000e+00 : f32
    %add3A_1463 = vector.broadcast %add3A_1462 : f32 to vector<256xf32>
    %add3A_1464 = arith.addf %add3A_1463, %exp3A_1461 : vector<256xf32>
    %div3A_1465 = arith.constant 1.000000e+00 : f32
    %div3A_1466 = vector.broadcast %div3A_1465 : f32 to vector<256xf32>
    %div3A_1467 = arith.divf %div3A_1466, %add3A_1464 : vector<256xf32>
    %log3A_1468 = math.log %div3A_1467 : vector<256xf32>
    %mul3A_1469 = arith.constant 8.000000e+00 : f32
    %mul3A_1470 = vector.broadcast %mul3A_1469 : f32 to vector<256xf32>
    %mul3A_1471 = arith.mulf %mul3A_1470, %log3A_1468 : vector<256xf32>
    %add3A_1472 = arith.addf %add3A_1451, %mul3A_1471 : vector<256xf32>
    %mul3A_1473 = arith.mulf %transpose3A_41, %transpose3A_77 : vector<128x256xf32>
    %reduce_sum3A_1474 = arith.constant dense<0.000000e+00> : vector<256xf32>
    %reduce_sum3A_1475 = vector.multi_reduction <add>, %mul3A_1473, %reduce_sum3A_1474 [0] : vector<128x256xf32> to vector<256xf32>
    %neg3A_1476 = arith.constant 0.000000e+00 : f32
    %neg3A_1477 = vector.broadcast %neg3A_1476 : f32 to vector<256xf32>
    %neg3A_1478 = arith.subf %neg3A_1477, %reduce_sum3A_1475 : vector<256xf32>
    %neg3A_1479 = arith.constant 0.000000e+00 : f32
    %neg3A_1480 = vector.broadcast %neg3A_1479 : f32 to vector<256xf32>
    %neg3A_1481 = arith.subf %neg3A_1480, %neg3A_1478 : vector<256xf32>
    %exp3A_1482 = math.exp %neg3A_1481 : vector<256xf32>
    %add3A_1483 = arith.constant 1.000000e+00 : f32
    %add3A_1484 = vector.broadcast %add3A_1483 : f32 to vector<256xf32>
    %add3A_1485 = arith.addf %add3A_1484, %exp3A_1482 : vector<256xf32>
    %div3A_1486 = arith.constant 1.000000e+00 : f32
    %div3A_1487 = vector.broadcast %div3A_1486 : f32 to vector<256xf32>
    %div3A_1488 = arith.divf %div3A_1487, %add3A_1485 : vector<256xf32>
    %log3A_1489 = math.log %div3A_1488 : vector<256xf32>
    %mul3A_1490 = arith.constant 8.000000e+00 : f32
    %mul3A_1491 = vector.broadcast %mul3A_1490 : f32 to vector<256xf32>
    %mul3A_1492 = arith.mulf %mul3A_1491, %log3A_1489 : vector<256xf32>
    %add3A_1493 = arith.addf %add3A_1472, %mul3A_1492 : vector<256xf32>
    %mul3A_1494 = arith.mulf %transpose3A_41, %transpose3A_83 : vector<128x256xf32>
    %reduce_sum3A_1495 = arith.constant dense<0.000000e+00> : vector<256xf32>
    %reduce_sum3A_1496 = vector.multi_reduction <add>, %mul3A_1494, %reduce_sum3A_1495 [0] : vector<128x256xf32> to vector<256xf32>
    %neg3A_1497 = arith.constant 0.000000e+00 : f32
    %neg3A_1498 = vector.broadcast %neg3A_1497 : f32 to vector<256xf32>
    %neg3A_1499 = arith.subf %neg3A_1498, %reduce_sum3A_1496 : vector<256xf32>
    %neg3A_1500 = arith.constant 0.000000e+00 : f32
    %neg3A_1501 = vector.broadcast %neg3A_1500 : f32 to vector<256xf32>
    %neg3A_1502 = arith.subf %neg3A_1501, %neg3A_1499 : vector<256xf32>
    %exp3A_1503 = math.exp %neg3A_1502 : vector<256xf32>
    %add3A_1504 = arith.constant 1.000000e+00 : f32
    %add3A_1505 = vector.broadcast %add3A_1504 : f32 to vector<256xf32>
    %add3A_1506 = arith.addf %add3A_1505, %exp3A_1503 : vector<256xf32>
    %div3A_1507 = arith.constant 1.000000e+00 : f32
    %div3A_1508 = vector.broadcast %div3A_1507 : f32 to vector<256xf32>
    %div3A_1509 = arith.divf %div3A_1508, %add3A_1506 : vector<256xf32>
    %log3A_1510 = math.log %div3A_1509 : vector<256xf32>
    %mul3A_1511 = arith.constant 8.000000e+00 : f32
    %mul3A_1512 = vector.broadcast %mul3A_1511 : f32 to vector<256xf32>
    %mul3A_1513 = arith.mulf %mul3A_1512, %log3A_1510 : vector<256xf32>
    %add3A_1514 = arith.addf %add3A_1493, %mul3A_1513 : vector<256xf32>
    %mul3A_1515 = arith.mulf %transpose3A_47, %transpose3A_59 : vector<128x256xf32>
    %reduce_sum3A_1516 = arith.constant dense<0.000000e+00> : vector<256xf32>
    %reduce_sum3A_1517 = vector.multi_reduction <add>, %mul3A_1515, %reduce_sum3A_1516 [0] : vector<128x256xf32> to vector<256xf32>
    %neg3A_1518 = arith.constant 0.000000e+00 : f32
    %neg3A_1519 = vector.broadcast %neg3A_1518 : f32 to vector<256xf32>
    %neg3A_1520 = arith.subf %neg3A_1519, %reduce_sum3A_1517 : vector<256xf32>
    %neg3A_1521 = arith.constant 0.000000e+00 : f32
    %neg3A_1522 = vector.broadcast %neg3A_1521 : f32 to vector<256xf32>
    %neg3A_1523 = arith.subf %neg3A_1522, %neg3A_1520 : vector<256xf32>
    %exp3A_1524 = math.exp %neg3A_1523 : vector<256xf32>
    %add3A_1525 = arith.constant 1.000000e+00 : f32
    %add3A_1526 = vector.broadcast %add3A_1525 : f32 to vector<256xf32>
    %add3A_1527 = arith.addf %add3A_1526, %exp3A_1524 : vector<256xf32>
    %div3A_1528 = arith.constant 1.000000e+00 : f32
    %div3A_1529 = vector.broadcast %div3A_1528 : f32 to vector<256xf32>
    %div3A_1530 = arith.divf %div3A_1529, %add3A_1527 : vector<256xf32>
    %log3A_1531 = math.log %div3A_1530 : vector<256xf32>
    %mul3A_1532 = arith.constant 7.000000e+00 : f32
    %mul3A_1533 = vector.broadcast %mul3A_1532 : f32 to vector<256xf32>
    %mul3A_1534 = arith.mulf %mul3A_1533, %log3A_1531 : vector<256xf32>
    %add3A_1535 = arith.addf %add3A_1514, %mul3A_1534 : vector<256xf32>
    %mul3A_1536 = arith.mulf %transpose3A_47, %transpose3A_65 : vector<128x256xf32>
    %reduce_sum3A_1537 = arith.constant dense<0.000000e+00> : vector<256xf32>
    %reduce_sum3A_1538 = vector.multi_reduction <add>, %mul3A_1536, %reduce_sum3A_1537 [0] : vector<128x256xf32> to vector<256xf32>
    %neg3A_1539 = arith.constant 0.000000e+00 : f32
    %neg3A_1540 = vector.broadcast %neg3A_1539 : f32 to vector<256xf32>
    %neg3A_1541 = arith.subf %neg3A_1540, %reduce_sum3A_1538 : vector<256xf32>
    %neg3A_1542 = arith.constant 0.000000e+00 : f32
    %neg3A_1543 = vector.broadcast %neg3A_1542 : f32 to vector<256xf32>
    %neg3A_1544 = arith.subf %neg3A_1543, %neg3A_1541 : vector<256xf32>
    %exp3A_1545 = math.exp %neg3A_1544 : vector<256xf32>
    %add3A_1546 = arith.constant 1.000000e+00 : f32
    %add3A_1547 = vector.broadcast %add3A_1546 : f32 to vector<256xf32>
    %add3A_1548 = arith.addf %add3A_1547, %exp3A_1545 : vector<256xf32>
    %div3A_1549 = arith.constant 1.000000e+00 : f32
    %div3A_1550 = vector.broadcast %div3A_1549 : f32 to vector<256xf32>
    %div3A_1551 = arith.divf %div3A_1550, %add3A_1548 : vector<256xf32>
    %log3A_1552 = math.log %div3A_1551 : vector<256xf32>
    %mul3A_1553 = arith.constant 7.000000e+00 : f32
    %mul3A_1554 = vector.broadcast %mul3A_1553 : f32 to vector<256xf32>
    %mul3A_1555 = arith.mulf %mul3A_1554, %log3A_1552 : vector<256xf32>
    %add3A_1556 = arith.addf %add3A_1535, %mul3A_1555 : vector<256xf32>
    %mul3A_1557 = arith.mulf %transpose3A_47, %transpose3A_71 : vector<128x256xf32>
    %reduce_sum3A_1558 = arith.constant dense<0.000000e+00> : vector<256xf32>
    %reduce_sum3A_1559 = vector.multi_reduction <add>, %mul3A_1557, %reduce_sum3A_1558 [0] : vector<128x256xf32> to vector<256xf32>
    %neg3A_1560 = arith.constant 0.000000e+00 : f32
    %neg3A_1561 = vector.broadcast %neg3A_1560 : f32 to vector<256xf32>
    %neg3A_1562 = arith.subf %neg3A_1561, %reduce_sum3A_1559 : vector<256xf32>
    %neg3A_1563 = arith.constant 0.000000e+00 : f32
    %neg3A_1564 = vector.broadcast %neg3A_1563 : f32 to vector<256xf32>
    %neg3A_1565 = arith.subf %neg3A_1564, %neg3A_1562 : vector<256xf32>
    %exp3A_1566 = math.exp %neg3A_1565 : vector<256xf32>
    %add3A_1567 = arith.constant 1.000000e+00 : f32
    %add3A_1568 = vector.broadcast %add3A_1567 : f32 to vector<256xf32>
    %add3A_1569 = arith.addf %add3A_1568, %exp3A_1566 : vector<256xf32>
    %div3A_1570 = arith.constant 1.000000e+00 : f32
    %div3A_1571 = vector.broadcast %div3A_1570 : f32 to vector<256xf32>
    %div3A_1572 = arith.divf %div3A_1571, %add3A_1569 : vector<256xf32>
    %log3A_1573 = math.log %div3A_1572 : vector<256xf32>
    %mul3A_1574 = arith.constant 7.000000e+00 : f32
    %mul3A_1575 = vector.broadcast %mul3A_1574 : f32 to vector<256xf32>
    %mul3A_1576 = arith.mulf %mul3A_1575, %log3A_1573 : vector<256xf32>
    %add3A_1577 = arith.addf %add3A_1556, %mul3A_1576 : vector<256xf32>
    %mul3A_1578 = arith.mulf %transpose3A_47, %transpose3A_77 : vector<128x256xf32>
    %reduce_sum3A_1579 = arith.constant dense<0.000000e+00> : vector<256xf32>
    %reduce_sum3A_1580 = vector.multi_reduction <add>, %mul3A_1578, %reduce_sum3A_1579 [0] : vector<128x256xf32> to vector<256xf32>
    %neg3A_1581 = arith.constant 0.000000e+00 : f32
    %neg3A_1582 = vector.broadcast %neg3A_1581 : f32 to vector<256xf32>
    %neg3A_1583 = arith.subf %neg3A_1582, %reduce_sum3A_1580 : vector<256xf32>
    %neg3A_1584 = arith.constant 0.000000e+00 : f32
    %neg3A_1585 = vector.broadcast %neg3A_1584 : f32 to vector<256xf32>
    %neg3A_1586 = arith.subf %neg3A_1585, %neg3A_1583 : vector<256xf32>
    %exp3A_1587 = math.exp %neg3A_1586 : vector<256xf32>
    %add3A_1588 = arith.constant 1.000000e+00 : f32
    %add3A_1589 = vector.broadcast %add3A_1588 : f32 to vector<256xf32>
    %add3A_1590 = arith.addf %add3A_1589, %exp3A_1587 : vector<256xf32>
    %div3A_1591 = arith.constant 1.000000e+00 : f32
    %div3A_1592 = vector.broadcast %div3A_1591 : f32 to vector<256xf32>
    %div3A_1593 = arith.divf %div3A_1592, %add3A_1590 : vector<256xf32>
    %log3A_1594 = math.log %div3A_1593 : vector<256xf32>
    %mul3A_1595 = arith.constant 7.000000e+00 : f32
    %mul3A_1596 = vector.broadcast %mul3A_1595 : f32 to vector<256xf32>
    %mul3A_1597 = arith.mulf %mul3A_1596, %log3A_1594 : vector<256xf32>
    %add3A_1598 = arith.addf %add3A_1577, %mul3A_1597 : vector<256xf32>
    %mul3A_1599 = arith.mulf %transpose3A_47, %transpose3A_83 : vector<128x256xf32>
    %reduce_sum3A_1600 = arith.constant dense<0.000000e+00> : vector<256xf32>
    %reduce_sum3A_1601 = vector.multi_reduction <add>, %mul3A_1599, %reduce_sum3A_1600 [0] : vector<128x256xf32> to vector<256xf32>
    %neg3A_1602 = arith.constant 0.000000e+00 : f32
    %neg3A_1603 = vector.broadcast %neg3A_1602 : f32 to vector<256xf32>
    %neg3A_1604 = arith.subf %neg3A_1603, %reduce_sum3A_1601 : vector<256xf32>
    %neg3A_1605 = arith.constant 0.000000e+00 : f32
    %neg3A_1606 = vector.broadcast %neg3A_1605 : f32 to vector<256xf32>
    %neg3A_1607 = arith.subf %neg3A_1606, %neg3A_1604 : vector<256xf32>
    %exp3A_1608 = math.exp %neg3A_1607 : vector<256xf32>
    %add3A_1609 = arith.constant 1.000000e+00 : f32
    %add3A_1610 = vector.broadcast %add3A_1609 : f32 to vector<256xf32>
    %add3A_1611 = arith.addf %add3A_1610, %exp3A_1608 : vector<256xf32>
    %div3A_1612 = arith.constant 1.000000e+00 : f32
    %div3A_1613 = vector.broadcast %div3A_1612 : f32 to vector<256xf32>
    %div3A_1614 = arith.divf %div3A_1613, %add3A_1611 : vector<256xf32>
    %log3A_1615 = math.log %div3A_1614 : vector<256xf32>
    %mul3A_1616 = arith.constant 7.000000e+00 : f32
    %mul3A_1617 = vector.broadcast %mul3A_1616 : f32 to vector<256xf32>
    %mul3A_1618 = arith.mulf %mul3A_1617, %log3A_1615 : vector<256xf32>
    %add3A_1619 = arith.addf %add3A_1598, %mul3A_1618 : vector<256xf32>
    %mul3A_1620 = arith.mulf %transpose3A_53, %transpose3A_59 : vector<128x256xf32>
    %reduce_sum3A_1621 = arith.constant dense<0.000000e+00> : vector<256xf32>
    %reduce_sum3A_1622 = vector.multi_reduction <add>, %mul3A_1620, %reduce_sum3A_1621 [0] : vector<128x256xf32> to vector<256xf32>
    %neg3A_1623 = arith.constant 0.000000e+00 : f32
    %neg3A_1624 = vector.broadcast %neg3A_1623 : f32 to vector<256xf32>
    %neg3A_1625 = arith.subf %neg3A_1624, %reduce_sum3A_1622 : vector<256xf32>
    %neg3A_1626 = arith.constant 0.000000e+00 : f32
    %neg3A_1627 = vector.broadcast %neg3A_1626 : f32 to vector<256xf32>
    %neg3A_1628 = arith.subf %neg3A_1627, %neg3A_1625 : vector<256xf32>
    %exp3A_1629 = math.exp %neg3A_1628 : vector<256xf32>
    %add3A_1630 = arith.constant 1.000000e+00 : f32
    %add3A_1631 = vector.broadcast %add3A_1630 : f32 to vector<256xf32>
    %add3A_1632 = arith.addf %add3A_1631, %exp3A_1629 : vector<256xf32>
    %div3A_1633 = arith.constant 1.000000e+00 : f32
    %div3A_1634 = vector.broadcast %div3A_1633 : f32 to vector<256xf32>
    %div3A_1635 = arith.divf %div3A_1634, %add3A_1632 : vector<256xf32>
    %log3A_1636 = math.log %div3A_1635 : vector<256xf32>
    %mul3A_1637 = arith.constant 6.000000e+00 : f32
    %mul3A_1638 = vector.broadcast %mul3A_1637 : f32 to vector<256xf32>
    %mul3A_1639 = arith.mulf %mul3A_1638, %log3A_1636 : vector<256xf32>
    %add3A_1640 = arith.addf %add3A_1619, %mul3A_1639 : vector<256xf32>
    %mul3A_1641 = arith.mulf %transpose3A_53, %transpose3A_65 : vector<128x256xf32>
    %reduce_sum3A_1642 = arith.constant dense<0.000000e+00> : vector<256xf32>
    %reduce_sum3A_1643 = vector.multi_reduction <add>, %mul3A_1641, %reduce_sum3A_1642 [0] : vector<128x256xf32> to vector<256xf32>
    %neg3A_1644 = arith.constant 0.000000e+00 : f32
    %neg3A_1645 = vector.broadcast %neg3A_1644 : f32 to vector<256xf32>
    %neg3A_1646 = arith.subf %neg3A_1645, %reduce_sum3A_1643 : vector<256xf32>
    %neg3A_1647 = arith.constant 0.000000e+00 : f32
    %neg3A_1648 = vector.broadcast %neg3A_1647 : f32 to vector<256xf32>
    %neg3A_1649 = arith.subf %neg3A_1648, %neg3A_1646 : vector<256xf32>
    %exp3A_1650 = math.exp %neg3A_1649 : vector<256xf32>
    %add3A_1651 = arith.constant 1.000000e+00 : f32
    %add3A_1652 = vector.broadcast %add3A_1651 : f32 to vector<256xf32>
    %add3A_1653 = arith.addf %add3A_1652, %exp3A_1650 : vector<256xf32>
    %div3A_1654 = arith.constant 1.000000e+00 : f32
    %div3A_1655 = vector.broadcast %div3A_1654 : f32 to vector<256xf32>
    %div3A_1656 = arith.divf %div3A_1655, %add3A_1653 : vector<256xf32>
    %log3A_1657 = math.log %div3A_1656 : vector<256xf32>
    %mul3A_1658 = arith.constant 6.000000e+00 : f32
    %mul3A_1659 = vector.broadcast %mul3A_1658 : f32 to vector<256xf32>
    %mul3A_1660 = arith.mulf %mul3A_1659, %log3A_1657 : vector<256xf32>
    %add3A_1661 = arith.addf %add3A_1640, %mul3A_1660 : vector<256xf32>
    %mul3A_1662 = arith.mulf %transpose3A_53, %transpose3A_71 : vector<128x256xf32>
    %reduce_sum3A_1663 = arith.constant dense<0.000000e+00> : vector<256xf32>
    %reduce_sum3A_1664 = vector.multi_reduction <add>, %mul3A_1662, %reduce_sum3A_1663 [0] : vector<128x256xf32> to vector<256xf32>
    %neg3A_1665 = arith.constant 0.000000e+00 : f32
    %neg3A_1666 = vector.broadcast %neg3A_1665 : f32 to vector<256xf32>
    %neg3A_1667 = arith.subf %neg3A_1666, %reduce_sum3A_1664 : vector<256xf32>
    %neg3A_1668 = arith.constant 0.000000e+00 : f32
    %neg3A_1669 = vector.broadcast %neg3A_1668 : f32 to vector<256xf32>
    %neg3A_1670 = arith.subf %neg3A_1669, %neg3A_1667 : vector<256xf32>
    %exp3A_1671 = math.exp %neg3A_1670 : vector<256xf32>
    %add3A_1672 = arith.constant 1.000000e+00 : f32
    %add3A_1673 = vector.broadcast %add3A_1672 : f32 to vector<256xf32>
    %add3A_1674 = arith.addf %add3A_1673, %exp3A_1671 : vector<256xf32>
    %div3A_1675 = arith.constant 1.000000e+00 : f32
    %div3A_1676 = vector.broadcast %div3A_1675 : f32 to vector<256xf32>
    %div3A_1677 = arith.divf %div3A_1676, %add3A_1674 : vector<256xf32>
    %log3A_1678 = math.log %div3A_1677 : vector<256xf32>
    %mul3A_1679 = arith.constant 6.000000e+00 : f32
    %mul3A_1680 = vector.broadcast %mul3A_1679 : f32 to vector<256xf32>
    %mul3A_1681 = arith.mulf %mul3A_1680, %log3A_1678 : vector<256xf32>
    %add3A_1682 = arith.addf %add3A_1661, %mul3A_1681 : vector<256xf32>
    %mul3A_1683 = arith.mulf %transpose3A_53, %transpose3A_77 : vector<128x256xf32>
    %reduce_sum3A_1684 = arith.constant dense<0.000000e+00> : vector<256xf32>
    %reduce_sum3A_1685 = vector.multi_reduction <add>, %mul3A_1683, %reduce_sum3A_1684 [0] : vector<128x256xf32> to vector<256xf32>
    %neg3A_1686 = arith.constant 0.000000e+00 : f32
    %neg3A_1687 = vector.broadcast %neg3A_1686 : f32 to vector<256xf32>
    %neg3A_1688 = arith.subf %neg3A_1687, %reduce_sum3A_1685 : vector<256xf32>
    %neg3A_1689 = arith.constant 0.000000e+00 : f32
    %neg3A_1690 = vector.broadcast %neg3A_1689 : f32 to vector<256xf32>
    %neg3A_1691 = arith.subf %neg3A_1690, %neg3A_1688 : vector<256xf32>
    %exp3A_1692 = math.exp %neg3A_1691 : vector<256xf32>
    %add3A_1693 = arith.constant 1.000000e+00 : f32
    %add3A_1694 = vector.broadcast %add3A_1693 : f32 to vector<256xf32>
    %add3A_1695 = arith.addf %add3A_1694, %exp3A_1692 : vector<256xf32>
    %div3A_1696 = arith.constant 1.000000e+00 : f32
    %div3A_1697 = vector.broadcast %div3A_1696 : f32 to vector<256xf32>
    %div3A_1698 = arith.divf %div3A_1697, %add3A_1695 : vector<256xf32>
    %log3A_1699 = math.log %div3A_1698 : vector<256xf32>
    %mul3A_1700 = arith.constant 6.000000e+00 : f32
    %mul3A_1701 = vector.broadcast %mul3A_1700 : f32 to vector<256xf32>
    %mul3A_1702 = arith.mulf %mul3A_1701, %log3A_1699 : vector<256xf32>
    %add3A_1703 = arith.addf %add3A_1682, %mul3A_1702 : vector<256xf32>
    %mul3A_1704 = arith.mulf %transpose3A_53, %transpose3A_83 : vector<128x256xf32>
    %reduce_sum3A_1705 = arith.constant dense<0.000000e+00> : vector<256xf32>
    %reduce_sum3A_1706 = vector.multi_reduction <add>, %mul3A_1704, %reduce_sum3A_1705 [0] : vector<128x256xf32> to vector<256xf32>
    %neg3A_1707 = arith.constant 0.000000e+00 : f32
    %neg3A_1708 = vector.broadcast %neg3A_1707 : f32 to vector<256xf32>
    %neg3A_1709 = arith.subf %neg3A_1708, %reduce_sum3A_1706 : vector<256xf32>
    %neg3A_1710 = arith.constant 0.000000e+00 : f32
    %neg3A_1711 = vector.broadcast %neg3A_1710 : f32 to vector<256xf32>
    %neg3A_1712 = arith.subf %neg3A_1711, %neg3A_1709 : vector<256xf32>
    %exp3A_1713 = math.exp %neg3A_1712 : vector<256xf32>
    %add3A_1714 = arith.constant 1.000000e+00 : f32
    %add3A_1715 = vector.broadcast %add3A_1714 : f32 to vector<256xf32>
    %add3A_1716 = arith.addf %add3A_1715, %exp3A_1713 : vector<256xf32>
    %div3A_1717 = arith.constant 1.000000e+00 : f32
    %div3A_1718 = vector.broadcast %div3A_1717 : f32 to vector<256xf32>
    %div3A_1719 = arith.divf %div3A_1718, %add3A_1716 : vector<256xf32>
    %log3A_1720 = math.log %div3A_1719 : vector<256xf32>
    %mul3A_1721 = arith.constant 6.000000e+00 : f32
    %mul3A_1722 = vector.broadcast %mul3A_1721 : f32 to vector<256xf32>
    %mul3A_1723 = arith.mulf %mul3A_1722, %log3A_1720 : vector<256xf32>
    %add3A_1724 = arith.addf %add3A_1703, %mul3A_1723 : vector<256xf32>
    %get3A_1725 = arith.constant 0 : index
    %get3A_1726 = arith.constant 0 : index
    %get3A_1727 = vector.load %arg3[%get3A_1725, %get3A_1726] : memref<1x256xf32, #tpu.memory_space<vmem>>, vector<1x256xf32>
    %broadcast_in_dim3A_1728 = vector.shape_cast %add3A_1724 : vector<256xf32> to vector<1x256xf32>
    %mul3A_1729 = arith.constant -2.44140625E-4 : f32
    %mul3A_1730 = vector.broadcast %mul3A_1729 : f32 to vector<1x256xf32>
    %mul3A_1731 = arith.mulf %broadcast_in_dim3A_1728, %mul3A_1730 : vector<1x256xf32>
    %add3A_1732 = arith.addf %get3A_1727, %mul3A_1731 : vector<1x256xf32>
    %swap3A = arith.constant 0 : index
    %swap3A_1733 = arith.constant 0 : index
    %swap3A_1734 = vector.load %arg3[%swap3A, %swap3A_1733] : memref<1x256xf32, #tpu.memory_space<vmem>>, vector<1x256xf32>
    tpu.vector_store %arg3[%swap3A, %swap3A_1733], %add3A_1732 {strides = array<i32>} : memref<1x256xf32, #tpu.memory_space<vmem>>, vector<1x256xf32>,
    %eq3A_1735 = arith.constant 15 : i32
    %eq3A_1736 = arith.cmpi eq, %arg0, %eq3A_1735 : i32
    %convert_element_type3A_1737 = arith.extui %eq3A_1736 : i1 to i32
    %cond3A_1738 = arith.constant 0 : i32
    %cond3A_1739 = arith.cmpi ne, %convert_element_type3A_1737, %cond3A_1738 : i32
    scf.if %cond3A_1739 {
      %get3A_1740 = arith.constant 0 : index
      %get3A_1741 = arith.constant 0 : index
      %get3A_1742 = vector.load %arg3[%get3A_1740, %get3A_1741] : memref<1x256xf32, #tpu.memory_space<vmem>>, vector<1x256xf32>
      %reduce_sum3A_1743 = vector.shape_cast %get3A_1742 : vector<1x256xf32> to vector<1x1x256xf32>
      %reduce_sum3A_1744 = arith.constant dense<0.000000e+00> : vector<1xf32>
      %reduce_sum3A_1745 = vector.multi_reduction <add>, %reduce_sum3A_1743, %reduce_sum3A_1744 [1, 2] : vector<1x1x256xf32> to vector<1xf32>
      %reduce_sum3A_1746 = vector.shape_cast %reduce_sum3A_1745 : vector<1xf32> to vector<1x1x1xf32>
      %reduce_sum3A_1747 = vector.extract %reduce_sum3A_1746[0, 0, 0] : f32 from vector<1x1x1xf32>
      %broadcast_in_dim3A_1748 = vector.broadcast %reduce_sum3A_1747 : f32 to vector<1x256xf32>
      %swap3A_1749 = arith.constant 0 : index
      %swap3A_1750 = arith.constant 0 : index
      %swap3A_1751 = vector.load %arg3[%swap3A_1749, %swap3A_1750] : memref<1x256xf32, #tpu.memory_space<vmem>>, vector<1x256xf32>
      tpu.vector_store %arg3[%swap3A_1749, %swap3A_1750], %broadcast_in_dim3A_1748 {strides = array<i32>} : memref<1x256xf32, #tpu.memory_space<vmem>>, vector<1x256xf32>,
    } else {
    }
    return
  }
  func.func @transform_0(%arg0: i32) -> (i32, i32, i32) {
    %c0_i32 = arith.constant 0 : i32
    %c0_i32_0 = arith.constant 0 : i32
    %c0_i32_1 = arith.constant 0 : i32
    return %c0_i32, %arg0, %c0_i32_0 : i32, i32, i32
  }
  func.func @transform_1(%arg0: i32) -> (i32, i32, i32) {
    %c0_i32 = arith.constant 0 : i32
    %c0_i32_0 = arith.constant 0 : i32
    %c0_i32_1 = arith.constant 0 : i32
    return %c0_i32, %arg0, %c0_i32_0 : i32, i32, i32
  }
  func.func @transform_2(%arg0: i32) -> (i32, i32) {
    %c0_i32 = arith.constant 0 : i32
    %c0_i32_0 = arith.constant 0 : i32
    %c0_i32_1 = arith.constant 0 : i32
    return %c0_i32, %c0_i32_0 : i32, i32
  }
}

</mosaic_0001>

<sc_bundles>
// kernel: kernel.4.cloned.1.call-start
scs
__scs_entry_jumppad:
0x0: {  	(pc) =	sbr.rel $0x88, $3  }
0x1: {  	(tag) =	ssettag $0x0;
	lr =	simm.s32 $0x1  }
0x2: {  	[smem:$0x3F9E] =	sst lr;
	_ =	strace $0xD0000000  }
0x3: {  	_ = 	snop  }
0x4: {  	_ = 	snop  }
0x5: {  	_ = 	snop  }
0x6: {  	_ = 	snop  }
0x7: {  	_ = 	snop  }
__scs_overlays_trampoline_lowered:
0x8: {  	[smem:$0x3FAD] =	sst s0  }
0x9: {  	[smem:$0x3FAE] =	sst s1  }
0xa: {  	[smem:$0x3FAF] =	sst s2  }
0xb: {  	[smem:$0x3FB0] =	sst s3  }
0xc: {  	[smem:$0x3FB1] =	sst s4  }
0xd: {  	[smem:$0x3FB2] =	sst s5  }
0xe: {  	[smem:$0x3FB3] =	sst s6  }
0xf: {  	[smem:$0x3FB4] =	sst s7  }
0x10: {  	[smem:$0x3FB5] =	sst s8  }
0x11: {  	[smem:$0x3FB6] =	sst s9;
	s0 =	simm.s32 @!p0 $0x0  }
0x12: {  	s1 =	sld [smem:$0x3F9C];
	s0 =	simm.s32 @p0 $0x1  }
0x13: {  	[smem:$0x3FB7] =	sst s0;
	s0 =	simm.s32 @!p1 $0x0  }
0x14: {  	s2 =	sld [smem:$0x3F9B];
	s0 =	simm.s32 @p1 $0x1  }
0x15: {  	[smem:$0x3FB8] =	sst s0;
	s0 =	simm.s32 @!p2 $0x0  }
0x16: {  	s3 =	sld [smem:$0x3FDB];
	s0 =	simm.s32 @p2 $0x1  }
0x17: {  	s4 =	simm.s32 $0x1BF5;
	[smem:$0x3FBA] =	sst s0  }
0x18: {  	s0 =	sld [smem:$0x3F9D];
	_ =	swait.ge [sflag:s4], $0x0  }
0x19: {  	s7 =	sld [smem:$0x3F9E]  }
0x1a: {  	s8 =	sadd.s32 $0xFFFFE003, lr  }
0x1b: {  	s9 =	sadd.s32 $0xFFFFFEF7, lr;
	s5 =	simm.s32 $0xFFFFFFFF;
	p2 =	slt.u32 s8, $0xFFFFF086  }
0x1c: {  	p1 =	slt.u32 s9, $0xF7A;
	s5 =	simm.s32 @!p2 $0x0  }
0x1d: {  	s5 =	simm.s32 @p1 $0x1;
	p0 =	seq.s32 s7, s2  }
0x1e: {  	s7 =	smul.u32 @!p0 $0xF7A, s2;
	p2 =	seq.s32 @!p0 s5, $0x0  }
0x1f: {  	s9 =	smul.u32 $0xF7A, s1;
	s8 =	simm.s32 @!p0 $0x1BF5;
	p2 =	por !p2, p0  }
0x20: {  	[sflag:s8] =	ssyncset.s32 @!p0 $0xFFFFF086;
	s6 =	sadd.s32 @!p0 s3, s7;
	s7 =	simm.s32 @!p0 $0x108  }
0x21: {  	s3 =	sadd.s32 s3, s9;
	s6 =	sadd.s32 @!p0 $0x88, s6;
	s7 =	simm.s32 @p2 $0x1082  }
0x22: {  	[simem:s7], [sflag:s8] =	dma.local @!p0 [hbm:s6], $0xF7A  }
0x23: {  	s9 =	sor.u32 $0xD0000000, s2;
	s6 =	simm.s32 $0x108;
	_ =	swait.ge @!p0 [sflag:s8], $0x0  }
0x24: {  	s3 =	sadd.s32 $0x88, s3;
	s6 =	simm.s32 @!p1 $0x1082;
	[sflag:s4] =	ssyncset.s32 $0xFFFFF086  }
0x25: {  	[simem:s6], [sflag:s4] =	dma.local [hbm:s3], $0xF7A  }
0x26: {  	[smem:$0x3F9E] =	sst s1;
	(tag) =	ssettag s2;
	_ =	strace s9  }
0x27: {  	s1 =	sld [smem:$0x3FAE]  }
0x28: {  	s2 =	sld [smem:$0x3FAF]  }
0x29: {  	s4 =	sld [smem:$0x3FB1]  }
0x2a: {  	p0 =	seq.s32 s5, $0x0;
	s5 =	sld [smem:$0x3FB2]  }
0x2b: {  	s6 =	sld [smem:$0x3FB3]  }
0x2c: {  	s7 =	sld [smem:$0x3FB4]  }
0x2d: {  	s3 =	simm.s32 $0x108;
	s8 =	sld [smem:$0x3FB5]  }
0x2e: {  	s3 =	simm.s32 @!p0 $0x1082;
	s9 =	sld [smem:$0x3FB6]  }
0x2f: {  	lr =	sadd.s32 s0, s3;
	s0 =	sld [smem:$0x3FAD]  }
0x30: {  	s3 =	sld [smem:$0x3FB0]  }
0x31: {  	[smem:$0x3FB9] =	sst s10  }
0x32: {  	s10 =	sld [smem:$0x3FB7];
	_ =	sdelay $0x3  }
0x33: {  	p0 =	seq.s32 s10, $0x1;
	s10 =	sld [smem:$0x3FB9];
	_ =	sdelay $0x3  }
0x34: {  	[smem:$0x3FB9] =	sst s10  }
0x35: {  	s10 =	sld [smem:$0x3FB8];
	_ =	sdelay $0x3  }
0x36: {  	p1 =	seq.s32 s10, $0x1;
	s10 =	sld [smem:$0x3FB9];
	_ =	sdelay $0x3  }
0x37: {  	[smem:$0x3FB9] =	sst s10  }
0x38: {  	s10 =	sld [smem:$0x3FBA]  }
0x39: {  	_ = 	snop;
	(pc) =	sbr.ind lr, $3  }
0x3a: {  	_ = 	snop  }
0x3b: {  	_ = 	snop  }
0x3c: {  	p2 =	seq.s32 s10, $0x1;
	s10 =	sld [smem:$0x3FB9]  }
0x3d: {  	_ =	shalt  }
0x3e: {  	_ =	shalt  }
0x3f: {  	_ =	shalt  }
0x40: {  	_ =	shalt  }
0x41: {  	_ =	shalt  }
0x42: {  	_ =	shalt  }
0x43: {  	_ =	shalt  }
0x44: {  	_ =	shalt  }
0x45: {  	_ =	shalt  }
0x46: {  	_ =	shalt  }
0x47: {  	_ =	shalt  }
0x48: {  	_ =	shalt  }
0x49: {  	_ =	shalt  }
0x4a: {  	_ =	shalt  }
0x4b: {  	_ =	shalt  }
0x4c: {  	_ =	shalt  }
0x4d: {  	_ =	shalt  }
0x4e: {  	_ =	shalt  }
0x4f: {  	_ =	shalt  }
0x50: {  	_ =	shalt  }
0x51: {  	_ =	shalt  }
0x52: {  	_ =	shalt  }
0x53: {  	_ =	shalt  }
0x54: {  	_ =	shalt  }
0x55: {  	_ =	shalt  }
0x56: {  	_ =	shalt  }
0x57: {  	_ =	shalt  }
0x58: {  	_ =	shalt  }
0x59: {  	_ =	shalt  }
0x5a: {  	_ =	shalt  }
0x5b: {  	_ =	shalt  }
0x5c: {  	_ =	shalt  }
0x5d: {  	_ =	shalt  }
0x5e: {  	_ =	shalt  }
0x5f: {  	_ =	shalt  }
0x60: {  	_ =	shalt  }
0x61: {  	_ =	shalt  }
0x62: {  	_ =	shalt  }
0x63: {  	_ =	shalt  }
0x64: {  	_ =	shalt  }
0x65: {  	_ =	shalt  }
0x66: {  	_ =	shalt  }
0x67: {  	_ =	shalt  }
0x68: {  	_ =	shalt  }
0x69: {  	_ =	shalt  }
0x6a: {  	_ =	shalt  }
0x6b: {  	_ =	shalt  }
0x6c: {  	_ =	shalt  }
0x6d: {  	_ =	shalt  }
0x6e: {  	_ =	shalt  }
0x6f: {  	_ =	shalt  }
0x70: {  	_ =	shalt  }
0x71: {  	_ =	shalt  }
0x72: {  	_ =	shalt  }
0x73: {  	_ =	shalt  }
0x74: {  	_ =	shalt  }
0x75: {  	_ =	shalt  }
0x76: {  	_ =	shalt  }
0x77: {  	_ =	shalt  }
0x78: {  	_ =	shalt  }
0x79: {  	_ =	shalt  }
0x7a: {  	_ =	shalt  }
0x7b: {  	_ =	shalt  }
0x7c: {  	_ =	shalt  }
0x7d: {  	_ =	shalt  }
0x7e: {  	_ =	shalt  }
0x7f: {  	_ =	shalt  }
0x80: {  	_ =	shalt  }
0x81: {  	_ =	shalt  }
0x82: {  	_ =	shalt  }
0x83: {  	_ =	shalt  }
0x84: {  	_ =	shalt  }
0x85: {  	_ =	shalt  }
0x86: {  	_ =	shalt  }
0x87: {  	_ =	shalt  }
.Lfunc_end0:
.L_simem_size_0:
called_computation_lowered:
.L_overlay_start_0:
0x88: {  	s2 =	sld [smem:$0x3FD9]  }
0x89: {  	s3 =	sld [smem:$0x3FFE];
	_ =	sdelay $0x1  }
0x8a: {  	s1 =	srdreg.scid  }
0x8b: {  	s0 =	sand.u32 $0x1, s1  }
0x8c: {  	s17 =	sshll.u32 s0, $0xA;
	s2 =	sadd.s32 s3, s2  }
0x8d: {  	s2 =	sadd.s32 s2, s17  }
0x8e: {  	[smem:$0x3FC5] =	sst s2  }
0x8f: {  	_ = 	snop  }
0x90: {  	s2 =	sld [smem:$0x3FC9]  }
0x91: {  	s18 =	sld [smem:$0x3FC8];
	(tm) =	ssettm $0x1  }
0x92: {  	s4 =	sld [smem:$0x3FFB];
	_ =	sdelay $0x3  }
0x93: {  	_ =	strace s4  }
0x94: {  	s4 =	sld [smem:$0x3FFC];
	_ =	sdelay $0x3  }
0x95: {  	_ =	strace s4  }
0x96: {  	s4 =	sld [smem:$0x3FFD];
	_ =	sdelay $0x3  }
0x97: {  	_ =	strace s4  }
0x98: {  	_ =	strace $0x8FFFFFFF  }
0x99: {  	s19 =	sld [smem:$0x3FDB];
	_ =	sdelay $0x1  }
0x9a: {  	s5 =	simm.s32 $_scs_section_size  }
0x9b: {  	s6 =	simm.s32 $_size__tile_overlayer_lowered;
	s7 =	simm.s32 $_tile_overlayer_lowered  }
0x9c: {  	s22 =	simm.s32 $0x1BFF;
	s21 =	sshll.u32 s7, $0x1;
	s4 =	sadd.s32 s5, s19  }
0x9d: {  	s8 =	simm.s32 $0x0;
	s20 =	sshll.u32 s6, $0x1;
	s6 =	sadd.s32 s21, s4  }
0x9e: {  	[timem:s8], [sflag:s22] =	dma.local [hbm:s6], s20  }
0x9f: {  	_ =	swait.ge [sflag:s22], s20  }
0xa0: {  	s5 =	ssub.s32 $0x0, s20;
	[sflag:s22] =	ssyncset.done $0x0  }
0xa1: {  	[sflag:s22] =	ssyncadd.s32 s5;
	_ =	sdelay $0x1  }
0xa2: {  	s23 =	simm.s32 $0x1B8B  }
0xa3: {  	_ =	swait.ge [sflag:s23], $0x1  }
0xa4: {  	[sflag:s23] =	ssyncset.done $0x0  }
0xa5: {  	s25 =	simm.s32 $0x1B8E;
	s24 =	sld [smem:$0x3FFE];
	[sflag:s23] =	ssyncadd.s32 $0xFFFFFFFF  }
0xa6: {  	s26 =	simm.s32 $execute0_lowered;
	[smem:$0x3FD2] =	sst s25  }
0xa7: {  	s6 =	sshll.u32 s26, $0x1;
	_ =	strace $0x80000046;
	[dreg:$0x1] =	wrdreg $0xFFFFFFFF  }
0xa8: {  	s28 =	simm.s32 $_size_execute0_lowered;
	s4 =	sadd.s32 s4, s6;
	[dreg:$0x0] =	wrdreg $0x0  }
0xa9: {  	s6 =	sshll.u32 s28, $0x1;
	[dreg:$0x2] =	wrdreg s4  }
0xaa: {  	[dreg:$0x3] =	wrdreg s6  }
0xab: {  	[dreg:$0x4] =	wrdreg $0xC0  }
0xac: {  	_ =	task [dreg:s8], $0x5FFFF  }
0xad: {  	[dreg:$0x1] =	wrdreg $0xFFFFFFFF  }
0xae: {  	[dreg:$0x0] =	wrdreg $0x60  }
0xaf: {  	[dreg:$0x2] =	wrdreg s2  }
0xb0: {  	[dreg:$0x3] =	wrdreg s24  }
0xb1: {  	[dreg:$0x4] =	wrdreg s18  }
0xb2: {  	[dreg:$0x5] =	wrdreg $0x9  }
0xb3: {  	_ =	task.clear_ibuf [dreg:s8], $0x6FFFF;
	_ =	strace $0x90000046  }
0xb4: {  	s29 =	simm.s32 $0x9;
	_ =	strace $0x80000048  }
0xb5: {  	_ =	swait.ge [sflag:s29], $0x1  }
0xb6: {  	[sflag:s29] =	ssyncadd.s32 $0xFFFFFFFF  }
0xb7: {  	_ =	strace $0x90000048  }
0xb8: {  	_ =	sfence  }
0xb9: {  	s30 =	sld [smem:$0x0];
	_ =	sdelay $0x2  }
0xba: {  	s31 =	sshll.u32 s1, $0xD;
	s1 =	sshrl.u32 s1, $0x2  }
0xbb: {  	s3 =	sand.u32 $0x4000, s31;
	s1 =	sadd.s32 s1, s30  }
0xbc: {  	s0 =	sor.u32 s3, s0;
	s1 =	sshll.u32 s1, $0x11  }
0xbd: {  	s0 =	sor.u32 s1, s0  }
0xbe: {  	s0 =	sadd.s32 $0x8F2B, s0  }
0xbf: {  	[sflag:s0] =	ssyncadd.remote.s32 $0x1  }
0xc0: {  	_ =	sfence.sel $0xFFFF  }
0xc1: {  	[dreg:$0x0] =	wrdreg $0xFFFFFFFF;
	(pc) =	sbr.abs _section_cstart, $3  }
0xc2: {  	[dreg:$0x1] =	wrdreg $0xFFFFFFFF  }
0xc3: {  	_ =	task.clear_ibuf [dreg:s8], $0x2FFFF;
	_ =	strace $0x9FFFFFFF  }
0xc4: {  	(tm) =	ssettm $0x7FFFFFFF  }
0xc5: {  	_ =	shalt  }
tec
execute0_lowered:
.L_overlay_start_1:
0x0: {  	(tag) =	ssettag $0x1  }
0x1: {  	s0 =	srdreg.scid;
	s1 =	rddreg [dreg:$0x0]  }
0x2: {  	s3 =	stileid.u32;
	s8 =	rddreg [dreg:$0x1];
	s28 =	simm.s32 $0xD00  }
0x3: {  	s29 =	simm.s32 $0x4D00;
	s31 =	simm.s32 $0x8D00;
	s30 =	simm.s32 $0x5  }
0x4: {  	s0 =	sand.u32 $0x1, s0;
	s2 =	sshll.u32 s3, $0x1;
	s4 =	sshrl.u32 s3, $0x2  }
0x5: {  	s3 =	rddreg [dreg:$0x2];
	s13 =	sadd.s32 $0x53C00, s8;
	s9 =	sadd.s32 $0x3C00, s8  }
0x6: {  	s2 =	sor.u32 s0, s2;
	s6 =	smul.u32 $0x1400, s4;
	s4 =	simm.s32 $0x0  }
0x7: {  	s0 =	ssub.s32 $0x2, s0;
	s5 =	sshll.u32 s2, $0x7;
	[smem:$0x7FF] =	sst s4  }
0x8: {  	s14 =	sshrl.u32 s0, $0x1;
	s15 =	sshll.u32 s2, $0xB;
	s2 =	simm.s32 $0x3  }
0x9: {  	s7 =	sand.u32 $0x380, s5;
	_ =	strace $0x80000047;
	s1 =	sadd.s32 s1, s5  }
0xa: {  	s0 =	ssub.s32 s0, s14;
	s17 =	sor.u32 $0x10000, s15;
	s19 =	sor.u32 $0x20000, s15  }
0xb: {  	s20 =	sor.u32 $0x30000, s15;
	[dreg:$0x4] =	wrdreg s1;
	s1 =	sadd.s32 $0x1000, s1  }
0xc: {  	s22 =	sor.u32 $0x40000, s15;
	s18 =	sadd.s32 s13, s17;
	[dreg:$0x5] =	wrdreg s1  }
0xd: {  	s6 =	sor.u32 s6, s7;
	s10 =	sadd.s32 s13, s19;
	[dreg:$0x7] =	wrdreg s18  }
0xe: {  	s21 =	sadd.s32 s13, s20;
	s7 =	sadd.s32 s13, s22;
	[dreg:$0x8] =	wrdreg s10  }
0xf: {  	s19 =	sadd.s32 s9, s19;
	s20 =	sadd.s32 s9, s20;
	[dreg:$0x9] =	wrdreg s21  }
0x10: {  	s6 =	sshrl.u32 s6, $0x3;
	[dreg:$0xa] =	wrdreg s7;
	s1 =	sadd.s32 s9, s15  }
0x11: {  	s18 =	sadd.s32 s9, s17;
	s21 =	sadd.s32 s9, s22;
	s6 =	sadd.s32 s6, s8  }
0x12: {  	s8 =	sadd.s32 s13, s15;
	[dreg:$0xf] =	wrdreg s1;
	s16 =	sadd.s32 $0x3200, s6  }
0x13: {  	s22 =	smax.u32 s0, $0x1;
	s23 =	sadd.s32 $0x50000, s8;
	[dreg:$0x6] =	wrdreg s16  }
0x14: {  	s0 =	simm.s32 $0x4;
	s24 =	sadd.s32 $0x60000, s8;
	[dreg:$0xb] =	wrdreg s23  }
0x15: {  	s7 =	simm.s32 $0x0;
	s25 =	sadd.s32 $0x70000, s8;
	[dreg:$0xc] =	wrdreg s24  }
0x16: {  	s1 =	simm.s32 $0x1;
	s26 =	sadd.s32 $0x80000, s8;
	[dreg:$0xd] =	wrdreg s25  }
0x17: {  	s6 =	simm.s32 $0x6;
	[dreg:$0xe] =	wrdreg s26;
	s23 =	simm.s32 $0x400  }
0x18: {  	v0 =	vimm.s32 $0x0;
	s24 =	simm.s32 $0x7;
	s25 =	simm.s32 $0x80;
	s26 =	simm.s32 $0x2  }
.LBB2_1:
0x19: {  	s5 =	rddreg [dreg:$0x4]  }
0x1a: {  	[tilespmem:s4], [sflag:$0x7] =	stream.linear.gather [hbm4b:s5+s4], $0x400, $0x38;
	[tilespmem:$0x19400] =	vst v63  }
0x1b: {  	s15 =	rddreg [dreg:$0x5]  }
0x1c: {  	[tilespmem:s23], [sflag:$0x7] =	stream.linear.gather [hbm4b:s15+s4], $0x80, $0x38;
	[tilespmem:$0x19400] =	vst v63  }
0x1d: {  	_ =	swait.ge [sflag:s24], $0x480  }
0x1e: {  	[sflag:s24] =	ssyncset.done $0x0  }
0x1f: {  	s9 =	simm.s32 $0x800;
	s16 =	rddreg [dreg:$0x6];
	[sflag:s24] =	ssyncadd.s32 $0xFFFFFB80  }
0x20: {  	[tilespmem:s9], [sflag:$0x7] =	stream.strided.gather [hbm4b:s16+s25], $0x280, s23, s25, $0x38;
	[tilespmem:$0x19400] =	vst v63  }
0x21: {  	_ =	swait.ge [sflag:s24], $0x280  }
0x22: {  	[sflag:s24] =	ssyncset.done $0x0  }
0x23: {  	[sflag:s24] =	ssyncadd.s32 $0xFFFFFD80  }
0x24: {  	s17 =	rddreg [dreg:$0x1]  }
0x25: {  	[tilespmem:s28], [sflag:$0x7] =	stream.linear.gather [hbm4b:s17+s4], $0x18700, $0x38;
	[tilespmem:$0x19400] =	vst v63  }
0x26: {  	_ =	swait.ge [sflag:s24], $0x18700  }
0x27: {  	[sflag:s24] =	ssyncset.done $0x0  }
0x28: {  	s9 =	simm.s32 $0x0;
	[sflag:s24] =	ssyncadd.s32 $0xFFFE7900  }
.LBB2_2:
0x29: {  	v1 =	vimm.s32 $0x0;
	v16 =	vimm.s32 $0x186A0  }
0x2a: {  	v29 =	vadd.s32 v1, v16  }
0x2b: {  	v34 =	vand.u32 $0x1, v29  }
0x2c: {  	v33 =	vshrl.u32 v29, $0x1F;
	vm3 =	vlt.s32 v29, $0x1;
	vm1 =	veq.s32 v34, $0x1  }
0x2d: {  	v2 =	vadd.s32 v33, v29;
	vm2 =	vmand vm3, vm1  }
0x2e: {  	v32 =	vshra.s32 v2, $0x1;
	v28 =	vsel vm2, $0xFFFFFFFF, v0  }
0x2f: {  	v24 =	vadd.s32 v28, v32  }
0x30: {  	s10 =	sshll.u32 s9, $0x7  }
0x31: {  	v17 =	vld [tilespmem:s10+$0x870]  }
0x32: {  	v4 =	vld [tilespmem:s10+$0x800]  }
0x33: {  	v3 =	vld [tilespmem:s10+$0x810]  }
0x34: {  	v2 =	vld.idx.msk [tilespmem:v24+s28+$0x0], $0xffff  }
0x35: {  	v12 =	vimm.s32 $0x0;
	v11 =	vimm.s32 $0x0;
	v6 =	vld [tilespmem:s10+$0x820]  }
0x36: {  	v8 =	vimm.s32 $0x0;
	v20 =	vimm.s32 $0x186A0;
	v21 =	vimm.s32 $0x186A0;
	v9 =	vld [tilespmem:s10+$0x830]  }
0x37: {  	v22 =	vimm.s32 $0x186A0;
	v15 =	vimm.s32 $0x0;
	v23 =	vimm.s32 $0x186A0;
	v35 =	vld.idx.msk [tilespmem:v24+s28+$0x0], $0xffff  }
0x38: {  	v14 =	vimm.s32 $0x0;
	s17 =	simm.s32 $0x10;
	v25 =	vimm.s32 $0x186A0;
	v13 =	vimm.s32 $0x0;
	v10 =	vld [tilespmem:s10+$0x840];
	s16 =	sor.u32 $0x10, s10  }
0x39: {  	v26 =	vimm.s32 $0x186A0;
	s14 =	sor.u32 $0x20, s10;
	v5 =	vld [tilespmem:s10+$0x850];
	s15 =	sor.u32 $0x30, s10;
	s5 =	sor.u32 $0x40, s10;
	v36 =	vmovc v29;
	v31 =	vmovc v29;
	vm4 =	vmmov vm3;
	vm0 =	vlt.f32 v2, v17  }
0x3a: {  	s12 =	sor.u32 $0x50, s10;
	v7 =	vld [tilespmem:s10+$0x860];
	s13 =	sor.u32 $0x60, s10;
	s11 =	sor.u32 $0x70, s10;
	v30 =	vmovc v29;
	v18 =	vadd.s32 $0x1, v24;
	v27 =	vmovc v24;
	v2 =	vimm.s32 $0x0;
	v19 =	vsel vm0, v16, v24  }
.LBB2_3:
0x3b: {  	p0 =	sne.s32 s17, $0x1;
	s17 =	sadd.s32 $0xFFFFFFFF, s17;
	v37 =	vshrl.u32 v29, $0x1F;
	v33 =	vadd.s32 v33, v36;
	v1 =	vsel vm0, v18, v1  }
0x3c: {  	vm0 =	veq.s32 v34, $0x1;
	vm5 =	vlt.f32 v35, v9;
	v18 =	vadd.s32 v1, v19  }
0x3d: {  	v36 =	vshrl.u32 v31, $0x1F;
	v34 =	vshrl.u32 v18, $0x1F;
	v35 =	vand.u32 $0x1, v18  }
0x3e: {  	vm6 =	vlt.s32 v18, $0x1;
	vm7 =	veq.s32 v35, $0x1;
	v35 =	vadd.s32 v37, v29  }
0x3f: {  	vm0 =	vmand vm3, vm0;
	v18 =	vadd.s32 v34, v18;
	vm6 =	vmand vm6, vm7;
	v34 =	vld.idx.msk [tilespmem:v24+s28+$0x0], $0xffff  }
0x40: {  	vm3 =	vlt.s32 v29, $0x1;
	v18 =	vshra.s32 v18, $0x1;
	v37 =	vsel vm6, $0xFFFFFFFF, v0  }
0x41: {  	v28 =	vadd.s32 v28, v32;
	v37 =	vadd.s32 v37, v18;
	v18 =	vand.u32 $0x1, v29  }
0x42: {  	v32 =	vshra.s32 v35, $0x1;
	v29 =	vadd.s32 $0x1, v27;
	vm6 =	veq.s32 v18, $0x1  }
0x43: {  	v12 =	vsel vm5, v29, v12;
	v18 =	vshra.s32 v33, $0x1;
	vm3 =	vmand vm3, vm6  }
0x44: {  	v16 =	vsel vm5, v16, v27;
	v27 =	vadd.s32 $0x1, v24;
	v29 =	vadd.s32 v36, v31  }
0x45: {  	v33 =	vsel vm0, $0xFFFFFFFF, v0;
	v31 =	vadd.s32 v12, v16;
	vm0 =	vlt.f32 v34, v10  }
0x46: {  	v36 =	vsel vm2, $0xFFFFFFFF, v0;
	v34 =	vshrl.u32 v31, $0x1F;
	vm5 =	vlt.s32 v31, $0x1;
	v35 =	vld.idx.msk [tilespmem:v28+s28+$0x0], $0xffff  }
0x47: {  	v39 =	vshrl.u32 v30, $0x1F;
	v34 =	vadd.s32 v34, v31;
	v31 =	vand.u32 $0x1, v31;
	v38 =	vld.idx.msk [tilespmem:v37+s28+$0x0], $0xffff  }
0x48: {  	v30 =	vadd.s32 v39, v30;
	vm2 =	veq.s32 v31, $0x1;
	v31 =	vadd.s32 v36, v18  }
0x49: {  	vm1 =	vmand vm4, vm1;
	v18 =	vshra.s32 v29, $0x1;
	vm2 =	vmand vm5, vm2  }
0x4a: {  	v29 =	vadd.s32 v33, v18;
	v18 =	vshra.s32 v30, $0x1;
	v30 =	vsel vm1, $0xFFFFFFFF, v0  }
0x4b: {  	v11 =	vsel vm0, v27, v11;
	v27 =	vsel vm3, $0xFFFFFFFF, v0;
	v30 =	vadd.s32 v30, v18  }
0x4c: {  	v33 =	vadd.s32 $0x1, v28;
	v18 =	vadd.s32 $0x1, v37;
	vm1 =	vlt.f32 v35, v6  }
0x4d: {  	v32 =	vadd.s32 v27, v32;
	v35 =	vsel vm2, $0xFFFFFFFF, v0;
	v8 =	vsel vm1, v33, v8;
	v27 =	vld.idx.msk [tilespmem:v31+s28+$0x0], $0xffff  }
0x4e: {  	v21 =	vsel vm0, v21, v24;
	v33 =	vshra.s32 v34, $0x1;
	v20 =	vsel vm1, v20, v28  }
0x4f: {  	v24 =	vadd.s32 v11, v21;
	v36 =	vadd.s32 $0x1, v31;
	v34 =	vadd.s32 $0x1, v29;
	v28 =	vld.idx.msk [tilespmem:v29+s28+$0x0], $0xffff  }
0x50: {  	v40 =	vadd.s32 $0x1, v30;
	v39 =	vadd.s32 v8, v20  }
0x51: {  	v42 =	vand.u32 $0x1, v24;
	v41 =	vand.u32 $0x1, v39;
	v43 =	vld.idx.msk [tilespmem:v30+s28+$0x0], $0xffff  }
0x52: {  	vm1 =	veq.s32 v42, $0x1;
	vm0 =	veq.s32 v41, $0x1;
	v41 =	vadd.s32 $0x1, v32  }
0x53: {  	vm2 =	vlt.s32 v24, $0x1;
	vm3 =	vlt.s32 v39, $0x1;
	vm4 =	vlt.f32 v27, v7  }
0x54: {  	vm0 =	vmand vm3, vm0;
	v2 =	vsel vm4, v36, v2;
	v22 =	vsel vm4, v22, v31;
	v42 =	vld.idx.msk [tilespmem:v32+s28+$0x0], $0xffff  }
0x55: {  	v27 =	vadd.s32 v35, v33;
	v33 =	vshrl.u32 v24, $0x1F;
	vm3 =	vlt.f32 v28, v4  }
0x56: {  	v28 =	vsel vm0, $0xFFFFFFFF, v0;
	v15 =	vsel vm3, v34, v15;
	v23 =	vsel vm3, v23, v29  }
0x57: {  	vm0 =	vlt.f32 v38, v17;
	v29 =	vshrl.u32 v39, $0x1F;
	vm3 =	vlt.f32 v43, v3  }
0x58: {  	v31 =	vadd.s32 v15, v23;
	v14 =	vsel vm3, v40, v14;
	v25 =	vsel vm3, v25, v30  }
0x59: {  	v36 =	vadd.s32 v2, v22;
	v19 =	vsel vm0, v19, v37;
	vm3 =	vlt.s32 v31, $0x1  }
0x5a: {  	v29 =	vadd.s32 v29, v39;
	v30 =	vadd.s32 v14, v25;
	vm4 =	vlt.f32 v42, v5  }
0x5b: {  	v24 =	vadd.s32 v33, v24;
	v37 =	vand.u32 $0x1, v36;
	v13 =	vsel vm4, v41, v13;
	v35 =	vld.idx.msk [tilespmem:v27+s28+$0x0], $0xffff  }
.Ltmp0:
0x5c: {  	vm1 =	vmand vm2, vm1;
	v24 =	vshra.s32 v24, $0x1;
	v26 =	vsel vm4, v26, v32;
	(pc) =	sbr.rel @p0 .LBB2_3-.Ltmp0, $4  }
0x5d: {  	v38 =	vsel vm1, $0xFFFFFFFF, v0;
	v33 =	vshrl.u32 v36, $0x1F;
	v34 =	vand.u32 $0x1, v31  }
0x5e: {  	vm2 =	veq.s32 v37, $0x1;
	v39 =	vand.u32 $0x1, v30;
	v32 =	vshra.s32 v29, $0x1  }
0x5f: {  	vm5 =	vlt.s32 v36, $0x1;
	vm4 =	vlt.s32 v30, $0x1;
	v29 =	vadd.s32 v13, v26  }
0x60: {  	v24 =	vadd.s32 v38, v24;
	vm2 =	vmand vm5, vm2;
	vm1 =	veq.s32 v39, $0x1  }
0x61: {  	vm5 =	veq.s32 v34, $0x1  }
0x62: {  	v17 =	vshrl.u32 v31, $0x1F;
	v19 =	vadd.s32 v28, v32;
	v21 =	vshrl.u32 v30, $0x1F  }
0x63: {  	vm1 =	vmand vm4, vm1;
	vm3 =	vmand vm3, vm5;
	v17 =	vadd.s32 v17, v31  }
0x64: {  	v21 =	vadd.s32 v21, v30;
	v20 =	vsel vm3, $0xFFFFFFFF, v0;
	v17 =	vshra.s32 v17, $0x1  }
0x65: {  	v49 =	vsel vm1, $0xFFFFFFFF, v0;
	v48 =	vshra.s32 v21, $0x1;
	v17 =	vadd.s32 v20, v17  }
0x66: {  	v23 =	vand.u32 $0x1, v29;
	v20 =	vadd.s32 v49, v48  }
0x67: {  	v16 =	vshrl.u32 v29, $0x1F;
	vm11 =	vlt.s32 v29, $0x1;
	vm12 =	veq.s32 v23, $0x1  }
0x68: {  	v16 =	vadd.s32 v16, v29;
	vm1 =	vmand vm11, vm12  }
0x69: {  	v22 =	vadd.s32 v33, v36;
	v16 =	vshra.s32 v16, $0x1;
	v52 =	vsel vm1, $0xFFFFFFFF, v0;
	v25 =	vld.idx.msk [tilespmem:v19+s28+$0x0], $0xffff  }
0x6a: {  	v51 =	vsel vm2, $0xFFFFFFFF, v0;
	v22 =	vshra.s32 v22, $0x1;
	v16 =	vadd.s32 v52, v16;
	v53 =	vld.idx.msk [tilespmem:v17+s28+$0x0], $0xffff  }
0x6b: {  	vm13 =	vlt.f32 v35, v9;
	v54 =	vadd.s32 $0x1, v27;
	v22 =	vadd.s32 v51, v22;
	v26 =	vld.idx.msk [tilespmem:v20+s28+$0x0], $0xffff  }
0x6c: {  	v50 =	vld.idx.msk [tilespmem:v24+s28+$0x0], $0xffff;
	v9 =	vsel vm13, v54, v12  }
0x6d: {  	v55 =	vadd.s32 $0x1, v24;
	vm11 =	vlt.s32 v9, $0x1869F  }
0x6e: {  	v56 =	vadd.s32 $0x1, v19;
	v63 =	vnsel vm11, $0x1869F, v9;
	v58 =	vadd.s32 $0x1, v17  }
0x6f: {  	v60 =	vadd.s32 $0x1, v20;
	v59 =	vld.idx.msk [tilespmem:v16+s28+$0x0], $0xffff;
	vm15 =	vlt.f32 v25, v6;
	vm4 =	vlt.f32 v53, v4  }
0x70: {  	v57 =	vld.idx.msk [tilespmem:v22+s28+$0x0], $0xffff;
	v6 =	vsel vm15, v56, v8;
	vm5 =	vlt.f32 v26, v3;
	v8 =	vsel vm4, v58, v15  }
0x71: {  	vm14 =	vlt.f32 v50, v10;
	v4 =	vsel vm5, v60, v14;
	vm6 =	vlt.s32 v8, $0x1869F  }
0x72: {  	v61 =	vadd.s32 $0x1, v16;
	vm7 =	vlt.s32 v4, $0x1869F;
	v8 =	vnsel vm6, $0x1869F, v8  }
0x73: {  	v10 =	vsel vm14, v55, v11;
	vm9 =	vlt.s32 v6, $0x1869F;
	v4 =	vnsel vm7, $0x1869F, v4;
	[tilespmem:s10+$0xA80] =	vst v8  }
0x74: {  	s9 =	sadd.s32 $0x1, s9;
	vm12 =	vlt.s32 v10, $0x1869F;
	v62 =	vnsel vm9, $0x1869F, v6;
	vm10 =	vlt.f32 v59, v5;
	[tilespmem:s16+$0xA80] =	vst v4  }
0x75: {  	p0 =	sne.s32 s9, $0x5;
	vm8 =	vlt.f32 v57, v7;
	v3 =	vadd.s32 $0x1, v22;
	v5 =	vsel vm10, v61, v13;
	[tilespmem:s14+$0xA80] =	vst v62  }
.Ltmp1:
0x76: {  	v2 =	vsel vm8, v3, v2;
	v3 =	vnsel vm12, $0x1869F, v10;
	vm13 =	vlt.s32 v5, $0x1869F;
	[tilespmem:s15+$0xA80] =	vst v63;
	(pc) =	sbr.rel @p0 .LBB2_2-.Ltmp1, $4  }
0x77: {  	v1 =	vsel vm0, v18, v1;
	vm14 =	vlt.s32 v2, $0x1869F;
	[tilespmem:s5+$0xA80] =	vst v3;
	v3 =	vnsel vm13, $0x1869F, v5  }
0x78: {  	vm15 =	vlt.s32 v1, $0x1869F;
	v2 =	vnsel vm14, $0x1869F, v2;
	[tilespmem:s12+$0xA80] =	vst v3  }
0x79: {  	v1 =	vnsel vm15, $0x1869F, v1;
	[tilespmem:s13+$0xA80] =	vst v2  }
0x7a: {  	[tilespmem:s11+$0xA80] =	vst v1  }
0x7b: {  	[tilespmem:s28], [sflag:$0x1] =	stream.indirect.gather [hbm4b:s3+s25], $0x80, s4, s25, $0xb8;
	[tilespmem:$0x19400] =	vst v63  }
0x7c: {  	_ = 	snop  }
0x7d: {  	[tilespmem:s29], [sflag:$0x2] =	stream.indirect.gather [hbm4b:s3+s25], $0x80, s25, s25, $0xb8;
	[tilespmem:$0x19400] =	vst v63  }
0x7e: {  	s5 =	simm.s32 $0x100  }
0x7f: {  	[tilespmem:s31], [sflag:$0x3] =	stream.indirect.gather [hbm4b:s3+s25], $0x80, s5, s25, $0xb8;
	[tilespmem:$0x19400] =	vst v63  }
0x80: {  	_ =	swait.ge [sflag:s1], $0x4000  }
0x81: {  	[sflag:s1] =	ssyncset.done $0x0  }
0x82: {  	[sflag:s1] =	ssyncadd.s32 $0xFFFFC000  }
0x83: {  	[hbm4b:s8+s4] =	stream.linear.scatter [tilespmem:s28], [sflag:$0x4], $0x4000, $0x38;
	[tilespmem:$0x19400] =	vst v63  }
0x84: {  	_ =	swait.ge [sflag:s0], $0x4000  }
0x85: {  	[sflag:s0] =	ssyncset.done $0x0  }
0x86: {  	s17 =	simm.s32 $0x180;
	[sflag:s0] =	ssyncadd.s32 $0xFFFFC000  }
0x87: {  	[tilespmem:s28], [sflag:$0x1] =	stream.indirect.gather [hbm4b:s3+s25], $0x80, s17, s25, $0xb8;
	[tilespmem:$0x19400] =	vst v63  }
0x88: {  	_ =	swait.ge [sflag:s26], $0x4000  }
0x89: {  	[sflag:s26] =	ssyncset.done $0x0  }
0x8a: {  	s9 =	rddreg [dreg:$0x7];
	[sflag:s26] =	ssyncadd.s32 $0xFFFFC000  }
0x8b: {  	[hbm4b:s9+s4] =	stream.linear.scatter [tilespmem:s29], [sflag:$0x5], $0x4000, $0x38;
	[tilespmem:$0x19400] =	vst v63  }
0x8c: {  	_ =	swait.ge [sflag:s30], $0x4000  }
0x8d: {  	[sflag:s30] =	ssyncset.done $0x0  }
0x8e: {  	s10 =	simm.s32 $0x200;
	[sflag:s30] =	ssyncadd.s32 $0xFFFFC000  }
0x8f: {  	[tilespmem:s29], [sflag:$0x2] =	stream.indirect.gather [hbm4b:s3+s25], $0x80, s10, s25, $0xb8;
	[tilespmem:$0x19400] =	vst v63  }
0x90: {  	_ =	swait.ge [sflag:s2], $0x4000  }
0x91: {  	[sflag:s2] =	ssyncset.done $0x0  }
0x92: {  	s11 =	rddreg [dreg:$0x8];
	[sflag:s2] =	ssyncadd.s32 $0xFFFFC000  }
0x93: {  	[hbm4b:s11+s4] =	stream.linear.scatter [tilespmem:s31], [sflag:$0x6], $0x4000, $0x38;
	[tilespmem:$0x19400] =	vst v63  }
0x94: {  	_ =	swait.ge [sflag:s6], $0x4000  }
0x95: {  	[sflag:s6] =	ssyncset.done $0x0  }
0x96: {  	s12 =	simm.s32 $0x280;
	[sflag:s6] =	ssyncadd.s32 $0xFFFFC000  }
0x97: {  	[tilespmem:s31], [sflag:$0x3] =	stream.indirect.gather [hbm4b:s3+s25], $0x80, s12, s25, $0xb8;
	[tilespmem:$0x19400] =	vst v63  }
0x98: {  	_ =	swait.ge [sflag:s1], $0x4000  }
0x99: {  	[sflag:s1] =	ssyncset.done $0x0  }
0x9a: {  	s13 =	rddreg [dreg:$0x9];
	[sflag:s1] =	ssyncadd.s32 $0xFFFFC000  }
0x9b: {  	[hbm4b:s13+s4] =	stream.linear.scatter [tilespmem:s28], [sflag:$0x4], $0x4000, $0x38;
	[tilespmem:$0x19400] =	vst v63  }
0x9c: {  	_ =	swait.ge [sflag:s0], $0x4000  }
0x9d: {  	[sflag:s0] =	ssyncset.done $0x0  }
0x9e: {  	s14 =	simm.s32 $0x300;
	[sflag:s0] =	ssyncadd.s32 $0xFFFFC000  }
0x9f: {  	[tilespmem:s28], [sflag:$0x1] =	stream.indirect.gather [hbm4b:s3+s25], $0x80, s14, s25, $0xb8;
	[tilespmem:$0x19400] =	vst v63  }
0xa0: {  	_ =	swait.ge [sflag:s26], $0x4000  }
0xa1: {  	[sflag:s26] =	ssyncset.done $0x0  }
0xa2: {  	s15 =	rddreg [dreg:$0xa];
	[sflag:s26] =	ssyncadd.s32 $0xFFFFC000  }
0xa3: {  	[hbm4b:s15+s4] =	stream.linear.scatter [tilespmem:s29], [sflag:$0x5], $0x4000, $0x38;
	[tilespmem:$0x19400] =	vst v63  }
0xa4: {  	_ =	swait.ge [sflag:s30], $0x4000  }
0xa5: {  	[sflag:s30] =	ssyncset.done $0x0  }
0xa6: {  	s16 =	simm.s32 $0x380;
	[sflag:s30] =	ssyncadd.s32 $0xFFFFC000  }
0xa7: {  	[tilespmem:s29], [sflag:$0x2] =	stream.indirect.gather [hbm4b:s3+s25], $0x80, s16, s25, $0xb8;
	[tilespmem:$0x19400] =	vst v63  }
0xa8: {  	_ =	swait.ge [sflag:s2], $0x4000  }
0xa9: {  	[sflag:s2] =	ssyncset.done $0x0  }
0xaa: {  	s17 =	rddreg [dreg:$0xb];
	[sflag:s2] =	ssyncadd.s32 $0xFFFFC000  }
0xab: {  	[hbm4b:s17+s4] =	stream.linear.scatter [tilespmem:s31], [sflag:$0x6], $0x4000, $0x38;
	[tilespmem:$0x19400] =	vst v63  }
0xac: {  	_ =	swait.ge [sflag:s6], $0x4000  }
0xad: {  	[sflag:s6] =	ssyncset.done $0x0  }
0xae: {  	[sflag:s6] =	ssyncadd.s32 $0xFFFFC000  }
0xaf: {  	[tilespmem:s31], [sflag:$0x3] =	stream.indirect.gather [hbm4b:s3+s25], $0x80, s23, s25, $0xb8;
	[tilespmem:$0x19400] =	vst v63  }
0xb0: {  	_ =	swait.ge [sflag:s1], $0x4000  }
0xb1: {  	[sflag:s1] =	ssyncset.done $0x0  }
0xb2: {  	s9 =	rddreg [dreg:$0xc];
	[sflag:s1] =	ssyncadd.s32 $0xFFFFC000  }
0xb3: {  	[hbm4b:s9+s4] =	stream.linear.scatter [tilespmem:s28], [sflag:$0x4], $0x4000, $0x38;
	[tilespmem:$0x19400] =	vst v63  }
0xb4: {  	_ =	swait.ge [sflag:s0], $0x4000  }
0xb5: {  	[sflag:s0] =	ssyncset.done $0x0  }
0xb6: {  	s10 =	simm.s32 $0xA80;
	[sflag:s0] =	ssyncadd.s32 $0xFFFFC000  }
0xb7: {  	[tilespmem:s28], [sflag:$0x1] =	stream.indirect.gather [hbm4b:s3+s25], $0x80, s10, s25, $0xb8;
	[tilespmem:$0x19400] =	vst v63  }
0xb8: {  	_ =	swait.ge [sflag:s26], $0x4000  }
0xb9: {  	[sflag:s26] =	ssyncset.done $0x0  }
0xba: {  	s11 =	rddreg [dreg:$0xd];
	[sflag:s26] =	ssyncadd.s32 $0xFFFFC000  }
0xbb: {  	[hbm4b:s11+s4] =	stream.linear.scatter [tilespmem:s29], [sflag:$0x5], $0x4000, $0x38;
	[tilespmem:$0x19400] =	vst v63  }
0xbc: {  	_ =	swait.ge [sflag:s30], $0x4000  }
0xbd: {  	[sflag:s30] =	ssyncset.done $0x0  }
0xbe: {  	s12 =	simm.s32 $0xB00;
	[sflag:s30] =	ssyncadd.s32 $0xFFFFC000  }
0xbf: {  	[tilespmem:s29], [sflag:$0x2] =	stream.indirect.gather [hbm4b:s3+s25], $0x80, s12, s25, $0xb8;
	[tilespmem:$0x19400] =	vst v63  }
0xc0: {  	_ =	swait.ge [sflag:s2], $0x4000  }
0xc1: {  	[sflag:s2] =	ssyncset.done $0x0  }
0xc2: {  	s13 =	rddreg [dreg:$0xe];
	[sflag:s2] =	ssyncadd.s32 $0xFFFFC000  }
0xc3: {  	[hbm4b:s13+s4] =	stream.linear.scatter [tilespmem:s31], [sflag:$0x6], $0x4000, $0x38;
	[tilespmem:$0x19400] =	vst v63  }
0xc4: {  	_ =	swait.ge [sflag:s6], $0x4000  }
0xc5: {  	[sflag:s6] =	ssyncset.done $0x0  }
0xc6: {  	s14 =	simm.s32 $0xB80;
	[sflag:s6] =	ssyncadd.s32 $0xFFFFC000  }
0xc7: {  	[tilespmem:s31], [sflag:$0x3] =	stream.indirect.gather [hbm4b:s3+s25], $0x80, s14, s25, $0xb8;
	[tilespmem:$0x19400] =	vst v63  }
0xc8: {  	_ =	swait.ge [sflag:s1], $0x4000  }
0xc9: {  	[sflag:s1] =	ssyncset.done $0x0  }
0xca: {  	s15 =	rddreg [dreg:$0xf];
	[sflag:s1] =	ssyncadd.s32 $0xFFFFC000  }
0xcb: {  	[hbm4b:s15+s4] =	stream.linear.scatter [tilespmem:s28], [sflag:$0x4], $0x4000, $0x38;
	[tilespmem:$0x19400] =	vst v63  }
0xcc: {  	_ =	swait.ge [sflag:s0], $0x4000  }
0xcd: {  	[sflag:s0] =	ssyncset.done $0x0  }
0xce: {  	s16 =	simm.s32 $0xC00;
	[sflag:s0] =	ssyncadd.s32 $0xFFFFC000  }
0xcf: {  	[tilespmem:s28], [sflag:$0x1] =	stream.indirect.gather [hbm4b:s3+s25], $0x80, s16, s25, $0xb8;
	[tilespmem:$0x19400] =	vst v63  }
0xd0: {  	_ =	swait.ge [sflag:s26], $0x4000  }
0xd1: {  	[sflag:s26] =	ssyncset.done $0x0  }
0xd2: {  	[sflag:s26] =	ssyncadd.s32 $0xFFFFC000  }
0xd3: {  	[hbm4b:s18+s4] =	stream.linear.scatter [tilespmem:s29], [sflag:$0x5], $0x4000, $0x38;
	[tilespmem:$0x19400] =	vst v63  }
0xd4: {  	_ =	swait.ge [sflag:s30], $0x4000  }
0xd5: {  	[sflag:s30] =	ssyncset.done $0x0  }
0xd6: {  	s17 =	simm.s32 $0xC80;
	[sflag:s30] =	ssyncadd.s32 $0xFFFFC000  }
0xd7: {  	[tilespmem:s29], [sflag:$0x2] =	stream.indirect.gather [hbm4b:s3+s25], $0x80, s17, s25, $0xb8;
	[tilespmem:$0x19400] =	vst v63  }
0xd8: {  	_ =	swait.ge [sflag:s2], $0x4000  }
0xd9: {  	[sflag:s2] =	ssyncset.done $0x0  }
0xda: {  	[sflag:s2] =	ssyncadd.s32 $0xFFFFC000  }
0xdb: {  	[hbm4b:s19+s4] =	stream.linear.scatter [tilespmem:s31], [sflag:$0x6], $0x4000, $0x38;
	[tilespmem:$0x19400] =	vst v63  }
0xdc: {  	_ =	swait.ge [sflag:s1], $0x4000  }
0xdd: {  	[sflag:s1] =	ssyncset.done $0x0  }
0xde: {  	[sflag:s1] =	ssyncadd.s32 $0xFFFFC000  }
0xdf: {  	[hbm4b:s20+s4] =	stream.linear.scatter [tilespmem:s28], [sflag:$0x4], $0x4000, $0x38;
	[tilespmem:$0x19400] =	vst v63  }
0xe0: {  	_ =	swait.ge [sflag:s26], $0x4000  }
0xe1: {  	[sflag:s26] =	ssyncset.done $0x0  }
0xe2: {  	[sflag:s26] =	ssyncadd.s32 $0xFFFFC000  }
0xe3: {  	[hbm4b:s21+s4] =	stream.linear.scatter [tilespmem:s29], [sflag:$0x5], $0x4000, $0x38;
	[tilespmem:$0x19400] =	vst v63  }
0xe4: {  	_ =	swait.ge [sflag:s6], $0x4000  }
0xe5: {  	[sflag:s6] =	ssyncset.done $0x0  }
0xe6: {  	s7 =	sadd.s32 $0x1, s7;
	[sflag:s6] =	ssyncadd.s32 $0xFFFFC000  }
0xe7: {  	p0 =	sne.s32 s7, s22;
	_ =	swait.ge [sflag:s0], $0x4000  }
.Ltmp2:
0xe8: {  	[sflag:s0] =	ssyncset.done $0x0;
	(pc) =	sbr.rel @p0 .LBB2_1-.Ltmp2, $4  }
0xe9: {  	[sflag:s0] =	ssyncadd.s32 $0xFFFFC000  }
0xea: {  	_ =	swait.ge [sflag:s30], $0x4000  }
0xeb: {  	[sflag:s30] =	ssyncset.done $0x0  }
0xec: {  	[sflag:s30] =	ssyncadd.s32 $0xFFFFC000  }
0xed: {  	_ =	sfence.sel $0x180000  }
0xee: {  	[bflag:$0x0] =	sbarrier.arrive $0xFFFF  }
0xef: {  	_ =	strace $0x90000047  }
0xf0: {  	s0 =	stileid.u32;
	[bflag:$0x2] =	sbarrier.arrive $0xFFFF  }
0xf1: {  	p0 =	sne.s32 s0, $0x0;
	s0 =	rddreg [dreg:$0x3]  }
0xf2: {  	s0 =	sadd.s32 @!p0 $0x100000, s0  }
0xf3: {  	[sflag:s0] =	ssyncadd.tile.s32 @!p0 $0x1;
	_ =	shalt  }
.Lfunc_end2:
_tile_overlayer_lowered:
.L_overlay_start_2:
0xf4: {  	(tag) =	ssettag $0x2  }
0xf5: {  	s0 =	rddreg [dreg:$0x0];
	s2 =	stileid.u32  }
0xf6: {  	s1 =	rddreg [dreg:$0x1];
	p0 =	sne.s32 s2, $0x0  }
0xf7: {  	s3 =	rddreg [dreg:$0x2];
	[bflag:$0x3] =	sbarrier.arrive $0xFFFF;
	s2 =	simm.s32 @!p0 $0x1C07  }
0xf8: {  	[timem:s3], [sflag:s2] =	dma.local @!p0 [hbm:s0], s1  }
0xf9: {  	s0 =	simm.s32 @!p0 $0x7  }
0xfa: {  	_ =	swait.ge @!p0 [sflag:s0], s1  }
0xfb: {  	s1 =	ssub.s32 @!p0 $0x0, s1;
	[sflag:s0] =	ssyncset.done @!p0 $0x0  }
0xfc: {  	[sflag:s0] =	ssyncadd.s32 @!p0 s1  }
0xfd: {  	[bflag:$0x3] =	sbarrier.arrive $0xFFFF  }
0xfe: {  	_ =	shalt  }

</sc_bundles>
